<compile_context>
chip_gen: v7x
topology: tpu7x:2x2x1
jax: 0.10.2.dev20260603
libtpu: 0.0.44.dev20260713+nightly
codegen_flags: <defaults>
</compile_context>

<pallas_src>
import jax
import jax.numpy as jnp
from jax import lax
from jax.experimental import pallas as pl
from jax.experimental.pallas import tpu as pltpu
from jax.experimental.pallas import tpu_sc as plsc

NUM_BINS = 256
ROWS = 64
COLS = 1048576
LANES = 16
NUM_CORES = 2
NUM_SUBCORES = 16
NUM_WORKERS = NUM_CORES * NUM_SUBCORES
ROWS_PER_WORKER = ROWS // NUM_WORKERS
CHUNK = 16384
NUM_CHUNKS = COLS // CHUNK


def _hist_body(x_hbm, out_hbm, d0, d1, e0, e1, hist, hrow, tbuf,
               shared, sd0, sd1, sh0, sh1, se0, se1):
    dbufs, dsems = (d0, d1), (sd0, sd1)
    hsems = (sh0, sh1)
    ebufs, esems = (e0, e1), (se0, se1)
    wid = lax.axis_index("s") * NUM_CORES + lax.axis_index("c")
    sid = lax.axis_index("s")
    lane_iota = lax.iota(jnp.int32, LANES)
    ones = jnp.ones((LANES,), jnp.float32)
    zeros = jnp.zeros((LANES,), jnp.float32)

    def dstart(row, c, b):
        pltpu.async_copy(
            x_hbm.at[row, pl.ds(c * CHUNK, CHUNK)], dbufs[b], dsems[b])

    def dwait(row, c, b):
        pltpu.make_async_copy(
            x_hbm.at[row, pl.ds(c * CHUNK, CHUNK)], dbufs[b], dsems[b]).wait()

    def hstart(row, c, h):
        pltpu.async_copy(
            x_hbm.at[row, pl.ds(c * CHUNK, CHUNK)],
            shared.at[sid, h], hsems[h])

    def hwait(row, c, h):
        pltpu.make_async_copy(
            x_hbm.at[row, pl.ds(c * CHUNK, CHUNK)],
            shared.at[sid, h], hsems[h]).wait()

    def estart(h):
        pltpu.async_copy(shared.at[sid, h], ebufs[h], esems[h])

    def ewait(h):
        pltpu.make_async_copy(shared.at[sid, h], ebufs[h], esems[h]).wait()

    def process(buf):
        @plsc.parallel_loop(0, CHUNK, step=LANES, unroll=16)
        def _(i):
            v = buf[pl.ds(i, LANES)]
            b = (v * float(NUM_BINS)).astype(jnp.int32)
            plsc.addupdate_scatter(hist, [b * LANES + lane_iota], ones)

    NPAIR = NUM_CHUNKS // 2
    for r in range(ROWS_PER_WORKER):
        row = wid * ROWS_PER_WORKER + r

        @plsc.parallel_loop(0, LANES * NUM_BINS, step=LANES)
        def _(j):
            hist[pl.ds(j, LANES)] = zeros

        if r == 0:
            dstart(row, 0, 0)
            hstart(row, 1, 0)

        def outer(k2, carry):
            for p in range(2):
                k = k2 * 2 + p
                hwait(row, 2 * k + 1, p)
                estart(p)
                @pl.when(k + 1 < NPAIR)
                def _():
                    dstart(row, 2 * k + 2, (p + 1) % 2)
                    hstart(row, 2 * k + 3, (p + 1) % 2)
                dwait(row, 2 * k, p)
                process(dbufs[p])
                ewait(p)
                process(ebufs[p])
            return carry

        lax.fori_loop(0, NPAIR // 2, outer, 0)

        if r + 1 < ROWS_PER_WORKER:
            dstart(row + 1, 0, 0)
            hstart(row + 1, 1, 0)

        def red_body(g, carry):
            for j in range(LANES):
                plsc.store_scatter(
                    tbuf, [lane_iota * LANES + j],
                    hist[pl.ds(g * (LANES * LANES) + j * LANES, LANES)])
            acc = tbuf[pl.ds(0, LANES)]
            for l in range(1, LANES):
                acc = acc + tbuf[pl.ds(l * LANES, LANES)]
            hrow[pl.ds(g * LANES, LANES)] = acc
            return carry

        lax.fori_loop(0, NUM_BINS // LANES, red_body, 0)
        pltpu.sync_copy(hrow, out_hbm.at[row])


_hist_kernel = pl.kernel(
    _hist_body,
    out_type=jax.ShapeDtypeStruct((ROWS, NUM_BINS), jnp.float32),
    mesh=plsc.VectorSubcoreMesh(
        core_axis_name="c", subcore_axis_name="s",
        num_cores=NUM_CORES, num_subcores=NUM_SUBCORES),
    compiler_params=pltpu.CompilerParams(needs_layout_passes=False),
    scratch_types=[
        pltpu.VMEM((CHUNK,), jnp.float32),
        pltpu.VMEM((CHUNK,), jnp.float32),
        pltpu.VMEM((CHUNK,), jnp.float32),
        pltpu.VMEM((CHUNK,), jnp.float32),
        pltpu.VMEM((LANES * NUM_BINS,), jnp.float32),
        pltpu.VMEM((NUM_BINS,), jnp.float32),
        pltpu.VMEM((LANES * LANES,), jnp.float32),
        pltpu.VMEM_SHARED((NUM_SUBCORES, 2, CHUNK), jnp.float32),
        pltpu.SemaphoreType.DMA,
        pltpu.SemaphoreType.DMA,
        pltpu.SemaphoreType.DMA,
        pltpu.SemaphoreType.DMA,
        pltpu.SemaphoreType.DMA,
        pltpu.SemaphoreType.DMA,
    ],
    name="sc_histogram_split_path",
)


def _loss_body(counts_ref, target_ref, out_ref):
    counts = counts_ref[...]
    p = counts * (1.0 / COLS)
    logp = jnp.log(jnp.where(counts > 0.0, p, 1.0))
    ent = -jnp.sum(p * logp, axis=1, keepdims=True)
    d = ent - target_ref[...]
    out_ref[...] = jnp.reshape(jnp.sum(d * d) * (1.0 / ROWS), (1, 1))


def kernel(output, target):
    counts = _hist_kernel(output)
    loss = pl.pallas_call(
        _loss_body,
        out_shape=jax.ShapeDtypeStruct((1, 1), jnp.float32),
    )(counts, target.reshape(ROWS, 1))
    return loss[0, 0]

# --- scband reference (transcript-rebuilt; emitter-appended) ---
"""Pipeline reference for scband-my-entropy-loss-66408784331217 (READ-ONLY COPY).

The authoritative reference and input builder live on the scoring server;
editing this copy changes nothing except your own understanding.
"""

import jax, jax.numpy as jnp
import numpy as np

NUM_BINS = 256


def setup_inputs(seed: int = 0) -> dict:
    key = jax.random.key(seed)
    k1, k2 = jax.random.split(key)
    output = jax.random.uniform(k1, (64, 1048576), dtype=jnp.float32)
    target = jax.random.uniform(k2, (64,), dtype=jnp.float32)
    return {"output": output, "target": target}


def _row_entropy(row):
    # util.get_histogram: 256-bin histogram over [0, 1)
    vals = jax.lax.stop_gradient(row)
    idx = jnp.clip(jnp.floor(vals * NUM_BINS).astype(jnp.int32), 0, NUM_BINS - 1)
    counts = jnp.zeros((NUM_BINS,), dtype=jnp.float32).at[idx].add(1.0)
    # util.entropy_calculate: Shannon entropy of normalized histogram
    p = counts / row.shape[0]
    logp = jnp.log(jnp.where(p > 0, p, 1.0))
    ent = -jnp.sum(p * logp)
    return ent


def reference(output, target):
    # per-sample histogram entropy, then MSE against target (mean reduction)
    entropy = jax.vmap(_row_entropy)(output)
    loss = jnp.mean((entropy - target) ** 2)
    return loss

if __name__ == "__main__":
    import jax
    _d = setup_inputs()
    print(jax.jit(kernel)(*tuple(_d.values())))

</pallas_src>

<mosaic_0001>
#map = affine_map<(d0, d1) -> (0, 0)>
module attributes {stable_mosaic.version = 14 : i64} {
  func.func @sc_histogram_split_path(%arg0: i32, %arg1: i32, %arg2: memref<64x1048576xf32, #tpu.memory_space<hbm>>, %arg3: memref<64x256xf32, #tpu.memory_space<hbm>>, %arg4: memref<16384xf32, #tpu.memory_space<vmem>>, %arg5: memref<16384xf32, #tpu.memory_space<vmem>>, %arg6: memref<16384xf32, #tpu.memory_space<vmem>>, %arg7: memref<16384xf32, #tpu.memory_space<vmem>>, %arg8: memref<4096xf32, #tpu.memory_space<vmem>>, %arg9: memref<256xf32, #tpu.memory_space<vmem>>, %arg10: memref<256xf32, #tpu.memory_space<vmem>>, %arg11: memref<16x2x16384xf32, #tpu.memory_space<vmem_shared>>, %arg12: memref<!tpu.dma_semaphore, #tpu.memory_space<semaphore_mem>>, %arg13: memref<!tpu.dma_semaphore, #tpu.memory_space<semaphore_mem>>, %arg14: memref<!tpu.dma_semaphore, #tpu.memory_space<semaphore_mem>>, %arg15: memref<!tpu.dma_semaphore, #tpu.memory_space<semaphore_mem>>, %arg16: memref<!tpu.dma_semaphore, #tpu.memory_space<semaphore_mem>>, %arg17: memref<!tpu.dma_semaphore, #tpu.memory_space<semaphore_mem>>) attributes {dimension_semantics = [#tpu.dimension_semantics<core_parallel>, #tpu.dimension_semantics<subcore_parallel>], iteration_bounds = array<i64: 2, 16>, scalar_prefetch = 0 : i64, scratch_operands = 14 : i64, tpu.core_type = #tpu.core_type<sc_vector_subcore>, window_params = [{transform_indices = #map}, {transform_indices = #map}]} {
    %mul3A = arith.constant 2 : i32
    %mul3A_0 = arith.muli %arg1, %mul3A : i32
    %add3A = arith.addi %mul3A_0, %arg0 : i32
    %iota3A = tpu.iota {dimensions = array<i32: 0>} : vector<16xi32>
    %broadcast_in_dim3A = arith.constant 1.000000e+00 : f32
    %broadcast_in_dim3A_1 = vector.broadcast %broadcast_in_dim3A : f32 to vector<16xf32>
    %broadcast_in_dim3A_2 = arith.constant 0.000000e+00 : f32
    %broadcast_in_dim3A_3 = vector.broadcast %broadcast_in_dim3A_2 : f32 to vector<16xf32>
    %mul3A_4 = arith.constant 2 : i32
    %mul3A_5 = arith.muli %add3A, %mul3A_4 : i32
    %add3A_6 = arith.constant 0 : i32
    %add3A_7 = arith.addi %mul3A_5, %add3A_6 : i32
    %parallel_loop3A = arith.constant 0 : i32
    %parallel_loop3A_8 = arith.constant 4096 : i32
    %parallel_loop3A_9 = arith.constant 16 : i32
    scf.for %parallel_loop3A_69 = %parallel_loop3A to %parallel_loop3A_8 step %parallel_loop3A_9  : i32 {
      %parallel_loop3A_70 = arith.index_cast %parallel_loop3A_69 : i32 to index
      %parallel_loop3A_71 = tpu.vector_load %arg8[%parallel_loop3A_70] {strides = array<i32>} : memref<4096xf32, #tpu.memory_space<vmem>>, vector<16xf32>,
      tpu.vector_store %arg8[%parallel_loop3A_70], %broadcast_in_dim3A_3 {strides = array<i32>} : memref<4096xf32, #tpu.memory_space<vmem>>, vector<16xf32>,
    } {sc.loop_unroll_factor = 1 : i64, sc.parallel_access}
    %dma_start3A = arith.constant 0 : i32
    %dma_start3A_10 = tpu.memref_slice %arg2[%add3A_7, %dma_start3A] : memref<64x1048576xf32, #tpu.memory_space<hbm>> -> memref<1x16384xf32, #tpu.memory_space<hbm>>
    %dma_start3A_11 = tpu.memref_squeeze %dma_start3A_10 : memref<1x16384xf32, #tpu.memory_space<hbm>> -> memref<16384xf32, #tpu.memory_space<hbm>>
    %dma_start3A_12 = arith.constant 0 : i32
    %dma_start3A_13 = tpu.memref_slice %arg2[%add3A_7, %dma_start3A_12] : memref<64x1048576xf32, #tpu.memory_space<hbm>> -> memref<1x16384xf32, #tpu.memory_space<hbm>>
    %dma_start3A_14 = tpu.memref_squeeze %dma_start3A_13 : memref<1x16384xf32, #tpu.memory_space<hbm>> -> memref<16384xf32, #tpu.memory_space<hbm>>
    tpu.enqueue_dma source(%dma_start3A_14 : memref<16384xf32, #tpu.memory_space<hbm>>) target(%arg4 : memref<16384xf32, #tpu.memory_space<vmem>>) target_semaphore(%arg12 : memref<!tpu.dma_semaphore, #tpu.memory_space<semaphore_mem>>)
    %dma_start3A_15 = arith.constant 0 : i32
    %dma_start3A_16 = arith.constant 0 : i32
    %dma_start3A_17 = tpu.memref_slice %arg11[%arg1, %dma_start3A_15, %dma_start3A_16] : memref<16x2x16384xf32, #tpu.memory_space<vmem_shared>> -> memref<1x1x16384xf32, #tpu.memory_space<vmem_shared>>
    %dma_start3A_18 = tpu.memref_squeeze %dma_start3A_17 : memref<1x1x16384xf32, #tpu.memory_space<vmem_shared>> -> memref<16384xf32, #tpu.memory_space<vmem_shared>>
    %dma_start3A_19 = arith.constant 16384 : i32
    %dma_start3A_20 = tpu.memref_slice %arg2[%add3A_7, %dma_start3A_19] : memref<64x1048576xf32, #tpu.memory_space<hbm>> -> memref<1x16384xf32, #tpu.memory_space<hbm>>
    %dma_start3A_21 = tpu.memref_squeeze %dma_start3A_20 : memref<1x16384xf32, #tpu.memory_space<hbm>> -> memref<16384xf32, #tpu.memory_space<hbm>>
    tpu.enqueue_dma source(%dma_start3A_21 : memref<16384xf32, #tpu.memory_space<hbm>>) target(%dma_start3A_18 : memref<16384xf32, #tpu.memory_space<vmem_shared>>) target_semaphore(%arg14 : memref<!tpu.dma_semaphore, #tpu.memory_space<semaphore_mem>>)
    %scan3A = arith.constant 0 : i32
    %scan3A_22 = arith.constant 0 : i32
    %scan3A_23 = arith.constant 16 : i32
    %scan3A_24 = arith.addi %scan3A_22, %scan3A_23 : i32
    %scan3A_25 = arith.constant 1 : i32
    scf.for %scan3A_69 = %scan3A_22 to %scan3A_24 step %scan3A_25  : i32 {
      %mul3A_70 = arith.constant 2 : i32
      %mul3A_71 = arith.muli %scan3A_69, %mul3A_70 : i32
      %add3A_72 = arith.constant 0 : i32
      %add3A_73 = arith.addi %mul3A_71, %add3A_72 : i32
      %mul3A_74 = arith.constant 2 : i32
      %mul3A_75 = arith.muli %mul3A_74, %add3A_73 : i32
      %add3A_76 = arith.constant 1 : i32
      %add3A_77 = arith.addi %mul3A_75, %add3A_76 : i32
      %mul3A_78 = arith.constant 16384 : i32
      %mul3A_79 = arith.muli %add3A_77, %mul3A_78 : i32
      %dma_wait3A = arith.constant 0 : i32
      %dma_wait3A_80 = arith.constant 0 : i32
      %dma_wait3A_81 = tpu.memref_slice %arg11[%arg1, %dma_wait3A, %dma_wait3A_80] : memref<16x2x16384xf32, #tpu.memory_space<vmem_shared>> -> memref<1x1x16384xf32, #tpu.memory_space<vmem_shared>>
      %dma_wait3A_82 = tpu.memref_squeeze %dma_wait3A_81 : memref<1x1x16384xf32, #tpu.memory_space<vmem_shared>> -> memref<16384xf32, #tpu.memory_space<vmem_shared>>
      %dma_wait3A_83 = tpu.memref_slice %arg2[%add3A_7, %mul3A_79] : memref<64x1048576xf32, #tpu.memory_space<hbm>> -> memref<1x16384xf32, #tpu.memory_space<hbm>>
      %dma_wait3A_84 = tpu.memref_squeeze %dma_wait3A_83 : memref<1x16384xf32, #tpu.memory_space<hbm>> -> memref<16384xf32, #tpu.memory_space<hbm>>
      tpu.wait_dma2 semaphore(%arg14 : memref<!tpu.dma_semaphore, #tpu.memory_space<semaphore_mem>>) src(%dma_wait3A_84 : memref<16384xf32, #tpu.memory_space<hbm>>) dst(%dma_wait3A_82 : memref<16384xf32, #tpu.memory_space<vmem_shared>>)
      %dma_start3A_85 = arith.constant 0 : i32
      %dma_start3A_86 = arith.constant 0 : i32
      %dma_start3A_87 = tpu.memref_slice %arg11[%arg1, %dma_start3A_85, %dma_start3A_86] : memref<16x2x16384xf32, #tpu.memory_space<vmem_shared>> -> memref<1x1x16384xf32, #tpu.memory_space<vmem_shared>>
      %dma_start3A_88 = tpu.memref_squeeze %dma_start3A_87 : memref<1x1x16384xf32, #tpu.memory_space<vmem_shared>> -> memref<16384xf32, #tpu.memory_space<vmem_shared>>
      %dma_start3A_89 = arith.constant 0 : i32
      %dma_start3A_90 = tpu.memref_slice %arg11[%arg1, %dma_start3A_85, %dma_start3A_89] : memref<16x2x16384xf32, #tpu.memory_space<vmem_shared>> -> memref<1x1x16384xf32, #tpu.memory_space<vmem_shared>>
      %dma_start3A_91 = tpu.memref_squeeze %dma_start3A_90 : memref<1x1x16384xf32, #tpu.memory_space<vmem_shared>> -> memref<16384xf32, #tpu.memory_space<vmem_shared>>
      tpu.enqueue_dma source(%dma_start3A_91 : memref<16384xf32, #tpu.memory_space<vmem_shared>>) target(%arg6 : memref<16384xf32, #tpu.memory_space<vmem>>) target_semaphore(%arg16 : memref<!tpu.dma_semaphore, #tpu.memory_space<semaphore_mem>>)
      %add3A_92 = arith.constant 1 : i32
      %add3A_93 = arith.addi %add3A_73, %add3A_92 : i32
      %lt3A = arith.constant 32 : i32
      %lt3A_94 = arith.cmpi slt, %add3A_93, %lt3A : i32
      %convert_element_type3A = arith.extui %lt3A_94 : i1 to i32
      %cond3A = arith.constant 0 : i32
      %cond3A_95 = arith.cmpi ne, %convert_element_type3A, %cond3A : i32
      scf.if %cond3A_95 {
        %mul3A_168 = arith.constant 2 : i32
        %mul3A_169 = arith.muli %mul3A_168, %add3A_73 : i32
        %add3A_170 = arith.constant 2 : i32
        %add3A_171 = arith.addi %mul3A_169, %add3A_170 : i32
        %mul3A_172 = arith.constant 16384 : i32
        %mul3A_173 = arith.muli %add3A_171, %mul3A_172 : i32
        %dma_start3A_174 = tpu.memref_slice %arg2[%add3A_7, %mul3A_173] : memref<64x1048576xf32, #tpu.memory_space<hbm>> -> memref<1x16384xf32, #tpu.memory_space<hbm>>
        %dma_start3A_175 = tpu.memref_squeeze %dma_start3A_174 : memref<1x16384xf32, #tpu.memory_space<hbm>> -> memref<16384xf32, #tpu.memory_space<hbm>>
        %dma_start3A_176 = tpu.memref_slice %arg2[%add3A_7, %mul3A_173] : memref<64x1048576xf32, #tpu.memory_space<hbm>> -> memref<1x16384xf32, #tpu.memory_space<hbm>>
        %dma_start3A_177 = tpu.memref_squeeze %dma_start3A_176 : memref<1x16384xf32, #tpu.memory_space<hbm>> -> memref<16384xf32, #tpu.memory_space<hbm>>
        tpu.enqueue_dma source(%dma_start3A_177 : memref<16384xf32, #tpu.memory_space<hbm>>) target(%arg5 : memref<16384xf32, #tpu.memory_space<vmem>>) target_semaphore(%arg13 : memref<!tpu.dma_semaphore, #tpu.memory_space<semaphore_mem>>)
        %mul3A_178 = arith.constant 2 : i32
        %mul3A_179 = arith.muli %mul3A_178, %add3A_73 : i32
        %add3A_180 = arith.constant 3 : i32
        %add3A_181 = arith.addi %mul3A_179, %add3A_180 : i32
        %mul3A_182 = arith.constant 16384 : i32
        %mul3A_183 = arith.muli %add3A_181, %mul3A_182 : i32
        %dma_start3A_184 = arith.constant 1 : i32
        %dma_start3A_185 = arith.constant 0 : i32
        %dma_start3A_186 = tpu.memref_slice %arg11[%arg1, %dma_start3A_184, %dma_start3A_185] : memref<16x2x16384xf32, #tpu.memory_space<vmem_shared>> -> memref<1x1x16384xf32, #tpu.memory_space<vmem_shared>>
        %dma_start3A_187 = tpu.memref_squeeze %dma_start3A_186 : memref<1x1x16384xf32, #tpu.memory_space<vmem_shared>> -> memref<16384xf32, #tpu.memory_space<vmem_shared>>
        %dma_start3A_188 = tpu.memref_slice %arg2[%add3A_7, %mul3A_183] : memref<64x1048576xf32, #tpu.memory_space<hbm>> -> memref<1x16384xf32, #tpu.memory_space<hbm>>
        %dma_start3A_189 = tpu.memref_squeeze %dma_start3A_188 : memref<1x16384xf32, #tpu.memory_space<hbm>> -> memref<16384xf32, #tpu.memory_space<hbm>>
        tpu.enqueue_dma source(%dma_start3A_189 : memref<16384xf32, #tpu.memory_space<hbm>>) target(%dma_start3A_187 : memref<16384xf32, #tpu.memory_space<vmem_shared>>) target_semaphore(%arg15 : memref<!tpu.dma_semaphore, #tpu.memory_space<semaphore_mem>>)
      } else {
      }
      %mul3A_96 = arith.constant 2 : i32
      %mul3A_97 = arith.muli %mul3A_96, %add3A_73 : i32
      %mul3A_98 = arith.constant 16384 : i32
      %mul3A_99 = arith.muli %mul3A_97, %mul3A_98 : i32
      %dma_wait3A_100 = tpu.memref_slice %arg2[%add3A_7, %mul3A_99] : memref<64x1048576xf32, #tpu.memory_space<hbm>> -> memref<1x16384xf32, #tpu.memory_space<hbm>>
      %dma_wait3A_101 = tpu.memref_squeeze %dma_wait3A_100 : memref<1x16384xf32, #tpu.memory_space<hbm>> -> memref<16384xf32, #tpu.memory_space<hbm>>
      %dma_wait3A_102 = tpu.memref_slice %arg2[%add3A_7, %mul3A_99] : memref<64x1048576xf32, #tpu.memory_space<hbm>> -> memref<1x16384xf32, #tpu.memory_space<hbm>>
      %dma_wait3A_103 = tpu.memref_squeeze %dma_wait3A_102 : memref<1x16384xf32, #tpu.memory_space<hbm>> -> memref<16384xf32, #tpu.memory_space<hbm>>
      tpu.wait_dma2 semaphore(%arg12 : memref<!tpu.dma_semaphore, #tpu.memory_space<semaphore_mem>>) src(%dma_wait3A_103 : memref<16384xf32, #tpu.memory_space<hbm>>) dst(%arg4 : memref<16384xf32, #tpu.memory_space<vmem>>)
      %parallel_loop3A_104 = arith.constant 0 : i32
      %parallel_loop3A_105 = arith.constant 16384 : i32
      %parallel_loop3A_106 = arith.constant 16 : i32
      scf.for %parallel_loop3A_168 = %parallel_loop3A_104 to %parallel_loop3A_105 step %parallel_loop3A_106  : i32 {
        %parallel_loop3A_169 = arith.index_cast %parallel_loop3A_168 : i32 to index
        %parallel_loop3A_170 = tpu.vector_load %arg4[%parallel_loop3A_169] {strides = array<i32>} : memref<16384xf32, #tpu.memory_space<vmem>>, vector<16xf32>,
        %parallel_loop3A_171 = arith.constant 2.560000e+02 : f32
        %parallel_loop3A_172 = vector.broadcast %parallel_loop3A_171 : f32 to vector<16xf32>
        %parallel_loop3A_173 = arith.mulf %parallel_loop3A_170, %parallel_loop3A_172 : vector<16xf32>
        %parallel_loop3A_174 = arith.fptosi %parallel_loop3A_173 : vector<16xf32> to vector<16xi32>
        %parallel_loop3A_175 = arith.constant 16 : i32
        %parallel_loop3A_176 = vector.broadcast %parallel_loop3A_175 : i32 to vector<16xi32>
        %parallel_loop3A_177 = arith.muli %parallel_loop3A_174, %parallel_loop3A_176 : vector<16xi32>
        %parallel_loop3A_178 = arith.addi %parallel_loop3A_177, %iota3A : vector<16xi32>
        tpu.vector_store_idx %arg8[%parallel_loop3A_178], %broadcast_in_dim3A_1 {add = true} : memref<4096xf32, #tpu.memory_space<vmem>>[vector<16xi32>], vector<16xf32>,
      } {sc.loop_unroll_factor = 16 : i64, sc.parallel_access}
      %dma_wait3A_107 = arith.constant 0 : i32
      %dma_wait3A_108 = arith.constant 0 : i32
      %dma_wait3A_109 = tpu.memref_slice %arg11[%arg1, %dma_wait3A_107, %dma_wait3A_108] : memref<16x2x16384xf32, #tpu.memory_space<vmem_shared>> -> memref<1x1x16384xf32, #tpu.memory_space<vmem_shared>>
      %dma_wait3A_110 = tpu.memref_squeeze %dma_wait3A_109 : memref<1x1x16384xf32, #tpu.memory_space<vmem_shared>> -> memref<16384xf32, #tpu.memory_space<vmem_shared>>
      %dma_wait3A_111 = arith.constant 0 : i32
      %dma_wait3A_112 = tpu.memref_slice %arg11[%arg1, %dma_wait3A_107, %dma_wait3A_111] : memref<16x2x16384xf32, #tpu.memory_space<vmem_shared>> -> memref<1x1x16384xf32, #tpu.memory_space<vmem_shared>>
      %dma_wait3A_113 = tpu.memref_squeeze %dma_wait3A_112 : memref<1x1x16384xf32, #tpu.memory_space<vmem_shared>> -> memref<16384xf32, #tpu.memory_space<vmem_shared>>
      tpu.wait_dma2 semaphore(%arg16 : memref<!tpu.dma_semaphore, #tpu.memory_space<semaphore_mem>>) src(%dma_wait3A_113 : memref<16384xf32, #tpu.memory_space<vmem_shared>>) dst(%arg6 : memref<16384xf32, #tpu.memory_space<vmem>>)
      %parallel_loop3A_114 = arith.constant 0 : i32
      %parallel_loop3A_115 = arith.constant 16384 : i32
      %parallel_loop3A_116 = arith.constant 16 : i32
      scf.for %parallel_loop3A_168 = %parallel_loop3A_114 to %parallel_loop3A_115 step %parallel_loop3A_116  : i32 {
        %parallel_loop3A_169 = arith.index_cast %parallel_loop3A_168 : i32 to index
        %parallel_loop3A_170 = tpu.vector_load %arg6[%parallel_loop3A_169] {strides = array<i32>} : memref<16384xf32, #tpu.memory_space<vmem>>, vector<16xf32>,
        %parallel_loop3A_171 = arith.constant 2.560000e+02 : f32
        %parallel_loop3A_172 = vector.broadcast %parallel_loop3A_171 : f32 to vector<16xf32>
        %parallel_loop3A_173 = arith.mulf %parallel_loop3A_170, %parallel_loop3A_172 : vector<16xf32>
        %parallel_loop3A_174 = arith.fptosi %parallel_loop3A_173 : vector<16xf32> to vector<16xi32>
        %parallel_loop3A_175 = arith.constant 16 : i32
        %parallel_loop3A_176 = vector.broadcast %parallel_loop3A_175 : i32 to vector<16xi32>
        %parallel_loop3A_177 = arith.muli %parallel_loop3A_174, %parallel_loop3A_176 : vector<16xi32>
        %parallel_loop3A_178 = arith.addi %parallel_loop3A_177, %iota3A : vector<16xi32>
        tpu.vector_store_idx %arg8[%parallel_loop3A_178], %broadcast_in_dim3A_1 {add = true} : memref<4096xf32, #tpu.memory_space<vmem>>[vector<16xi32>], vector<16xf32>,
      } {sc.loop_unroll_factor = 16 : i64, sc.parallel_access}
      %mul3A_117 = arith.constant 2 : i32
      %mul3A_118 = arith.muli %scan3A_69, %mul3A_117 : i32
      %add3A_119 = arith.constant 1 : i32
      %add3A_120 = arith.addi %mul3A_118, %add3A_119 : i32
      %mul3A_121 = arith.constant 2 : i32
      %mul3A_122 = arith.muli %mul3A_121, %add3A_120 : i32
      %add3A_123 = arith.constant 1 : i32
      %add3A_124 = arith.addi %mul3A_122, %add3A_123 : i32
      %mul3A_125 = arith.constant 16384 : i32
      %mul3A_126 = arith.muli %add3A_124, %mul3A_125 : i32
      %dma_wait3A_127 = arith.constant 1 : i32
      %dma_wait3A_128 = arith.constant 0 : i32
      %dma_wait3A_129 = tpu.memref_slice %arg11[%arg1, %dma_wait3A_127, %dma_wait3A_128] : memref<16x2x16384xf32, #tpu.memory_space<vmem_shared>> -> memref<1x1x16384xf32, #tpu.memory_space<vmem_shared>>
      %dma_wait3A_130 = tpu.memref_squeeze %dma_wait3A_129 : memref<1x1x16384xf32, #tpu.memory_space<vmem_shared>> -> memref<16384xf32, #tpu.memory_space<vmem_shared>>
      %dma_wait3A_131 = tpu.memref_slice %arg2[%add3A_7, %mul3A_126] : memref<64x1048576xf32, #tpu.memory_space<hbm>> -> memref<1x16384xf32, #tpu.memory_space<hbm>>
      %dma_wait3A_132 = tpu.memref_squeeze %dma_wait3A_131 : memref<1x16384xf32, #tpu.memory_space<hbm>> -> memref<16384xf32, #tpu.memory_space<hbm>>
      tpu.wait_dma2 semaphore(%arg15 : memref<!tpu.dma_semaphore, #tpu.memory_space<semaphore_mem>>) src(%dma_wait3A_132 : memref<16384xf32, #tpu.memory_space<hbm>>) dst(%dma_wait3A_130 : memref<16384xf32, #tpu.memory_space<vmem_shared>>)
      %dma_start3A_133 = arith.constant 1 : i32
      %dma_start3A_134 = arith.constant 0 : i32
      %dma_start3A_135 = tpu.memref_slice %arg11[%arg1, %dma_start3A_133, %dma_start3A_134] : memref<16x2x16384xf32, #tpu.memory_space<vmem_shared>> -> memref<1x1x16384xf32, #tpu.memory_space<vmem_shared>>
      %dma_start3A_136 = tpu.memref_squeeze %dma_start3A_135 : memref<1x1x16384xf32, #tpu.memory_space<vmem_shared>> -> memref<16384xf32, #tpu.memory_space<vmem_shared>>
      %dma_start3A_137 = arith.constant 0 : i32
      %dma_start3A_138 = tpu.memref_slice %arg11[%arg1, %dma_start3A_133, %dma_start3A_137] : memref<16x2x16384xf32, #tpu.memory_space<vmem_shared>> -> memref<1x1x16384xf32, #tpu.memory_space<vmem_shared>>
      %dma_start3A_139 = tpu.memref_squeeze %dma_start3A_138 : memref<1x1x16384xf32, #tpu.memory_space<vmem_shared>> -> memref<16384xf32, #tpu.memory_space<vmem_shared>>
      tpu.enqueue_dma source(%dma_start3A_139 : memref<16384xf32, #tpu.memory_space<vmem_shared>>) target(%arg7 : memref<16384xf32, #tpu.memory_space<vmem>>) target_semaphore(%arg17 : memref<!tpu.dma_semaphore, #tpu.memory_space<semaphore_mem>>)
      %add3A_140 = arith.constant 1 : i32
      %add3A_141 = arith.addi %add3A_120, %add3A_140 : i32
      %lt3A_142 = arith.constant 32 : i32
      %lt3A_143 = arith.cmpi slt, %add3A_141, %lt3A_142 : i32
      %convert_element_type3A_144 = arith.extui %lt3A_143 : i1 to i32
      %cond3A_145 = arith.constant 0 : i32
      %cond3A_146 = arith.cmpi ne, %convert_element_type3A_144, %cond3A_145 : i32
      scf.if %cond3A_146 {
        %mul3A_168 = arith.constant 2 : i32
        %mul3A_169 = arith.muli %mul3A_168, %add3A_120 : i32
        %add3A_170 = arith.constant 2 : i32
        %add3A_171 = arith.addi %mul3A_169, %add3A_170 : i32
        %mul3A_172 = arith.constant 16384 : i32
        %mul3A_173 = arith.muli %add3A_171, %mul3A_172 : i32
        %dma_start3A_174 = tpu.memref_slice %arg2[%add3A_7, %mul3A_173] : memref<64x1048576xf32, #tpu.memory_space<hbm>> -> memref<1x16384xf32, #tpu.memory_space<hbm>>
        %dma_start3A_175 = tpu.memref_squeeze %dma_start3A_174 : memref<1x16384xf32, #tpu.memory_space<hbm>> -> memref<16384xf32, #tpu.memory_space<hbm>>
        %dma_start3A_176 = tpu.memref_slice %arg2[%add3A_7, %mul3A_173] : memref<64x1048576xf32, #tpu.memory_space<hbm>> -> memref<1x16384xf32, #tpu.memory_space<hbm>>
        %dma_start3A_177 = tpu.memref_squeeze %dma_start3A_176 : memref<1x16384xf32, #tpu.memory_space<hbm>> -> memref<16384xf32, #tpu.memory_space<hbm>>
        tpu.enqueue_dma source(%dma_start3A_177 : memref<16384xf32, #tpu.memory_space<hbm>>) target(%arg4 : memref<16384xf32, #tpu.memory_space<vmem>>) target_semaphore(%arg12 : memref<!tpu.dma_semaphore, #tpu.memory_space<semaphore_mem>>)
        %mul3A_178 = arith.constant 2 : i32
        %mul3A_179 = arith.muli %mul3A_178, %add3A_120 : i32
        %add3A_180 = arith.constant 3 : i32
        %add3A_181 = arith.addi %mul3A_179, %add3A_180 : i32
        %mul3A_182 = arith.constant 16384 : i32
        %mul3A_183 = arith.muli %add3A_181, %mul3A_182 : i32
        %dma_start3A_184 = arith.constant 0 : i32
        %dma_start3A_185 = arith.constant 0 : i32
        %dma_start3A_186 = tpu.memref_slice %arg11[%arg1, %dma_start3A_184, %dma_start3A_185] : memref<16x2x16384xf32, #tpu.memory_space<vmem_shared>> -> memref<1x1x16384xf32, #tpu.memory_space<vmem_shared>>
        %dma_start3A_187 = tpu.memref_squeeze %dma_start3A_186 : memref<1x1x16384xf32, #tpu.memory_space<vmem_shared>> -> memref<16384xf32, #tpu.memory_space<vmem_shared>>
        %dma_start3A_188 = tpu.memref_slice %arg2[%add3A_7, %mul3A_183] : memref<64x1048576xf32, #tpu.memory_space<hbm>> -> memref<1x16384xf32, #tpu.memory_space<hbm>>
        %dma_start3A_189 = tpu.memref_squeeze %dma_start3A_188 : memref<1x16384xf32, #tpu.memory_space<hbm>> -> memref<16384xf32, #tpu.memory_space<hbm>>
        tpu.enqueue_dma source(%dma_start3A_189 : memref<16384xf32, #tpu.memory_space<hbm>>) target(%dma_start3A_187 : memref<16384xf32, #tpu.memory_space<vmem_shared>>) target_semaphore(%arg14 : memref<!tpu.dma_semaphore, #tpu.memory_space<semaphore_mem>>)
      } else {
      }
      %mul3A_147 = arith.constant 2 : i32
      %mul3A_148 = arith.muli %mul3A_147, %add3A_120 : i32
      %mul3A_149 = arith.constant 16384 : i32
      %mul3A_150 = arith.muli %mul3A_148, %mul3A_149 : i32
      %dma_wait3A_151 = tpu.memref_slice %arg2[%add3A_7, %mul3A_150] : memref<64x1048576xf32, #tpu.memory_space<hbm>> -> memref<1x16384xf32, #tpu.memory_space<hbm>>
      %dma_wait3A_152 = tpu.memref_squeeze %dma_wait3A_151 : memref<1x16384xf32, #tpu.memory_space<hbm>> -> memref<16384xf32, #tpu.memory_space<hbm>>
      %dma_wait3A_153 = tpu.memref_slice %arg2[%add3A_7, %mul3A_150] : memref<64x1048576xf32, #tpu.memory_space<hbm>> -> memref<1x16384xf32, #tpu.memory_space<hbm>>
      %dma_wait3A_154 = tpu.memref_squeeze %dma_wait3A_153 : memref<1x16384xf32, #tpu.memory_space<hbm>> -> memref<16384xf32, #tpu.memory_space<hbm>>
      tpu.wait_dma2 semaphore(%arg13 : memref<!tpu.dma_semaphore, #tpu.memory_space<semaphore_mem>>) src(%dma_wait3A_154 : memref<16384xf32, #tpu.memory_space<hbm>>) dst(%arg5 : memref<16384xf32, #tpu.memory_space<vmem>>)
      %parallel_loop3A_155 = arith.constant 0 : i32
      %parallel_loop3A_156 = arith.constant 16384 : i32
      %parallel_loop3A_157 = arith.constant 16 : i32
      scf.for %parallel_loop3A_168 = %parallel_loop3A_155 to %parallel_loop3A_156 step %parallel_loop3A_157  : i32 {
        %parallel_loop3A_169 = arith.index_cast %parallel_loop3A_168 : i32 to index
        %parallel_loop3A_170 = tpu.vector_load %arg5[%parallel_loop3A_169] {strides = array<i32>} : memref<16384xf32, #tpu.memory_space<vmem>>, vector<16xf32>,
        %parallel_loop3A_171 = arith.constant 2.560000e+02 : f32
        %parallel_loop3A_172 = vector.broadcast %parallel_loop3A_171 : f32 to vector<16xf32>
        %parallel_loop3A_173 = arith.mulf %parallel_loop3A_170, %parallel_loop3A_172 : vector<16xf32>
        %parallel_loop3A_174 = arith.fptosi %parallel_loop3A_173 : vector<16xf32> to vector<16xi32>
        %parallel_loop3A_175 = arith.constant 16 : i32
        %parallel_loop3A_176 = vector.broadcast %parallel_loop3A_175 : i32 to vector<16xi32>
        %parallel_loop3A_177 = arith.muli %parallel_loop3A_174, %parallel_loop3A_176 : vector<16xi32>
        %parallel_loop3A_178 = arith.addi %parallel_loop3A_177, %iota3A : vector<16xi32>
        tpu.vector_store_idx %arg8[%parallel_loop3A_178], %broadcast_in_dim3A_1 {add = true} : memref<4096xf32, #tpu.memory_space<vmem>>[vector<16xi32>], vector<16xf32>,
      } {sc.loop_unroll_factor = 16 : i64, sc.parallel_access}
      %dma_wait3A_158 = arith.constant 1 : i32
      %dma_wait3A_159 = arith.constant 0 : i32
      %dma_wait3A_160 = tpu.memref_slice %arg11[%arg1, %dma_wait3A_158, %dma_wait3A_159] : memref<16x2x16384xf32, #tpu.memory_space<vmem_shared>> -> memref<1x1x16384xf32, #tpu.memory_space<vmem_shared>>
      %dma_wait3A_161 = tpu.memref_squeeze %dma_wait3A_160 : memref<1x1x16384xf32, #tpu.memory_space<vmem_shared>> -> memref<16384xf32, #tpu.memory_space<vmem_shared>>
      %dma_wait3A_162 = arith.constant 0 : i32
      %dma_wait3A_163 = tpu.memref_slice %arg11[%arg1, %dma_wait3A_158, %dma_wait3A_162] : memref<16x2x16384xf32, #tpu.memory_space<vmem_shared>> -> memref<1x1x16384xf32, #tpu.memory_space<vmem_shared>>
      %dma_wait3A_164 = tpu.memref_squeeze %dma_wait3A_163 : memref<1x1x16384xf32, #tpu.memory_space<vmem_shared>> -> memref<16384xf32, #tpu.memory_space<vmem_shared>>
      tpu.wait_dma2 semaphore(%arg17 : memref<!tpu.dma_semaphore, #tpu.memory_space<semaphore_mem>>) src(%dma_wait3A_164 : memref<16384xf32, #tpu.memory_space<vmem_shared>>) dst(%arg7 : memref<16384xf32, #tpu.memory_space<vmem>>)
      %parallel_loop3A_165 = arith.constant 0 : i32
      %parallel_loop3A_166 = arith.constant 16384 : i32
      %parallel_loop3A_167 = arith.constant 16 : i32
      scf.for %parallel_loop3A_168 = %parallel_loop3A_165 to %parallel_loop3A_166 step %parallel_loop3A_167  : i32 {
        %parallel_loop3A_169 = arith.index_cast %parallel_loop3A_168 : i32 to index
        %parallel_loop3A_170 = tpu.vector_load %arg7[%parallel_loop3A_169] {strides = array<i32>} : memref<16384xf32, #tpu.memory_space<vmem>>, vector<16xf32>,
        %parallel_loop3A_171 = arith.constant 2.560000e+02 : f32
        %parallel_loop3A_172 = vector.broadcast %parallel_loop3A_171 : f32 to vector<16xf32>
        %parallel_loop3A_173 = arith.mulf %parallel_loop3A_170, %parallel_loop3A_172 : vector<16xf32>
        %parallel_loop3A_174 = arith.fptosi %parallel_loop3A_173 : vector<16xf32> to vector<16xi32>
        %parallel_loop3A_175 = arith.constant 16 : i32
        %parallel_loop3A_176 = vector.broadcast %parallel_loop3A_175 : i32 to vector<16xi32>
        %parallel_loop3A_177 = arith.muli %parallel_loop3A_174, %parallel_loop3A_176 : vector<16xi32>
        %parallel_loop3A_178 = arith.addi %parallel_loop3A_177, %iota3A : vector<16xi32>
        tpu.vector_store_idx %arg8[%parallel_loop3A_178], %broadcast_in_dim3A_1 {add = true} : memref<4096xf32, #tpu.memory_space<vmem>>[vector<16xi32>], vector<16xf32>,
      } {sc.loop_unroll_factor = 16 : i64, sc.parallel_access}
    }
    %scan3A_26 = arith.constant 16 : i32
    %add3A_27 = arith.constant 1 : i32
    %add3A_28 = arith.addi %add3A_7, %add3A_27 : i32
    %dma_start3A_29 = arith.constant 0 : i32
    %dma_start3A_30 = tpu.memref_slice %arg2[%add3A_28, %dma_start3A_29] : memref<64x1048576xf32, #tpu.memory_space<hbm>> -> memref<1x16384xf32, #tpu.memory_space<hbm>>
    %dma_start3A_31 = tpu.memref_squeeze %dma_start3A_30 : memref<1x16384xf32, #tpu.memory_space<hbm>> -> memref<16384xf32, #tpu.memory_space<hbm>>
    %dma_start3A_32 = arith.constant 0 : i32
    %dma_start3A_33 = tpu.memref_slice %arg2[%add3A_28, %dma_start3A_32] : memref<64x1048576xf32, #tpu.memory_space<hbm>> -> memref<1x16384xf32, #tpu.memory_space<hbm>>
    %dma_start3A_34 = tpu.memref_squeeze %dma_start3A_33 : memref<1x16384xf32, #tpu.memory_space<hbm>> -> memref<16384xf32, #tpu.memory_space<hbm>>
    tpu.enqueue_dma source(%dma_start3A_34 : memref<16384xf32, #tpu.memory_space<hbm>>) target(%arg4 : memref<16384xf32, #tpu.memory_space<vmem>>) target_semaphore(%arg12 : memref<!tpu.dma_semaphore, #tpu.memory_space<semaphore_mem>>)
    %add3A_35 = arith.constant 1 : i32
    %add3A_36 = arith.addi %add3A_7, %add3A_35 : i32
    %dma_start3A_37 = arith.constant 0 : i32
    %dma_start3A_38 = arith.constant 0 : i32
    %dma_start3A_39 = tpu.memref_slice %arg11[%arg1, %dma_start3A_37, %dma_start3A_38] : memref<16x2x16384xf32, #tpu.memory_space<vmem_shared>> -> memref<1x1x16384xf32, #tpu.memory_space<vmem_shared>>
    %dma_start3A_40 = tpu.memref_squeeze %dma_start3A_39 : memref<1x1x16384xf32, #tpu.memory_space<vmem_shared>> -> memref<16384xf32, #tpu.memory_space<vmem_shared>>
    %dma_start3A_41 = arith.constant 16384 : i32
    %dma_start3A_42 = tpu.memref_slice %arg2[%add3A_36, %dma_start3A_41] : memref<64x1048576xf32, #tpu.memory_space<hbm>> -> memref<1x16384xf32, #tpu.memory_space<hbm>>
    %dma_start3A_43 = tpu.memref_squeeze %dma_start3A_42 : memref<1x16384xf32, #tpu.memory_space<hbm>> -> memref<16384xf32, #tpu.memory_space<hbm>>
    tpu.enqueue_dma source(%dma_start3A_43 : memref<16384xf32, #tpu.memory_space<hbm>>) target(%dma_start3A_40 : memref<16384xf32, #tpu.memory_space<vmem_shared>>) target_semaphore(%arg14 : memref<!tpu.dma_semaphore, #tpu.memory_space<semaphore_mem>>)
    %scan3A_44 = arith.constant 0 : i32
    %scan3A_45 = arith.constant 0 : i32
    %scan3A_46 = arith.constant 16 : i32
    %scan3A_47 = arith.addi %scan3A_45, %scan3A_46 : i32
    %scan3A_48 = arith.constant 1 : i32
    scf.for %scan3A_69 = %scan3A_45 to %scan3A_47 step %scan3A_48  : i32 {
      %mul3A_70 = arith.constant 16 : i32
      %mul3A_71 = vector.broadcast %mul3A_70 : i32 to vector<16xi32>
      %mul3A_72 = arith.muli %iota3A, %mul3A_71 : vector<16xi32>
      %add3A_73 = arith.constant 0 : i32
      %add3A_74 = vector.broadcast %add3A_73 : i32 to vector<16xi32>
      %add3A_75 = arith.addi %mul3A_72, %add3A_74 : vector<16xi32>
      %mul3A_76 = arith.constant 256 : i32
      %mul3A_77 = arith.muli %scan3A_69, %mul3A_76 : i32
      %add3A_78 = arith.constant 0 : i32
      %add3A_79 = arith.addi %mul3A_77, %add3A_78 : i32
      %get3A = arith.index_cast %add3A_79 : i32 to index
      %get3A_80 = tpu.vector_load %arg8[%get3A] {strides = array<i32>} : memref<4096xf32, #tpu.memory_space<vmem>>, vector<16xf32>,
      tpu.vector_store_idx %arg10[%add3A_75], %get3A_80 : memref<256xf32, #tpu.memory_space<vmem>>[vector<16xi32>], vector<16xf32>,
      %mul3A_81 = arith.constant 16 : i32
      %mul3A_82 = vector.broadcast %mul3A_81 : i32 to vector<16xi32>
      %mul3A_83 = arith.muli %iota3A, %mul3A_82 : vector<16xi32>
      %add3A_84 = arith.constant 1 : i32
      %add3A_85 = vector.broadcast %add3A_84 : i32 to vector<16xi32>
      %add3A_86 = arith.addi %mul3A_83, %add3A_85 : vector<16xi32>
      %mul3A_87 = arith.constant 256 : i32
      %mul3A_88 = arith.muli %scan3A_69, %mul3A_87 : i32
      %add3A_89 = arith.constant 16 : i32
      %add3A_90 = arith.addi %mul3A_88, %add3A_89 : i32
      %get3A_91 = arith.index_cast %add3A_90 : i32 to index
      %get3A_92 = tpu.vector_load %arg8[%get3A_91] {strides = array<i32>} : memref<4096xf32, #tpu.memory_space<vmem>>, vector<16xf32>,
      tpu.vector_store_idx %arg10[%add3A_86], %get3A_92 : memref<256xf32, #tpu.memory_space<vmem>>[vector<16xi32>], vector<16xf32>,
      %mul3A_93 = arith.constant 16 : i32
      %mul3A_94 = vector.broadcast %mul3A_93 : i32 to vector<16xi32>
      %mul3A_95 = arith.muli %iota3A, %mul3A_94 : vector<16xi32>
      %add3A_96 = arith.constant 2 : i32
      %add3A_97 = vector.broadcast %add3A_96 : i32 to vector<16xi32>
      %add3A_98 = arith.addi %mul3A_95, %add3A_97 : vector<16xi32>
      %mul3A_99 = arith.constant 256 : i32
      %mul3A_100 = arith.muli %scan3A_69, %mul3A_99 : i32
      %add3A_101 = arith.constant 32 : i32
      %add3A_102 = arith.addi %mul3A_100, %add3A_101 : i32
      %get3A_103 = arith.index_cast %add3A_102 : i32 to index
      %get3A_104 = tpu.vector_load %arg8[%get3A_103] {strides = array<i32>} : memref<4096xf32, #tpu.memory_space<vmem>>, vector<16xf32>,
      tpu.vector_store_idx %arg10[%add3A_98], %get3A_104 : memref<256xf32, #tpu.memory_space<vmem>>[vector<16xi32>], vector<16xf32>,
      %mul3A_105 = arith.constant 16 : i32
      %mul3A_106 = vector.broadcast %mul3A_105 : i32 to vector<16xi32>
      %mul3A_107 = arith.muli %iota3A, %mul3A_106 : vector<16xi32>
      %add3A_108 = arith.constant 3 : i32
      %add3A_109 = vector.broadcast %add3A_108 : i32 to vector<16xi32>
      %add3A_110 = arith.addi %mul3A_107, %add3A_109 : vector<16xi32>
      %mul3A_111 = arith.constant 256 : i32
      %mul3A_112 = arith.muli %scan3A_69, %mul3A_111 : i32
      %add3A_113 = arith.constant 48 : i32
      %add3A_114 = arith.addi %mul3A_112, %add3A_113 : i32
      %get3A_115 = arith.index_cast %add3A_114 : i32 to index
      %get3A_116 = tpu.vector_load %arg8[%get3A_115] {strides = array<i32>} : memref<4096xf32, #tpu.memory_space<vmem>>, vector<16xf32>,
      tpu.vector_store_idx %arg10[%add3A_110], %get3A_116 : memref<256xf32, #tpu.memory_space<vmem>>[vector<16xi32>], vector<16xf32>,
      %mul3A_117 = arith.constant 16 : i32
      %mul3A_118 = vector.broadcast %mul3A_117 : i32 to vector<16xi32>
      %mul3A_119 = arith.muli %iota3A, %mul3A_118 : vector<16xi32>
      %add3A_120 = arith.constant 4 : i32
      %add3A_121 = vector.broadcast %add3A_120 : i32 to vector<16xi32>
      %add3A_122 = arith.addi %mul3A_119, %add3A_121 : vector<16xi32>
      %mul3A_123 = arith.constant 256 : i32
      %mul3A_124 = arith.muli %scan3A_69, %mul3A_123 : i32
      %add3A_125 = arith.constant 64 : i32
      %add3A_126 = arith.addi %mul3A_124, %add3A_125 : i32
      %get3A_127 = arith.index_cast %add3A_126 : i32 to index
      %get3A_128 = tpu.vector_load %arg8[%get3A_127] {strides = array<i32>} : memref<4096xf32, #tpu.memory_space<vmem>>, vector<16xf32>,
      tpu.vector_store_idx %arg10[%add3A_122], %get3A_128 : memref<256xf32, #tpu.memory_space<vmem>>[vector<16xi32>], vector<16xf32>,
      %mul3A_129 = arith.constant 16 : i32
      %mul3A_130 = vector.broadcast %mul3A_129 : i32 to vector<16xi32>
      %mul3A_131 = arith.muli %iota3A, %mul3A_130 : vector<16xi32>
      %add3A_132 = arith.constant 5 : i32
      %add3A_133 = vector.broadcast %add3A_132 : i32 to vector<16xi32>
      %add3A_134 = arith.addi %mul3A_131, %add3A_133 : vector<16xi32>
      %mul3A_135 = arith.constant 256 : i32
      %mul3A_136 = arith.muli %scan3A_69, %mul3A_135 : i32
      %add3A_137 = arith.constant 80 : i32
      %add3A_138 = arith.addi %mul3A_136, %add3A_137 : i32
      %get3A_139 = arith.index_cast %add3A_138 : i32 to index
      %get3A_140 = tpu.vector_load %arg8[%get3A_139] {strides = array<i32>} : memref<4096xf32, #tpu.memory_space<vmem>>, vector<16xf32>,
      tpu.vector_store_idx %arg10[%add3A_134], %get3A_140 : memref<256xf32, #tpu.memory_space<vmem>>[vector<16xi32>], vector<16xf32>,
      %mul3A_141 = arith.constant 16 : i32
      %mul3A_142 = vector.broadcast %mul3A_141 : i32 to vector<16xi32>
      %mul3A_143 = arith.muli %iota3A, %mul3A_142 : vector<16xi32>
      %add3A_144 = arith.constant 6 : i32
      %add3A_145 = vector.broadcast %add3A_144 : i32 to vector<16xi32>
      %add3A_146 = arith.addi %mul3A_143, %add3A_145 : vector<16xi32>
      %mul3A_147 = arith.constant 256 : i32
      %mul3A_148 = arith.muli %scan3A_69, %mul3A_147 : i32
      %add3A_149 = arith.constant 96 : i32
      %add3A_150 = arith.addi %mul3A_148, %add3A_149 : i32
      %get3A_151 = arith.index_cast %add3A_150 : i32 to index
      %get3A_152 = tpu.vector_load %arg8[%get3A_151] {strides = array<i32>} : memref<4096xf32, #tpu.memory_space<vmem>>, vector<16xf32>,
      tpu.vector_store_idx %arg10[%add3A_146], %get3A_152 : memref<256xf32, #tpu.memory_space<vmem>>[vector<16xi32>], vector<16xf32>,
      %mul3A_153 = arith.constant 16 : i32
      %mul3A_154 = vector.broadcast %mul3A_153 : i32 to vector<16xi32>
      %mul3A_155 = arith.muli %iota3A, %mul3A_154 : vector<16xi32>
      %add3A_156 = arith.constant 7 : i32
      %add3A_157 = vector.broadcast %add3A_156 : i32 to vector<16xi32>
      %add3A_158 = arith.addi %mul3A_155, %add3A_157 : vector<16xi32>
      %mul3A_159 = arith.constant 256 : i32
      %mul3A_160 = arith.muli %scan3A_69, %mul3A_159 : i32
      %add3A_161 = arith.constant 112 : i32
      %add3A_162 = arith.addi %mul3A_160, %add3A_161 : i32
      %get3A_163 = arith.index_cast %add3A_162 : i32 to index
      %get3A_164 = tpu.vector_load %arg8[%get3A_163] {strides = array<i32>} : memref<4096xf32, #tpu.memory_space<vmem>>, vector<16xf32>,
      tpu.vector_store_idx %arg10[%add3A_158], %get3A_164 : memref<256xf32, #tpu.memory_space<vmem>>[vector<16xi32>], vector<16xf32>,
      %mul3A_165 = arith.constant 16 : i32
      %mul3A_166 = vector.broadcast %mul3A_165 : i32 to vector<16xi32>
      %mul3A_167 = arith.muli %iota3A, %mul3A_166 : vector<16xi32>
      %add3A_168 = arith.constant 8 : i32
      %add3A_169 = vector.broadcast %add3A_168 : i32 to vector<16xi32>
      %add3A_170 = arith.addi %mul3A_167, %add3A_169 : vector<16xi32>
      %mul3A_171 = arith.constant 256 : i32
      %mul3A_172 = arith.muli %scan3A_69, %mul3A_171 : i32
      %add3A_173 = arith.constant 128 : i32
      %add3A_174 = arith.addi %mul3A_172, %add3A_173 : i32
      %get3A_175 = arith.index_cast %add3A_174 : i32 to index
      %get3A_176 = tpu.vector_load %arg8[%get3A_175] {strides = array<i32>} : memref<4096xf32, #tpu.memory_space<vmem>>, vector<16xf32>,
      tpu.vector_store_idx %arg10[%add3A_170], %get3A_176 : memref<256xf32, #tpu.memory_space<vmem>>[vector<16xi32>], vector<16xf32>,
      %mul3A_177 = arith.constant 16 : i32
      %mul3A_178 = vector.broadcast %mul3A_177 : i32 to vector<16xi32>
      %mul3A_179 = arith.muli %iota3A, %mul3A_178 : vector<16xi32>
      %add3A_180 = arith.constant 9 : i32
      %add3A_181 = vector.broadcast %add3A_180 : i32 to vector<16xi32>
      %add3A_182 = arith.addi %mul3A_179, %add3A_181 : vector<16xi32>
      %mul3A_183 = arith.constant 256 : i32
      %mul3A_184 = arith.muli %scan3A_69, %mul3A_183 : i32
      %add3A_185 = arith.constant 144 : i32
      %add3A_186 = arith.addi %mul3A_184, %add3A_185 : i32
      %get3A_187 = arith.index_cast %add3A_186 : i32 to index
      %get3A_188 = tpu.vector_load %arg8[%get3A_187] {strides = array<i32>} : memref<4096xf32, #tpu.memory_space<vmem>>, vector<16xf32>,
      tpu.vector_store_idx %arg10[%add3A_182], %get3A_188 : memref<256xf32, #tpu.memory_space<vmem>>[vector<16xi32>], vector<16xf32>,
      %mul3A_189 = arith.constant 16 : i32
      %mul3A_190 = vector.broadcast %mul3A_189 : i32 to vector<16xi32>
      %mul3A_191 = arith.muli %iota3A, %mul3A_190 : vector<16xi32>
      %add3A_192 = arith.constant 10 : i32
      %add3A_193 = vector.broadcast %add3A_192 : i32 to vector<16xi32>
      %add3A_194 = arith.addi %mul3A_191, %add3A_193 : vector<16xi32>
      %mul3A_195 = arith.constant 256 : i32
      %mul3A_196 = arith.muli %scan3A_69, %mul3A_195 : i32
      %add3A_197 = arith.constant 160 : i32
      %add3A_198 = arith.addi %mul3A_196, %add3A_197 : i32
      %get3A_199 = arith.index_cast %add3A_198 : i32 to index
      %get3A_200 = tpu.vector_load %arg8[%get3A_199] {strides = array<i32>} : memref<4096xf32, #tpu.memory_space<vmem>>, vector<16xf32>,
      tpu.vector_store_idx %arg10[%add3A_194], %get3A_200 : memref<256xf32, #tpu.memory_space<vmem>>[vector<16xi32>], vector<16xf32>,
      %mul3A_201 = arith.constant 16 : i32
      %mul3A_202 = vector.broadcast %mul3A_201 : i32 to vector<16xi32>
      %mul3A_203 = arith.muli %iota3A, %mul3A_202 : vector<16xi32>
      %add3A_204 = arith.constant 11 : i32
      %add3A_205 = vector.broadcast %add3A_204 : i32 to vector<16xi32>
      %add3A_206 = arith.addi %mul3A_203, %add3A_205 : vector<16xi32>
      %mul3A_207 = arith.constant 256 : i32
      %mul3A_208 = arith.muli %scan3A_69, %mul3A_207 : i32
      %add3A_209 = arith.constant 176 : i32
      %add3A_210 = arith.addi %mul3A_208, %add3A_209 : i32
      %get3A_211 = arith.index_cast %add3A_210 : i32 to index
      %get3A_212 = tpu.vector_load %arg8[%get3A_211] {strides = array<i32>} : memref<4096xf32, #tpu.memory_space<vmem>>, vector<16xf32>,
      tpu.vector_store_idx %arg10[%add3A_206], %get3A_212 : memref<256xf32, #tpu.memory_space<vmem>>[vector<16xi32>], vector<16xf32>,
      %mul3A_213 = arith.constant 16 : i32
      %mul3A_214 = vector.broadcast %mul3A_213 : i32 to vector<16xi32>
      %mul3A_215 = arith.muli %iota3A, %mul3A_214 : vector<16xi32>
      %add3A_216 = arith.constant 12 : i32
      %add3A_217 = vector.broadcast %add3A_216 : i32 to vector<16xi32>
      %add3A_218 = arith.addi %mul3A_215, %add3A_217 : vector<16xi32>
      %mul3A_219 = arith.constant 256 : i32
      %mul3A_220 = arith.muli %scan3A_69, %mul3A_219 : i32
      %add3A_221 = arith.constant 192 : i32
      %add3A_222 = arith.addi %mul3A_220, %add3A_221 : i32
      %get3A_223 = arith.index_cast %add3A_222 : i32 to index
      %get3A_224 = tpu.vector_load %arg8[%get3A_223] {strides = array<i32>} : memref<4096xf32, #tpu.memory_space<vmem>>, vector<16xf32>,
      tpu.vector_store_idx %arg10[%add3A_218], %get3A_224 : memref<256xf32, #tpu.memory_space<vmem>>[vector<16xi32>], vector<16xf32>,
      %mul3A_225 = arith.constant 16 : i32
      %mul3A_226 = vector.broadcast %mul3A_225 : i32 to vector<16xi32>
      %mul3A_227 = arith.muli %iota3A, %mul3A_226 : vector<16xi32>
      %add3A_228 = arith.constant 13 : i32
      %add3A_229 = vector.broadcast %add3A_228 : i32 to vector<16xi32>
      %add3A_230 = arith.addi %mul3A_227, %add3A_229 : vector<16xi32>
      %mul3A_231 = arith.constant 256 : i32
      %mul3A_232 = arith.muli %scan3A_69, %mul3A_231 : i32
      %add3A_233 = arith.constant 208 : i32
      %add3A_234 = arith.addi %mul3A_232, %add3A_233 : i32
      %get3A_235 = arith.index_cast %add3A_234 : i32 to index
      %get3A_236 = tpu.vector_load %arg8[%get3A_235] {strides = array<i32>} : memref<4096xf32, #tpu.memory_space<vmem>>, vector<16xf32>,
      tpu.vector_store_idx %arg10[%add3A_230], %get3A_236 : memref<256xf32, #tpu.memory_space<vmem>>[vector<16xi32>], vector<16xf32>,
      %mul3A_237 = arith.constant 16 : i32
      %mul3A_238 = vector.broadcast %mul3A_237 : i32 to vector<16xi32>
      %mul3A_239 = arith.muli %iota3A, %mul3A_238 : vector<16xi32>
      %add3A_240 = arith.constant 14 : i32
      %add3A_241 = vector.broadcast %add3A_240 : i32 to vector<16xi32>
      %add3A_242 = arith.addi %mul3A_239, %add3A_241 : vector<16xi32>
      %mul3A_243 = arith.constant 256 : i32
      %mul3A_244 = arith.muli %scan3A_69, %mul3A_243 : i32
      %add3A_245 = arith.constant 224 : i32
      %add3A_246 = arith.addi %mul3A_244, %add3A_245 : i32
      %get3A_247 = arith.index_cast %add3A_246 : i32 to index
      %get3A_248 = tpu.vector_load %arg8[%get3A_247] {strides = array<i32>} : memref<4096xf32, #tpu.memory_space<vmem>>, vector<16xf32>,
      tpu.vector_store_idx %arg10[%add3A_242], %get3A_248 : memref<256xf32, #tpu.memory_space<vmem>>[vector<16xi32>], vector<16xf32>,
      %mul3A_249 = arith.constant 16 : i32
      %mul3A_250 = vector.broadcast %mul3A_249 : i32 to vector<16xi32>
      %mul3A_251 = arith.muli %iota3A, %mul3A_250 : vector<16xi32>
      %add3A_252 = arith.constant 15 : i32
      %add3A_253 = vector.broadcast %add3A_252 : i32 to vector<16xi32>
      %add3A_254 = arith.addi %mul3A_251, %add3A_253 : vector<16xi32>
      %mul3A_255 = arith.constant 256 : i32
      %mul3A_256 = arith.muli %scan3A_69, %mul3A_255 : i32
      %add3A_257 = arith.constant 240 : i32
      %add3A_258 = arith.addi %mul3A_256, %add3A_257 : i32
      %get3A_259 = arith.index_cast %add3A_258 : i32 to index
      %get3A_260 = tpu.vector_load %arg8[%get3A_259] {strides = array<i32>} : memref<4096xf32, #tpu.memory_space<vmem>>, vector<16xf32>,
      tpu.vector_store_idx %arg10[%add3A_254], %get3A_260 : memref<256xf32, #tpu.memory_space<vmem>>[vector<16xi32>], vector<16xf32>,
      %get3A_261 = arith.constant 0 : index
      %get3A_262 = tpu.vector_load %arg10[%get3A_261] {strides = array<i32>} : memref<256xf32, #tpu.memory_space<vmem>>, vector<16xf32>,
      %get3A_263 = arith.constant 16 : index
      %get3A_264 = tpu.vector_load %arg10[%get3A_263] {strides = array<i32>} : memref<256xf32, #tpu.memory_space<vmem>>, vector<16xf32>,
      %add3A_265 = arith.addf %get3A_262, %get3A_264 : vector<16xf32>
      %get3A_266 = arith.constant 32 : index
      %get3A_267 = tpu.vector_load %arg10[%get3A_266] {strides = array<i32>} : memref<256xf32, #tpu.memory_space<vmem>>, vector<16xf32>,
      %add3A_268 = arith.addf %add3A_265, %get3A_267 : vector<16xf32>
      %get3A_269 = arith.constant 48 : index
      %get3A_270 = tpu.vector_load %arg10[%get3A_269] {strides = array<i32>} : memref<256xf32, #tpu.memory_space<vmem>>, vector<16xf32>,
      %add3A_271 = arith.addf %add3A_268, %get3A_270 : vector<16xf32>
      %get3A_272 = arith.constant 64 : index
      %get3A_273 = tpu.vector_load %arg10[%get3A_272] {strides = array<i32>} : memref<256xf32, #tpu.memory_space<vmem>>, vector<16xf32>,
      %add3A_274 = arith.addf %add3A_271, %get3A_273 : vector<16xf32>
      %get3A_275 = arith.constant 80 : index
      %get3A_276 = tpu.vector_load %arg10[%get3A_275] {strides = array<i32>} : memref<256xf32, #tpu.memory_space<vmem>>, vector<16xf32>,
      %add3A_277 = arith.addf %add3A_274, %get3A_276 : vector<16xf32>
      %get3A_278 = arith.constant 96 : index
      %get3A_279 = tpu.vector_load %arg10[%get3A_278] {strides = array<i32>} : memref<256xf32, #tpu.memory_space<vmem>>, vector<16xf32>,
      %add3A_280 = arith.addf %add3A_277, %get3A_279 : vector<16xf32>
      %get3A_281 = arith.constant 112 : index
      %get3A_282 = tpu.vector_load %arg10[%get3A_281] {strides = array<i32>} : memref<256xf32, #tpu.memory_space<vmem>>, vector<16xf32>,
      %add3A_283 = arith.addf %add3A_280, %get3A_282 : vector<16xf32>
      %get3A_284 = arith.constant 128 : index
      %get3A_285 = tpu.vector_load %arg10[%get3A_284] {strides = array<i32>} : memref<256xf32, #tpu.memory_space<vmem>>, vector<16xf32>,
      %add3A_286 = arith.addf %add3A_283, %get3A_285 : vector<16xf32>
      %get3A_287 = arith.constant 144 : index
      %get3A_288 = tpu.vector_load %arg10[%get3A_287] {strides = array<i32>} : memref<256xf32, #tpu.memory_space<vmem>>, vector<16xf32>,
      %add3A_289 = arith.addf %add3A_286, %get3A_288 : vector<16xf32>
      %get3A_290 = arith.constant 160 : index
      %get3A_291 = tpu.vector_load %arg10[%get3A_290] {strides = array<i32>} : memref<256xf32, #tpu.memory_space<vmem>>, vector<16xf32>,
      %add3A_292 = arith.addf %add3A_289, %get3A_291 : vector<16xf32>
      %get3A_293 = arith.constant 176 : index
      %get3A_294 = tpu.vector_load %arg10[%get3A_293] {strides = array<i32>} : memref<256xf32, #tpu.memory_space<vmem>>, vector<16xf32>,
      %add3A_295 = arith.addf %add3A_292, %get3A_294 : vector<16xf32>
      %get3A_296 = arith.constant 192 : index
      %get3A_297 = tpu.vector_load %arg10[%get3A_296] {strides = array<i32>} : memref<256xf32, #tpu.memory_space<vmem>>, vector<16xf32>,
      %add3A_298 = arith.addf %add3A_295, %get3A_297 : vector<16xf32>
      %get3A_299 = arith.constant 208 : index
      %get3A_300 = tpu.vector_load %arg10[%get3A_299] {strides = array<i32>} : memref<256xf32, #tpu.memory_space<vmem>>, vector<16xf32>,
      %add3A_301 = arith.addf %add3A_298, %get3A_300 : vector<16xf32>
      %get3A_302 = arith.constant 224 : index
      %get3A_303 = tpu.vector_load %arg10[%get3A_302] {strides = array<i32>} : memref<256xf32, #tpu.memory_space<vmem>>, vector<16xf32>,
      %add3A_304 = arith.addf %add3A_301, %get3A_303 : vector<16xf32>
      %get3A_305 = arith.constant 240 : index
      %get3A_306 = tpu.vector_load %arg10[%get3A_305] {strides = array<i32>} : memref<256xf32, #tpu.memory_space<vmem>>, vector<16xf32>,
      %add3A_307 = arith.addf %add3A_304, %get3A_306 : vector<16xf32>
      %mul3A_308 = arith.constant 16 : i32
      %mul3A_309 = arith.muli %scan3A_69, %mul3A_308 : i32
      %swap3A = arith.index_cast %mul3A_309 : i32 to index
      %swap3A_310 = tpu.vector_load %arg9[%swap3A] {strides = array<i32>} : memref<256xf32, #tpu.memory_space<vmem>>, vector<16xf32>,
      tpu.vector_store %arg9[%swap3A], %add3A_307 {strides = array<i32>} : memref<256xf32, #tpu.memory_space<vmem>>, vector<16xf32>,
    }
    %scan3A_49 = arith.constant 16 : i32
    "tpu.region"() ({
      %run_scoped3A = tpu.sem_alloc : memref<!tpu.dma_semaphore, #tpu.memory_space<semaphore_mem>>
      %dma_start3A_69 = arith.constant 0 : i32
      %dma_start3A_70 = tpu.memref_slice %arg3[%add3A_7, %dma_start3A_69] : memref<64x256xf32, #tpu.memory_space<hbm>> -> memref<1x256xf32, #tpu.memory_space<hbm>>
      %dma_start3A_71 = tpu.memref_squeeze %dma_start3A_70 : memref<1x256xf32, #tpu.memory_space<hbm>> -> memref<256xf32, #tpu.memory_space<hbm>>
      %dma_start3A_72 = arith.constant 0 : i32
      %dma_start3A_73 = tpu.memref_slice %arg3[%add3A_7, %dma_start3A_72] : memref<64x256xf32, #tpu.memory_space<hbm>> -> memref<1x256xf32, #tpu.memory_space<hbm>>
      %dma_start3A_74 = tpu.memref_squeeze %dma_start3A_73 : memref<1x256xf32, #tpu.memory_space<hbm>> -> memref<256xf32, #tpu.memory_space<hbm>>
      tpu.enqueue_dma source(%arg9 : memref<256xf32, #tpu.memory_space<vmem>>) target(%dma_start3A_74 : memref<256xf32, #tpu.memory_space<hbm>>) target_semaphore(%run_scoped3A : memref<!tpu.dma_semaphore, #tpu.memory_space<semaphore_mem>>)
      %dma_wait3A = arith.constant 0 : i32
      %dma_wait3A_75 = tpu.memref_slice %arg3[%add3A_7, %dma_wait3A] : memref<64x256xf32, #tpu.memory_space<hbm>> -> memref<1x256xf32, #tpu.memory_space<hbm>>
      %dma_wait3A_76 = tpu.memref_squeeze %dma_wait3A_75 : memref<1x256xf32, #tpu.memory_space<hbm>> -> memref<256xf32, #tpu.memory_space<hbm>>
      %dma_wait3A_77 = arith.constant 0 : i32
      %dma_wait3A_78 = tpu.memref_slice %arg3[%add3A_7, %dma_wait3A_77] : memref<64x256xf32, #tpu.memory_space<hbm>> -> memref<1x256xf32, #tpu.memory_space<hbm>>
      %dma_wait3A_79 = tpu.memref_squeeze %dma_wait3A_78 : memref<1x256xf32, #tpu.memory_space<hbm>> -> memref<256xf32, #tpu.memory_space<hbm>>
      tpu.wait_dma2 semaphore(%run_scoped3A : memref<!tpu.dma_semaphore, #tpu.memory_space<semaphore_mem>>) src(%arg9 : memref<256xf32, #tpu.memory_space<vmem>>) dst(%dma_wait3A_79 : memref<256xf32, #tpu.memory_space<hbm>>)
      tpu.yield
    }) : () -> ()
    %mul3A_50 = arith.constant 2 : i32
    %mul3A_51 = arith.muli %add3A, %mul3A_50 : i32
    %add3A_52 = arith.constant 1 : i32
    %add3A_53 = arith.addi %mul3A_51, %add3A_52 : i32
    %parallel_loop3A_54 = arith.constant 0 : i32
    %parallel_loop3A_55 = arith.constant 4096 : i32
    %parallel_loop3A_56 = arith.constant 16 : i32
    scf.for %parallel_loop3A_69 = %parallel_loop3A_54 to %parallel_loop3A_55 step %parallel_loop3A_56  : i32 {
      %parallel_loop3A_70 = arith.index_cast %parallel_loop3A_69 : i32 to index
      %parallel_loop3A_71 = tpu.vector_load %arg8[%parallel_loop3A_70] {strides = array<i32>} : memref<4096xf32, #tpu.memory_space<vmem>>, vector<16xf32>,
      tpu.vector_store %arg8[%parallel_loop3A_70], %broadcast_in_dim3A_3 {strides = array<i32>} : memref<4096xf32, #tpu.memory_space<vmem>>, vector<16xf32>,
    } {sc.loop_unroll_factor = 1 : i64, sc.parallel_access}
    %scan3A_57 = arith.constant 0 : i32
    %scan3A_58 = arith.constant 0 : i32
    %scan3A_59 = arith.constant 16 : i32
    %scan3A_60 = arith.addi %scan3A_58, %scan3A_59 : i32
    %scan3A_61 = arith.constant 1 : i32
    scf.for %scan3A_69 = %scan3A_58 to %scan3A_60 step %scan3A_61  : i32 {
      %mul3A_70 = arith.constant 2 : i32
      %mul3A_71 = arith.muli %scan3A_69, %mul3A_70 : i32
      %add3A_72 = arith.constant 0 : i32
      %add3A_73 = arith.addi %mul3A_71, %add3A_72 : i32
      %mul3A_74 = arith.constant 2 : i32
      %mul3A_75 = arith.muli %mul3A_74, %add3A_73 : i32
      %add3A_76 = arith.constant 1 : i32
      %add3A_77 = arith.addi %mul3A_75, %add3A_76 : i32
      %mul3A_78 = arith.constant 16384 : i32
      %mul3A_79 = arith.muli %add3A_77, %mul3A_78 : i32
      %dma_wait3A = arith.constant 0 : i32
      %dma_wait3A_80 = arith.constant 0 : i32
      %dma_wait3A_81 = tpu.memref_slice %arg11[%arg1, %dma_wait3A, %dma_wait3A_80] : memref<16x2x16384xf32, #tpu.memory_space<vmem_shared>> -> memref<1x1x16384xf32, #tpu.memory_space<vmem_shared>>
      %dma_wait3A_82 = tpu.memref_squeeze %dma_wait3A_81 : memref<1x1x16384xf32, #tpu.memory_space<vmem_shared>> -> memref<16384xf32, #tpu.memory_space<vmem_shared>>
      %dma_wait3A_83 = tpu.memref_slice %arg2[%add3A_53, %mul3A_79] : memref<64x1048576xf32, #tpu.memory_space<hbm>> -> memref<1x16384xf32, #tpu.memory_space<hbm>>
      %dma_wait3A_84 = tpu.memref_squeeze %dma_wait3A_83 : memref<1x16384xf32, #tpu.memory_space<hbm>> -> memref<16384xf32, #tpu.memory_space<hbm>>
      tpu.wait_dma2 semaphore(%arg14 : memref<!tpu.dma_semaphore, #tpu.memory_space<semaphore_mem>>) src(%dma_wait3A_84 : memref<16384xf32, #tpu.memory_space<hbm>>) dst(%dma_wait3A_82 : memref<16384xf32, #tpu.memory_space<vmem_shared>>)
      %dma_start3A_85 = arith.constant 0 : i32
      %dma_start3A_86 = arith.constant 0 : i32
      %dma_start3A_87 = tpu.memref_slice %arg11[%arg1, %dma_start3A_85, %dma_start3A_86] : memref<16x2x16384xf32, #tpu.memory_space<vmem_shared>> -> memref<1x1x16384xf32, #tpu.memory_space<vmem_shared>>
      %dma_start3A_88 = tpu.memref_squeeze %dma_start3A_87 : memref<1x1x16384xf32, #tpu.memory_space<vmem_shared>> -> memref<16384xf32, #tpu.memory_space<vmem_shared>>
      %dma_start3A_89 = arith.constant 0 : i32
      %dma_start3A_90 = tpu.memref_slice %arg11[%arg1, %dma_start3A_85, %dma_start3A_89] : memref<16x2x16384xf32, #tpu.memory_space<vmem_shared>> -> memref<1x1x16384xf32, #tpu.memory_space<vmem_shared>>
      %dma_start3A_91 = tpu.memref_squeeze %dma_start3A_90 : memref<1x1x16384xf32, #tpu.memory_space<vmem_shared>> -> memref<16384xf32, #tpu.memory_space<vmem_shared>>
      tpu.enqueue_dma source(%dma_start3A_91 : memref<16384xf32, #tpu.memory_space<vmem_shared>>) target(%arg6 : memref<16384xf32, #tpu.memory_space<vmem>>) target_semaphore(%arg16 : memref<!tpu.dma_semaphore, #tpu.memory_space<semaphore_mem>>)
      %add3A_92 = arith.constant 1 : i32
      %add3A_93 = arith.addi %add3A_73, %add3A_92 : i32
      %lt3A = arith.constant 32 : i32
      %lt3A_94 = arith.cmpi slt, %add3A_93, %lt3A : i32
      %convert_element_type3A = arith.extui %lt3A_94 : i1 to i32
      %cond3A = arith.constant 0 : i32
      %cond3A_95 = arith.cmpi ne, %convert_element_type3A, %cond3A : i32
      scf.if %cond3A_95 {
        %mul3A_168 = arith.constant 2 : i32
        %mul3A_169 = arith.muli %mul3A_168, %add3A_73 : i32
        %add3A_170 = arith.constant 2 : i32
        %add3A_171 = arith.addi %mul3A_169, %add3A_170 : i32
        %mul3A_172 = arith.constant 16384 : i32
        %mul3A_173 = arith.muli %add3A_171, %mul3A_172 : i32
        %dma_start3A_174 = tpu.memref_slice %arg2[%add3A_53, %mul3A_173] : memref<64x1048576xf32, #tpu.memory_space<hbm>> -> memref<1x16384xf32, #tpu.memory_space<hbm>>
        %dma_start3A_175 = tpu.memref_squeeze %dma_start3A_174 : memref<1x16384xf32, #tpu.memory_space<hbm>> -> memref<16384xf32, #tpu.memory_space<hbm>>
        %dma_start3A_176 = tpu.memref_slice %arg2[%add3A_53, %mul3A_173] : memref<64x1048576xf32, #tpu.memory_space<hbm>> -> memref<1x16384xf32, #tpu.memory_space<hbm>>
        %dma_start3A_177 = tpu.memref_squeeze %dma_start3A_176 : memref<1x16384xf32, #tpu.memory_space<hbm>> -> memref<16384xf32, #tpu.memory_space<hbm>>
        tpu.enqueue_dma source(%dma_start3A_177 : memref<16384xf32, #tpu.memory_space<hbm>>) target(%arg5 : memref<16384xf32, #tpu.memory_space<vmem>>) target_semaphore(%arg13 : memref<!tpu.dma_semaphore, #tpu.memory_space<semaphore_mem>>)
        %mul3A_178 = arith.constant 2 : i32
        %mul3A_179 = arith.muli %mul3A_178, %add3A_73 : i32
        %add3A_180 = arith.constant 3 : i32
        %add3A_181 = arith.addi %mul3A_179, %add3A_180 : i32
        %mul3A_182 = arith.constant 16384 : i32
        %mul3A_183 = arith.muli %add3A_181, %mul3A_182 : i32
        %dma_start3A_184 = arith.constant 1 : i32
        %dma_start3A_185 = arith.constant 0 : i32
        %dma_start3A_186 = tpu.memref_slice %arg11[%arg1, %dma_start3A_184, %dma_start3A_185] : memref<16x2x16384xf32, #tpu.memory_space<vmem_shared>> -> memref<1x1x16384xf32, #tpu.memory_space<vmem_shared>>
        %dma_start3A_187 = tpu.memref_squeeze %dma_start3A_186 : memref<1x1x16384xf32, #tpu.memory_space<vmem_shared>> -> memref<16384xf32, #tpu.memory_space<vmem_shared>>
        %dma_start3A_188 = tpu.memref_slice %arg2[%add3A_53, %mul3A_183] : memref<64x1048576xf32, #tpu.memory_space<hbm>> -> memref<1x16384xf32, #tpu.memory_space<hbm>>
        %dma_start3A_189 = tpu.memref_squeeze %dma_start3A_188 : memref<1x16384xf32, #tpu.memory_space<hbm>> -> memref<16384xf32, #tpu.memory_space<hbm>>
        tpu.enqueue_dma source(%dma_start3A_189 : memref<16384xf32, #tpu.memory_space<hbm>>) target(%dma_start3A_187 : memref<16384xf32, #tpu.memory_space<vmem_shared>>) target_semaphore(%arg15 : memref<!tpu.dma_semaphore, #tpu.memory_space<semaphore_mem>>)
      } else {
      }
      %mul3A_96 = arith.constant 2 : i32
      %mul3A_97 = arith.muli %mul3A_96, %add3A_73 : i32
      %mul3A_98 = arith.constant 16384 : i32
      %mul3A_99 = arith.muli %mul3A_97, %mul3A_98 : i32
      %dma_wait3A_100 = tpu.memref_slice %arg2[%add3A_53, %mul3A_99] : memref<64x1048576xf32, #tpu.memory_space<hbm>> -> memref<1x16384xf32, #tpu.memory_space<hbm>>
      %dma_wait3A_101 = tpu.memref_squeeze %dma_wait3A_100 : memref<1x16384xf32, #tpu.memory_space<hbm>> -> memref<16384xf32, #tpu.memory_space<hbm>>
      %dma_wait3A_102 = tpu.memref_slice %arg2[%add3A_53, %mul3A_99] : memref<64x1048576xf32, #tpu.memory_space<hbm>> -> memref<1x16384xf32, #tpu.memory_space<hbm>>
      %dma_wait3A_103 = tpu.memref_squeeze %dma_wait3A_102 : memref<1x16384xf32, #tpu.memory_space<hbm>> -> memref<16384xf32, #tpu.memory_space<hbm>>
      tpu.wait_dma2 semaphore(%arg12 : memref<!tpu.dma_semaphore, #tpu.memory_space<semaphore_mem>>) src(%dma_wait3A_103 : memref<16384xf32, #tpu.memory_space<hbm>>) dst(%arg4 : memref<16384xf32, #tpu.memory_space<vmem>>)
      %parallel_loop3A_104 = arith.constant 0 : i32
      %parallel_loop3A_105 = arith.constant 16384 : i32
      %parallel_loop3A_106 = arith.constant 16 : i32
      scf.for %parallel_loop3A_168 = %parallel_loop3A_104 to %parallel_loop3A_105 step %parallel_loop3A_106  : i32 {
        %parallel_loop3A_169 = arith.index_cast %parallel_loop3A_168 : i32 to index
        %parallel_loop3A_170 = tpu.vector_load %arg4[%parallel_loop3A_169] {strides = array<i32>} : memref<16384xf32, #tpu.memory_space<vmem>>, vector<16xf32>,
        %parallel_loop3A_171 = arith.constant 2.560000e+02 : f32
        %parallel_loop3A_172 = vector.broadcast %parallel_loop3A_171 : f32 to vector<16xf32>
        %parallel_loop3A_173 = arith.mulf %parallel_loop3A_170, %parallel_loop3A_172 : vector<16xf32>
        %parallel_loop3A_174 = arith.fptosi %parallel_loop3A_173 : vector<16xf32> to vector<16xi32>
        %parallel_loop3A_175 = arith.constant 16 : i32
        %parallel_loop3A_176 = vector.broadcast %parallel_loop3A_175 : i32 to vector<16xi32>
        %parallel_loop3A_177 = arith.muli %parallel_loop3A_174, %parallel_loop3A_176 : vector<16xi32>
        %parallel_loop3A_178 = arith.addi %parallel_loop3A_177, %iota3A : vector<16xi32>
        tpu.vector_store_idx %arg8[%parallel_loop3A_178], %broadcast_in_dim3A_1 {add = true} : memref<4096xf32, #tpu.memory_space<vmem>>[vector<16xi32>], vector<16xf32>,
      } {sc.loop_unroll_factor = 16 : i64, sc.parallel_access}
      %dma_wait3A_107 = arith.constant 0 : i32
      %dma_wait3A_108 = arith.constant 0 : i32
      %dma_wait3A_109 = tpu.memref_slice %arg11[%arg1, %dma_wait3A_107, %dma_wait3A_108] : memref<16x2x16384xf32, #tpu.memory_space<vmem_shared>> -> memref<1x1x16384xf32, #tpu.memory_space<vmem_shared>>
      %dma_wait3A_110 = tpu.memref_squeeze %dma_wait3A_109 : memref<1x1x16384xf32, #tpu.memory_space<vmem_shared>> -> memref<16384xf32, #tpu.memory_space<vmem_shared>>
      %dma_wait3A_111 = arith.constant 0 : i32
      %dma_wait3A_112 = tpu.memref_slice %arg11[%arg1, %dma_wait3A_107, %dma_wait3A_111] : memref<16x2x16384xf32, #tpu.memory_space<vmem_shared>> -> memref<1x1x16384xf32, #tpu.memory_space<vmem_shared>>
      %dma_wait3A_113 = tpu.memref_squeeze %dma_wait3A_112 : memref<1x1x16384xf32, #tpu.memory_space<vmem_shared>> -> memref<16384xf32, #tpu.memory_space<vmem_shared>>
      tpu.wait_dma2 semaphore(%arg16 : memref<!tpu.dma_semaphore, #tpu.memory_space<semaphore_mem>>) src(%dma_wait3A_113 : memref<16384xf32, #tpu.memory_space<vmem_shared>>) dst(%arg6 : memref<16384xf32, #tpu.memory_space<vmem>>)
      %parallel_loop3A_114 = arith.constant 0 : i32
      %parallel_loop3A_115 = arith.constant 16384 : i32
      %parallel_loop3A_116 = arith.constant 16 : i32
      scf.for %parallel_loop3A_168 = %parallel_loop3A_114 to %parallel_loop3A_115 step %parallel_loop3A_116  : i32 {
        %parallel_loop3A_169 = arith.index_cast %parallel_loop3A_168 : i32 to index
        %parallel_loop3A_170 = tpu.vector_load %arg6[%parallel_loop3A_169] {strides = array<i32>} : memref<16384xf32, #tpu.memory_space<vmem>>, vector<16xf32>,
        %parallel_loop3A_171 = arith.constant 2.560000e+02 : f32
        %parallel_loop3A_172 = vector.broadcast %parallel_loop3A_171 : f32 to vector<16xf32>
        %parallel_loop3A_173 = arith.mulf %parallel_loop3A_170, %parallel_loop3A_172 : vector<16xf32>
        %parallel_loop3A_174 = arith.fptosi %parallel_loop3A_173 : vector<16xf32> to vector<16xi32>
        %parallel_loop3A_175 = arith.constant 16 : i32
        %parallel_loop3A_176 = vector.broadcast %parallel_loop3A_175 : i32 to vector<16xi32>
        %parallel_loop3A_177 = arith.muli %parallel_loop3A_174, %parallel_loop3A_176 : vector<16xi32>
        %parallel_loop3A_178 = arith.addi %parallel_loop3A_177, %iota3A : vector<16xi32>
        tpu.vector_store_idx %arg8[%parallel_loop3A_178], %broadcast_in_dim3A_1 {add = true} : memref<4096xf32, #tpu.memory_space<vmem>>[vector<16xi32>], vector<16xf32>,
      } {sc.loop_unroll_factor = 16 : i64, sc.parallel_access}
      %mul3A_117 = arith.constant 2 : i32
      %mul3A_118 = arith.muli %scan3A_69, %mul3A_117 : i32
      %add3A_119 = arith.constant 1 : i32
      %add3A_120 = arith.addi %mul3A_118, %add3A_119 : i32
      %mul3A_121 = arith.constant 2 : i32
      %mul3A_122 = arith.muli %mul3A_121, %add3A_120 : i32
      %add3A_123 = arith.constant 1 : i32
      %add3A_124 = arith.addi %mul3A_122, %add3A_123 : i32
      %mul3A_125 = arith.constant 16384 : i32
      %mul3A_126 = arith.muli %add3A_124, %mul3A_125 : i32
      %dma_wait3A_127 = arith.constant 1 : i32
      %dma_wait3A_128 = arith.constant 0 : i32
      %dma_wait3A_129 = tpu.memref_slice %arg11[%arg1, %dma_wait3A_127, %dma_wait3A_128] : memref<16x2x16384xf32, #tpu.memory_space<vmem_shared>> -> memref<1x1x16384xf32, #tpu.memory_space<vmem_shared>>
      %dma_wait3A_130 = tpu.memref_squeeze %dma_wait3A_129 : memref<1x1x16384xf32, #tpu.memory_space<vmem_shared>> -> memref<16384xf32, #tpu.memory_space<vmem_shared>>
      %dma_wait3A_131 = tpu.memref_slice %arg2[%add3A_53, %mul3A_126] : memref<64x1048576xf32, #tpu.memory_space<hbm>> -> memref<1x16384xf32, #tpu.memory_space<hbm>>
      %dma_wait3A_132 = tpu.memref_squeeze %dma_wait3A_131 : memref<1x16384xf32, #tpu.memory_space<hbm>> -> memref<16384xf32, #tpu.memory_space<hbm>>
      tpu.wait_dma2 semaphore(%arg15 : memref<!tpu.dma_semaphore, #tpu.memory_space<semaphore_mem>>) src(%dma_wait3A_132 : memref<16384xf32, #tpu.memory_space<hbm>>) dst(%dma_wait3A_130 : memref<16384xf32, #tpu.memory_space<vmem_shared>>)
      %dma_start3A_133 = arith.constant 1 : i32
      %dma_start3A_134 = arith.constant 0 : i32
      %dma_start3A_135 = tpu.memref_slice %arg11[%arg1, %dma_start3A_133, %dma_start3A_134] : memref<16x2x16384xf32, #tpu.memory_space<vmem_shared>> -> memref<1x1x16384xf32, #tpu.memory_space<vmem_shared>>
      %dma_start3A_136 = tpu.memref_squeeze %dma_start3A_135 : memref<1x1x16384xf32, #tpu.memory_space<vmem_shared>> -> memref<16384xf32, #tpu.memory_space<vmem_shared>>
      %dma_start3A_137 = arith.constant 0 : i32
      %dma_start3A_138 = tpu.memref_slice %arg11[%arg1, %dma_start3A_133, %dma_start3A_137] : memref<16x2x16384xf32, #tpu.memory_space<vmem_shared>> -> memref<1x1x16384xf32, #tpu.memory_space<vmem_shared>>
      %dma_start3A_139 = tpu.memref_squeeze %dma_start3A_138 : memref<1x1x16384xf32, #tpu.memory_space<vmem_shared>> -> memref<16384xf32, #tpu.memory_space<vmem_shared>>
      tpu.enqueue_dma source(%dma_start3A_139 : memref<16384xf32, #tpu.memory_space<vmem_shared>>) target(%arg7 : memref<16384xf32, #tpu.memory_space<vmem>>) target_semaphore(%arg17 : memref<!tpu.dma_semaphore, #tpu.memory_space<semaphore_mem>>)
      %add3A_140 = arith.constant 1 : i32
      %add3A_141 = arith.addi %add3A_120, %add3A_140 : i32
      %lt3A_142 = arith.constant 32 : i32
      %lt3A_143 = arith.cmpi slt, %add3A_141, %lt3A_142 : i32
      %convert_element_type3A_144 = arith.extui %lt3A_143 : i1 to i32
      %cond3A_145 = arith.constant 0 : i32
      %cond3A_146 = arith.cmpi ne, %convert_element_type3A_144, %cond3A_145 : i32
      scf.if %cond3A_146 {
        %mul3A_168 = arith.constant 2 : i32
        %mul3A_169 = arith.muli %mul3A_168, %add3A_120 : i32
        %add3A_170 = arith.constant 2 : i32
        %add3A_171 = arith.addi %mul3A_169, %add3A_170 : i32
        %mul3A_172 = arith.constant 16384 : i32
        %mul3A_173 = arith.muli %add3A_171, %mul3A_172 : i32
        %dma_start3A_174 = tpu.memref_slice %arg2[%add3A_53, %mul3A_173] : memref<64x1048576xf32, #tpu.memory_space<hbm>> -> memref<1x16384xf32, #tpu.memory_space<hbm>>
        %dma_start3A_175 = tpu.memref_squeeze %dma_start3A_174 : memref<1x16384xf32, #tpu.memory_space<hbm>> -> memref<16384xf32, #tpu.memory_space<hbm>>
        %dma_start3A_176 = tpu.memref_slice %arg2[%add3A_53, %mul3A_173] : memref<64x1048576xf32, #tpu.memory_space<hbm>> -> memref<1x16384xf32, #tpu.memory_space<hbm>>
        %dma_start3A_177 = tpu.memref_squeeze %dma_start3A_176 : memref<1x16384xf32, #tpu.memory_space<hbm>> -> memref<16384xf32, #tpu.memory_space<hbm>>
        tpu.enqueue_dma source(%dma_start3A_177 : memref<16384xf32, #tpu.memory_space<hbm>>) target(%arg4 : memref<16384xf32, #tpu.memory_space<vmem>>) target_semaphore(%arg12 : memref<!tpu.dma_semaphore, #tpu.memory_space<semaphore_mem>>)
        %mul3A_178 = arith.constant 2 : i32
        %mul3A_179 = arith.muli %mul3A_178, %add3A_120 : i32
        %add3A_180 = arith.constant 3 : i32
        %add3A_181 = arith.addi %mul3A_179, %add3A_180 : i32
        %mul3A_182 = arith.constant 16384 : i32
        %mul3A_183 = arith.muli %add3A_181, %mul3A_182 : i32
        %dma_start3A_184 = arith.constant 0 : i32
        %dma_start3A_185 = arith.constant 0 : i32
        %dma_start3A_186 = tpu.memref_slice %arg11[%arg1, %dma_start3A_184, %dma_start3A_185] : memref<16x2x16384xf32, #tpu.memory_space<vmem_shared>> -> memref<1x1x16384xf32, #tpu.memory_space<vmem_shared>>
        %dma_start3A_187 = tpu.memref_squeeze %dma_start3A_186 : memref<1x1x16384xf32, #tpu.memory_space<vmem_shared>> -> memref<16384xf32, #tpu.memory_space<vmem_shared>>
        %dma_start3A_188 = tpu.memref_slice %arg2[%add3A_53, %mul3A_183] : memref<64x1048576xf32, #tpu.memory_space<hbm>> -> memref<1x16384xf32, #tpu.memory_space<hbm>>
        %dma_start3A_189 = tpu.memref_squeeze %dma_start3A_188 : memref<1x16384xf32, #tpu.memory_space<hbm>> -> memref<16384xf32, #tpu.memory_space<hbm>>
        tpu.enqueue_dma source(%dma_start3A_189 : memref<16384xf32, #tpu.memory_space<hbm>>) target(%dma_start3A_187 : memref<16384xf32, #tpu.memory_space<vmem_shared>>) target_semaphore(%arg14 : memref<!tpu.dma_semaphore, #tpu.memory_space<semaphore_mem>>)
      } else {
      }
      %mul3A_147 = arith.constant 2 : i32
      %mul3A_148 = arith.muli %mul3A_147, %add3A_120 : i32
      %mul3A_149 = arith.constant 16384 : i32
      %mul3A_150 = arith.muli %mul3A_148, %mul3A_149 : i32
      %dma_wait3A_151 = tpu.memref_slice %arg2[%add3A_53, %mul3A_150] : memref<64x1048576xf32, #tpu.memory_space<hbm>> -> memref<1x16384xf32, #tpu.memory_space<hbm>>
      %dma_wait3A_152 = tpu.memref_squeeze %dma_wait3A_151 : memref<1x16384xf32, #tpu.memory_space<hbm>> -> memref<16384xf32, #tpu.memory_space<hbm>>
      %dma_wait3A_153 = tpu.memref_slice %arg2[%add3A_53, %mul3A_150] : memref<64x1048576xf32, #tpu.memory_space<hbm>> -> memref<1x16384xf32, #tpu.memory_space<hbm>>
      %dma_wait3A_154 = tpu.memref_squeeze %dma_wait3A_153 : memref<1x16384xf32, #tpu.memory_space<hbm>> -> memref<16384xf32, #tpu.memory_space<hbm>>
      tpu.wait_dma2 semaphore(%arg13 : memref<!tpu.dma_semaphore, #tpu.memory_space<semaphore_mem>>) src(%dma_wait3A_154 : memref<16384xf32, #tpu.memory_space<hbm>>) dst(%arg5 : memref<16384xf32, #tpu.memory_space<vmem>>)
      %parallel_loop3A_155 = arith.constant 0 : i32
      %parallel_loop3A_156 = arith.constant 16384 : i32
      %parallel_loop3A_157 = arith.constant 16 : i32
      scf.for %parallel_loop3A_168 = %parallel_loop3A_155 to %parallel_loop3A_156 step %parallel_loop3A_157  : i32 {
        %parallel_loop3A_169 = arith.index_cast %parallel_loop3A_168 : i32 to index
        %parallel_loop3A_170 = tpu.vector_load %arg5[%parallel_loop3A_169] {strides = array<i32>} : memref<16384xf32, #tpu.memory_space<vmem>>, vector<16xf32>,
        %parallel_loop3A_171 = arith.constant 2.560000e+02 : f32
        %parallel_loop3A_172 = vector.broadcast %parallel_loop3A_171 : f32 to vector<16xf32>
        %parallel_loop3A_173 = arith.mulf %parallel_loop3A_170, %parallel_loop3A_172 : vector<16xf32>
        %parallel_loop3A_174 = arith.fptosi %parallel_loop3A_173 : vector<16xf32> to vector<16xi32>
        %parallel_loop3A_175 = arith.constant 16 : i32
        %parallel_loop3A_176 = vector.broadcast %parallel_loop3A_175 : i32 to vector<16xi32>
        %parallel_loop3A_177 = arith.muli %parallel_loop3A_174, %parallel_loop3A_176 : vector<16xi32>
        %parallel_loop3A_178 = arith.addi %parallel_loop3A_177, %iota3A : vector<16xi32>
        tpu.vector_store_idx %arg8[%parallel_loop3A_178], %broadcast_in_dim3A_1 {add = true} : memref<4096xf32, #tpu.memory_space<vmem>>[vector<16xi32>], vector<16xf32>,
      } {sc.loop_unroll_factor = 16 : i64, sc.parallel_access}
      %dma_wait3A_158 = arith.constant 1 : i32
      %dma_wait3A_159 = arith.constant 0 : i32
      %dma_wait3A_160 = tpu.memref_slice %arg11[%arg1, %dma_wait3A_158, %dma_wait3A_159] : memref<16x2x16384xf32, #tpu.memory_space<vmem_shared>> -> memref<1x1x16384xf32, #tpu.memory_space<vmem_shared>>
      %dma_wait3A_161 = tpu.memref_squeeze %dma_wait3A_160 : memref<1x1x16384xf32, #tpu.memory_space<vmem_shared>> -> memref<16384xf32, #tpu.memory_space<vmem_shared>>
      %dma_wait3A_162 = arith.constant 0 : i32
      %dma_wait3A_163 = tpu.memref_slice %arg11[%arg1, %dma_wait3A_158, %dma_wait3A_162] : memref<16x2x16384xf32, #tpu.memory_space<vmem_shared>> -> memref<1x1x16384xf32, #tpu.memory_space<vmem_shared>>
      %dma_wait3A_164 = tpu.memref_squeeze %dma_wait3A_163 : memref<1x1x16384xf32, #tpu.memory_space<vmem_shared>> -> memref<16384xf32, #tpu.memory_space<vmem_shared>>
      tpu.wait_dma2 semaphore(%arg17 : memref<!tpu.dma_semaphore, #tpu.memory_space<semaphore_mem>>) src(%dma_wait3A_164 : memref<16384xf32, #tpu.memory_space<vmem_shared>>) dst(%arg7 : memref<16384xf32, #tpu.memory_space<vmem>>)
      %parallel_loop3A_165 = arith.constant 0 : i32
      %parallel_loop3A_166 = arith.constant 16384 : i32
      %parallel_loop3A_167 = arith.constant 16 : i32
      scf.for %parallel_loop3A_168 = %parallel_loop3A_165 to %parallel_loop3A_166 step %parallel_loop3A_167  : i32 {
        %parallel_loop3A_169 = arith.index_cast %parallel_loop3A_168 : i32 to index
        %parallel_loop3A_170 = tpu.vector_load %arg7[%parallel_loop3A_169] {strides = array<i32>} : memref<16384xf32, #tpu.memory_space<vmem>>, vector<16xf32>,
        %parallel_loop3A_171 = arith.constant 2.560000e+02 : f32
        %parallel_loop3A_172 = vector.broadcast %parallel_loop3A_171 : f32 to vector<16xf32>
        %parallel_loop3A_173 = arith.mulf %parallel_loop3A_170, %parallel_loop3A_172 : vector<16xf32>
        %parallel_loop3A_174 = arith.fptosi %parallel_loop3A_173 : vector<16xf32> to vector<16xi32>
        %parallel_loop3A_175 = arith.constant 16 : i32
        %parallel_loop3A_176 = vector.broadcast %parallel_loop3A_175 : i32 to vector<16xi32>
        %parallel_loop3A_177 = arith.muli %parallel_loop3A_174, %parallel_loop3A_176 : vector<16xi32>
        %parallel_loop3A_178 = arith.addi %parallel_loop3A_177, %iota3A : vector<16xi32>
        tpu.vector_store_idx %arg8[%parallel_loop3A_178], %broadcast_in_dim3A_1 {add = true} : memref<4096xf32, #tpu.memory_space<vmem>>[vector<16xi32>], vector<16xf32>,
      } {sc.loop_unroll_factor = 16 : i64, sc.parallel_access}
    }
    %scan3A_62 = arith.constant 16 : i32
    %scan3A_63 = arith.constant 0 : i32
    %scan3A_64 = arith.constant 0 : i32
    %scan3A_65 = arith.constant 16 : i32
    %scan3A_66 = arith.addi %scan3A_64, %scan3A_65 : i32
    %scan3A_67 = arith.constant 1 : i32
    scf.for %scan3A_69 = %scan3A_64 to %scan3A_66 step %scan3A_67  : i32 {
      %mul3A_70 = arith.constant 16 : i32
      %mul3A_71 = vector.broadcast %mul3A_70 : i32 to vector<16xi32>
      %mul3A_72 = arith.muli %iota3A, %mul3A_71 : vector<16xi32>
      %add3A_73 = arith.constant 0 : i32
      %add3A_74 = vector.broadcast %add3A_73 : i32 to vector<16xi32>
      %add3A_75 = arith.addi %mul3A_72, %add3A_74 : vector<16xi32>
      %mul3A_76 = arith.constant 256 : i32
      %mul3A_77 = arith.muli %scan3A_69, %mul3A_76 : i32
      %add3A_78 = arith.constant 0 : i32
      %add3A_79 = arith.addi %mul3A_77, %add3A_78 : i32
      %get3A = arith.index_cast %add3A_79 : i32 to index
      %get3A_80 = tpu.vector_load %arg8[%get3A] {strides = array<i32>} : memref<4096xf32, #tpu.memory_space<vmem>>, vector<16xf32>,
      tpu.vector_store_idx %arg10[%add3A_75], %get3A_80 : memref<256xf32, #tpu.memory_space<vmem>>[vector<16xi32>], vector<16xf32>,
      %mul3A_81 = arith.constant 16 : i32
      %mul3A_82 = vector.broadcast %mul3A_81 : i32 to vector<16xi32>
      %mul3A_83 = arith.muli %iota3A, %mul3A_82 : vector<16xi32>
      %add3A_84 = arith.constant 1 : i32
      %add3A_85 = vector.broadcast %add3A_84 : i32 to vector<16xi32>
      %add3A_86 = arith.addi %mul3A_83, %add3A_85 : vector<16xi32>
      %mul3A_87 = arith.constant 256 : i32
      %mul3A_88 = arith.muli %scan3A_69, %mul3A_87 : i32
      %add3A_89 = arith.constant 16 : i32
      %add3A_90 = arith.addi %mul3A_88, %add3A_89 : i32
      %get3A_91 = arith.index_cast %add3A_90 : i32 to index
      %get3A_92 = tpu.vector_load %arg8[%get3A_91] {strides = array<i32>} : memref<4096xf32, #tpu.memory_space<vmem>>, vector<16xf32>,
      tpu.vector_store_idx %arg10[%add3A_86], %get3A_92 : memref<256xf32, #tpu.memory_space<vmem>>[vector<16xi32>], vector<16xf32>,
      %mul3A_93 = arith.constant 16 : i32
      %mul3A_94 = vector.broadcast %mul3A_93 : i32 to vector<16xi32>
      %mul3A_95 = arith.muli %iota3A, %mul3A_94 : vector<16xi32>
      %add3A_96 = arith.constant 2 : i32
      %add3A_97 = vector.broadcast %add3A_96 : i32 to vector<16xi32>
      %add3A_98 = arith.addi %mul3A_95, %add3A_97 : vector<16xi32>
      %mul3A_99 = arith.constant 256 : i32
      %mul3A_100 = arith.muli %scan3A_69, %mul3A_99 : i32
      %add3A_101 = arith.constant 32 : i32
      %add3A_102 = arith.addi %mul3A_100, %add3A_101 : i32
      %get3A_103 = arith.index_cast %add3A_102 : i32 to index
      %get3A_104 = tpu.vector_load %arg8[%get3A_103] {strides = array<i32>} : memref<4096xf32, #tpu.memory_space<vmem>>, vector<16xf32>,
      tpu.vector_store_idx %arg10[%add3A_98], %get3A_104 : memref<256xf32, #tpu.memory_space<vmem>>[vector<16xi32>], vector<16xf32>,
      %mul3A_105 = arith.constant 16 : i32
      %mul3A_106 = vector.broadcast %mul3A_105 : i32 to vector<16xi32>
      %mul3A_107 = arith.muli %iota3A, %mul3A_106 : vector<16xi32>
      %add3A_108 = arith.constant 3 : i32
      %add3A_109 = vector.broadcast %add3A_108 : i32 to vector<16xi32>
      %add3A_110 = arith.addi %mul3A_107, %add3A_109 : vector<16xi32>
      %mul3A_111 = arith.constant 256 : i32
      %mul3A_112 = arith.muli %scan3A_69, %mul3A_111 : i32
      %add3A_113 = arith.constant 48 : i32
      %add3A_114 = arith.addi %mul3A_112, %add3A_113 : i32
      %get3A_115 = arith.index_cast %add3A_114 : i32 to index
      %get3A_116 = tpu.vector_load %arg8[%get3A_115] {strides = array<i32>} : memref<4096xf32, #tpu.memory_space<vmem>>, vector<16xf32>,
      tpu.vector_store_idx %arg10[%add3A_110], %get3A_116 : memref<256xf32, #tpu.memory_space<vmem>>[vector<16xi32>], vector<16xf32>,
      %mul3A_117 = arith.constant 16 : i32
      %mul3A_118 = vector.broadcast %mul3A_117 : i32 to vector<16xi32>
      %mul3A_119 = arith.muli %iota3A, %mul3A_118 : vector<16xi32>
      %add3A_120 = arith.constant 4 : i32
      %add3A_121 = vector.broadcast %add3A_120 : i32 to vector<16xi32>
      %add3A_122 = arith.addi %mul3A_119, %add3A_121 : vector<16xi32>
      %mul3A_123 = arith.constant 256 : i32
      %mul3A_124 = arith.muli %scan3A_69, %mul3A_123 : i32
      %add3A_125 = arith.constant 64 : i32
      %add3A_126 = arith.addi %mul3A_124, %add3A_125 : i32
      %get3A_127 = arith.index_cast %add3A_126 : i32 to index
      %get3A_128 = tpu.vector_load %arg8[%get3A_127] {strides = array<i32>} : memref<4096xf32, #tpu.memory_space<vmem>>, vector<16xf32>,
      tpu.vector_store_idx %arg10[%add3A_122], %get3A_128 : memref<256xf32, #tpu.memory_space<vmem>>[vector<16xi32>], vector<16xf32>,
      %mul3A_129 = arith.constant 16 : i32
      %mul3A_130 = vector.broadcast %mul3A_129 : i32 to vector<16xi32>
      %mul3A_131 = arith.muli %iota3A, %mul3A_130 : vector<16xi32>
      %add3A_132 = arith.constant 5 : i32
      %add3A_133 = vector.broadcast %add3A_132 : i32 to vector<16xi32>
      %add3A_134 = arith.addi %mul3A_131, %add3A_133 : vector<16xi32>
      %mul3A_135 = arith.constant 256 : i32
      %mul3A_136 = arith.muli %scan3A_69, %mul3A_135 : i32
      %add3A_137 = arith.constant 80 : i32
      %add3A_138 = arith.addi %mul3A_136, %add3A_137 : i32
      %get3A_139 = arith.index_cast %add3A_138 : i32 to index
      %get3A_140 = tpu.vector_load %arg8[%get3A_139] {strides = array<i32>} : memref<4096xf32, #tpu.memory_space<vmem>>, vector<16xf32>,
      tpu.vector_store_idx %arg10[%add3A_134], %get3A_140 : memref<256xf32, #tpu.memory_space<vmem>>[vector<16xi32>], vector<16xf32>,
      %mul3A_141 = arith.constant 16 : i32
      %mul3A_142 = vector.broadcast %mul3A_141 : i32 to vector<16xi32>
      %mul3A_143 = arith.muli %iota3A, %mul3A_142 : vector<16xi32>
      %add3A_144 = arith.constant 6 : i32
      %add3A_145 = vector.broadcast %add3A_144 : i32 to vector<16xi32>
      %add3A_146 = arith.addi %mul3A_143, %add3A_145 : vector<16xi32>
      %mul3A_147 = arith.constant 256 : i32
      %mul3A_148 = arith.muli %scan3A_69, %mul3A_147 : i32
      %add3A_149 = arith.constant 96 : i32
      %add3A_150 = arith.addi %mul3A_148, %add3A_149 : i32
      %get3A_151 = arith.index_cast %add3A_150 : i32 to index
      %get3A_152 = tpu.vector_load %arg8[%get3A_151] {strides = array<i32>} : memref<4096xf32, #tpu.memory_space<vmem>>, vector<16xf32>,
      tpu.vector_store_idx %arg10[%add3A_146], %get3A_152 : memref<256xf32, #tpu.memory_space<vmem>>[vector<16xi32>], vector<16xf32>,
      %mul3A_153 = arith.constant 16 : i32
      %mul3A_154 = vector.broadcast %mul3A_153 : i32 to vector<16xi32>
      %mul3A_155 = arith.muli %iota3A, %mul3A_154 : vector<16xi32>
      %add3A_156 = arith.constant 7 : i32
      %add3A_157 = vector.broadcast %add3A_156 : i32 to vector<16xi32>
      %add3A_158 = arith.addi %mul3A_155, %add3A_157 : vector<16xi32>
      %mul3A_159 = arith.constant 256 : i32
      %mul3A_160 = arith.muli %scan3A_69, %mul3A_159 : i32
      %add3A_161 = arith.constant 112 : i32
      %add3A_162 = arith.addi %mul3A_160, %add3A_161 : i32
      %get3A_163 = arith.index_cast %add3A_162 : i32 to index
      %get3A_164 = tpu.vector_load %arg8[%get3A_163] {strides = array<i32>} : memref<4096xf32, #tpu.memory_space<vmem>>, vector<16xf32>,
      tpu.vector_store_idx %arg10[%add3A_158], %get3A_164 : memref<256xf32, #tpu.memory_space<vmem>>[vector<16xi32>], vector<16xf32>,
      %mul3A_165 = arith.constant 16 : i32
      %mul3A_166 = vector.broadcast %mul3A_165 : i32 to vector<16xi32>
      %mul3A_167 = arith.muli %iota3A, %mul3A_166 : vector<16xi32>
      %add3A_168 = arith.constant 8 : i32
      %add3A_169 = vector.broadcast %add3A_168 : i32 to vector<16xi32>
      %add3A_170 = arith.addi %mul3A_167, %add3A_169 : vector<16xi32>
      %mul3A_171 = arith.constant 256 : i32
      %mul3A_172 = arith.muli %scan3A_69, %mul3A_171 : i32
      %add3A_173 = arith.constant 128 : i32
      %add3A_174 = arith.addi %mul3A_172, %add3A_173 : i32
      %get3A_175 = arith.index_cast %add3A_174 : i32 to index
      %get3A_176 = tpu.vector_load %arg8[%get3A_175] {strides = array<i32>} : memref<4096xf32, #tpu.memory_space<vmem>>, vector<16xf32>,
      tpu.vector_store_idx %arg10[%add3A_170], %get3A_176 : memref<256xf32, #tpu.memory_space<vmem>>[vector<16xi32>], vector<16xf32>,
      %mul3A_177 = arith.constant 16 : i32
      %mul3A_178 = vector.broadcast %mul3A_177 : i32 to vector<16xi32>
      %mul3A_179 = arith.muli %iota3A, %mul3A_178 : vector<16xi32>
      %add3A_180 = arith.constant 9 : i32
      %add3A_181 = vector.broadcast %add3A_180 : i32 to vector<16xi32>
      %add3A_182 = arith.addi %mul3A_179, %add3A_181 : vector<16xi32>
      %mul3A_183 = arith.constant 256 : i32
      %mul3A_184 = arith.muli %scan3A_69, %mul3A_183 : i32
      %add3A_185 = arith.constant 144 : i32
      %add3A_186 = arith.addi %mul3A_184, %add3A_185 : i32
      %get3A_187 = arith.index_cast %add3A_186 : i32 to index
      %get3A_188 = tpu.vector_load %arg8[%get3A_187] {strides = array<i32>} : memref<4096xf32, #tpu.memory_space<vmem>>, vector<16xf32>,
      tpu.vector_store_idx %arg10[%add3A_182], %get3A_188 : memref<256xf32, #tpu.memory_space<vmem>>[vector<16xi32>], vector<16xf32>,
      %mul3A_189 = arith.constant 16 : i32
      %mul3A_190 = vector.broadcast %mul3A_189 : i32 to vector<16xi32>
      %mul3A_191 = arith.muli %iota3A, %mul3A_190 : vector<16xi32>
      %add3A_192 = arith.constant 10 : i32
      %add3A_193 = vector.broadcast %add3A_192 : i32 to vector<16xi32>
      %add3A_194 = arith.addi %mul3A_191, %add3A_193 : vector<16xi32>
      %mul3A_195 = arith.constant 256 : i32
      %mul3A_196 = arith.muli %scan3A_69, %mul3A_195 : i32
      %add3A_197 = arith.constant 160 : i32
      %add3A_198 = arith.addi %mul3A_196, %add3A_197 : i32
      %get3A_199 = arith.index_cast %add3A_198 : i32 to index
      %get3A_200 = tpu.vector_load %arg8[%get3A_199] {strides = array<i32>} : memref<4096xf32, #tpu.memory_space<vmem>>, vector<16xf32>,
      tpu.vector_store_idx %arg10[%add3A_194], %get3A_200 : memref<256xf32, #tpu.memory_space<vmem>>[vector<16xi32>], vector<16xf32>,
      %mul3A_201 = arith.constant 16 : i32
      %mul3A_202 = vector.broadcast %mul3A_201 : i32 to vector<16xi32>
      %mul3A_203 = arith.muli %iota3A, %mul3A_202 : vector<16xi32>
      %add3A_204 = arith.constant 11 : i32
      %add3A_205 = vector.broadcast %add3A_204 : i32 to vector<16xi32>
      %add3A_206 = arith.addi %mul3A_203, %add3A_205 : vector<16xi32>
      %mul3A_207 = arith.constant 256 : i32
      %mul3A_208 = arith.muli %scan3A_69, %mul3A_207 : i32
      %add3A_209 = arith.constant 176 : i32
      %add3A_210 = arith.addi %mul3A_208, %add3A_209 : i32
      %get3A_211 = arith.index_cast %add3A_210 : i32 to index
      %get3A_212 = tpu.vector_load %arg8[%get3A_211] {strides = array<i32>} : memref<4096xf32, #tpu.memory_space<vmem>>, vector<16xf32>,
      tpu.vector_store_idx %arg10[%add3A_206], %get3A_212 : memref<256xf32, #tpu.memory_space<vmem>>[vector<16xi32>], vector<16xf32>,
      %mul3A_213 = arith.constant 16 : i32
      %mul3A_214 = vector.broadcast %mul3A_213 : i32 to vector<16xi32>
      %mul3A_215 = arith.muli %iota3A, %mul3A_214 : vector<16xi32>
      %add3A_216 = arith.constant 12 : i32
      %add3A_217 = vector.broadcast %add3A_216 : i32 to vector<16xi32>
      %add3A_218 = arith.addi %mul3A_215, %add3A_217 : vector<16xi32>
      %mul3A_219 = arith.constant 256 : i32
      %mul3A_220 = arith.muli %scan3A_69, %mul3A_219 : i32
      %add3A_221 = arith.constant 192 : i32
      %add3A_222 = arith.addi %mul3A_220, %add3A_221 : i32
      %get3A_223 = arith.index_cast %add3A_222 : i32 to index
      %get3A_224 = tpu.vector_load %arg8[%get3A_223] {strides = array<i32>} : memref<4096xf32, #tpu.memory_space<vmem>>, vector<16xf32>,
      tpu.vector_store_idx %arg10[%add3A_218], %get3A_224 : memref<256xf32, #tpu.memory_space<vmem>>[vector<16xi32>], vector<16xf32>,
      %mul3A_225 = arith.constant 16 : i32
      %mul3A_226 = vector.broadcast %mul3A_225 : i32 to vector<16xi32>
      %mul3A_227 = arith.muli %iota3A, %mul3A_226 : vector<16xi32>
      %add3A_228 = arith.constant 13 : i32
      %add3A_229 = vector.broadcast %add3A_228 : i32 to vector<16xi32>
      %add3A_230 = arith.addi %mul3A_227, %add3A_229 : vector<16xi32>
      %mul3A_231 = arith.constant 256 : i32
      %mul3A_232 = arith.muli %scan3A_69, %mul3A_231 : i32
      %add3A_233 = arith.constant 208 : i32
      %add3A_234 = arith.addi %mul3A_232, %add3A_233 : i32
      %get3A_235 = arith.index_cast %add3A_234 : i32 to index
      %get3A_236 = tpu.vector_load %arg8[%get3A_235] {strides = array<i32>} : memref<4096xf32, #tpu.memory_space<vmem>>, vector<16xf32>,
      tpu.vector_store_idx %arg10[%add3A_230], %get3A_236 : memref<256xf32, #tpu.memory_space<vmem>>[vector<16xi32>], vector<16xf32>,
      %mul3A_237 = arith.constant 16 : i32
      %mul3A_238 = vector.broadcast %mul3A_237 : i32 to vector<16xi32>
      %mul3A_239 = arith.muli %iota3A, %mul3A_238 : vector<16xi32>
      %add3A_240 = arith.constant 14 : i32
      %add3A_241 = vector.broadcast %add3A_240 : i32 to vector<16xi32>
      %add3A_242 = arith.addi %mul3A_239, %add3A_241 : vector<16xi32>
      %mul3A_243 = arith.constant 256 : i32
      %mul3A_244 = arith.muli %scan3A_69, %mul3A_243 : i32
      %add3A_245 = arith.constant 224 : i32
      %add3A_246 = arith.addi %mul3A_244, %add3A_245 : i32
      %get3A_247 = arith.index_cast %add3A_246 : i32 to index
      %get3A_248 = tpu.vector_load %arg8[%get3A_247] {strides = array<i32>} : memref<4096xf32, #tpu.memory_space<vmem>>, vector<16xf32>,
      tpu.vector_store_idx %arg10[%add3A_242], %get3A_248 : memref<256xf32, #tpu.memory_space<vmem>>[vector<16xi32>], vector<16xf32>,
      %mul3A_249 = arith.constant 16 : i32
      %mul3A_250 = vector.broadcast %mul3A_249 : i32 to vector<16xi32>
      %mul3A_251 = arith.muli %iota3A, %mul3A_250 : vector<16xi32>
      %add3A_252 = arith.constant 15 : i32
      %add3A_253 = vector.broadcast %add3A_252 : i32 to vector<16xi32>
      %add3A_254 = arith.addi %mul3A_251, %add3A_253 : vector<16xi32>
      %mul3A_255 = arith.constant 256 : i32
      %mul3A_256 = arith.muli %scan3A_69, %mul3A_255 : i32
      %add3A_257 = arith.constant 240 : i32
      %add3A_258 = arith.addi %mul3A_256, %add3A_257 : i32
      %get3A_259 = arith.index_cast %add3A_258 : i32 to index
      %get3A_260 = tpu.vector_load %arg8[%get3A_259] {strides = array<i32>} : memref<4096xf32, #tpu.memory_space<vmem>>, vector<16xf32>,
      tpu.vector_store_idx %arg10[%add3A_254], %get3A_260 : memref<256xf32, #tpu.memory_space<vmem>>[vector<16xi32>], vector<16xf32>,
      %get3A_261 = arith.constant 0 : index
      %get3A_262 = tpu.vector_load %arg10[%get3A_261] {strides = array<i32>} : memref<256xf32, #tpu.memory_space<vmem>>, vector<16xf32>,
      %get3A_263 = arith.constant 16 : index
      %get3A_264 = tpu.vector_load %arg10[%get3A_263] {strides = array<i32>} : memref<256xf32, #tpu.memory_space<vmem>>, vector<16xf32>,
      %add3A_265 = arith.addf %get3A_262, %get3A_264 : vector<16xf32>
      %get3A_266 = arith.constant 32 : index
      %get3A_267 = tpu.vector_load %arg10[%get3A_266] {strides = array<i32>} : memref<256xf32, #tpu.memory_space<vmem>>, vector<16xf32>,
      %add3A_268 = arith.addf %add3A_265, %get3A_267 : vector<16xf32>
      %get3A_269 = arith.constant 48 : index
      %get3A_270 = tpu.vector_load %arg10[%get3A_269] {strides = array<i32>} : memref<256xf32, #tpu.memory_space<vmem>>, vector<16xf32>,
      %add3A_271 = arith.addf %add3A_268, %get3A_270 : vector<16xf32>
      %get3A_272 = arith.constant 64 : index
      %get3A_273 = tpu.vector_load %arg10[%get3A_272] {strides = array<i32>} : memref<256xf32, #tpu.memory_space<vmem>>, vector<16xf32>,
      %add3A_274 = arith.addf %add3A_271, %get3A_273 : vector<16xf32>
      %get3A_275 = arith.constant 80 : index
      %get3A_276 = tpu.vector_load %arg10[%get3A_275] {strides = array<i32>} : memref<256xf32, #tpu.memory_space<vmem>>, vector<16xf32>,
      %add3A_277 = arith.addf %add3A_274, %get3A_276 : vector<16xf32>
      %get3A_278 = arith.constant 96 : index
      %get3A_279 = tpu.vector_load %arg10[%get3A_278] {strides = array<i32>} : memref<256xf32, #tpu.memory_space<vmem>>, vector<16xf32>,
      %add3A_280 = arith.addf %add3A_277, %get3A_279 : vector<16xf32>
      %get3A_281 = arith.constant 112 : index
      %get3A_282 = tpu.vector_load %arg10[%get3A_281] {strides = array<i32>} : memref<256xf32, #tpu.memory_space<vmem>>, vector<16xf32>,
      %add3A_283 = arith.addf %add3A_280, %get3A_282 : vector<16xf32>
      %get3A_284 = arith.constant 128 : index
      %get3A_285 = tpu.vector_load %arg10[%get3A_284] {strides = array<i32>} : memref<256xf32, #tpu.memory_space<vmem>>, vector<16xf32>,
      %add3A_286 = arith.addf %add3A_283, %get3A_285 : vector<16xf32>
      %get3A_287 = arith.constant 144 : index
      %get3A_288 = tpu.vector_load %arg10[%get3A_287] {strides = array<i32>} : memref<256xf32, #tpu.memory_space<vmem>>, vector<16xf32>,
      %add3A_289 = arith.addf %add3A_286, %get3A_288 : vector<16xf32>
      %get3A_290 = arith.constant 160 : index
      %get3A_291 = tpu.vector_load %arg10[%get3A_290] {strides = array<i32>} : memref<256xf32, #tpu.memory_space<vmem>>, vector<16xf32>,
      %add3A_292 = arith.addf %add3A_289, %get3A_291 : vector<16xf32>
      %get3A_293 = arith.constant 176 : index
      %get3A_294 = tpu.vector_load %arg10[%get3A_293] {strides = array<i32>} : memref<256xf32, #tpu.memory_space<vmem>>, vector<16xf32>,
      %add3A_295 = arith.addf %add3A_292, %get3A_294 : vector<16xf32>
      %get3A_296 = arith.constant 192 : index
      %get3A_297 = tpu.vector_load %arg10[%get3A_296] {strides = array<i32>} : memref<256xf32, #tpu.memory_space<vmem>>, vector<16xf32>,
      %add3A_298 = arith.addf %add3A_295, %get3A_297 : vector<16xf32>
      %get3A_299 = arith.constant 208 : index
      %get3A_300 = tpu.vector_load %arg10[%get3A_299] {strides = array<i32>} : memref<256xf32, #tpu.memory_space<vmem>>, vector<16xf32>,
      %add3A_301 = arith.addf %add3A_298, %get3A_300 : vector<16xf32>
      %get3A_302 = arith.constant 224 : index
      %get3A_303 = tpu.vector_load %arg10[%get3A_302] {strides = array<i32>} : memref<256xf32, #tpu.memory_space<vmem>>, vector<16xf32>,
      %add3A_304 = arith.addf %add3A_301, %get3A_303 : vector<16xf32>
      %get3A_305 = arith.constant 240 : index
      %get3A_306 = tpu.vector_load %arg10[%get3A_305] {strides = array<i32>} : memref<256xf32, #tpu.memory_space<vmem>>, vector<16xf32>,
      %add3A_307 = arith.addf %add3A_304, %get3A_306 : vector<16xf32>
      %mul3A_308 = arith.constant 16 : i32
      %mul3A_309 = arith.muli %scan3A_69, %mul3A_308 : i32
      %swap3A = arith.index_cast %mul3A_309 : i32 to index
      %swap3A_310 = tpu.vector_load %arg9[%swap3A] {strides = array<i32>} : memref<256xf32, #tpu.memory_space<vmem>>, vector<16xf32>,
      tpu.vector_store %arg9[%swap3A], %add3A_307 {strides = array<i32>} : memref<256xf32, #tpu.memory_space<vmem>>, vector<16xf32>,
    }
    %scan3A_68 = arith.constant 16 : i32
    "tpu.region"() ({
      %run_scoped3A = tpu.sem_alloc : memref<!tpu.dma_semaphore, #tpu.memory_space<semaphore_mem>>
      %dma_start3A_69 = arith.constant 0 : i32
      %dma_start3A_70 = tpu.memref_slice %arg3[%add3A_53, %dma_start3A_69] : memref<64x256xf32, #tpu.memory_space<hbm>> -> memref<1x256xf32, #tpu.memory_space<hbm>>
      %dma_start3A_71 = tpu.memref_squeeze %dma_start3A_70 : memref<1x256xf32, #tpu.memory_space<hbm>> -> memref<256xf32, #tpu.memory_space<hbm>>
      %dma_start3A_72 = arith.constant 0 : i32
      %dma_start3A_73 = tpu.memref_slice %arg3[%add3A_53, %dma_start3A_72] : memref<64x256xf32, #tpu.memory_space<hbm>> -> memref<1x256xf32, #tpu.memory_space<hbm>>
      %dma_start3A_74 = tpu.memref_squeeze %dma_start3A_73 : memref<1x256xf32, #tpu.memory_space<hbm>> -> memref<256xf32, #tpu.memory_space<hbm>>
      tpu.enqueue_dma source(%arg9 : memref<256xf32, #tpu.memory_space<vmem>>) target(%dma_start3A_74 : memref<256xf32, #tpu.memory_space<hbm>>) target_semaphore(%run_scoped3A : memref<!tpu.dma_semaphore, #tpu.memory_space<semaphore_mem>>)
      %dma_wait3A = arith.constant 0 : i32
      %dma_wait3A_75 = tpu.memref_slice %arg3[%add3A_53, %dma_wait3A] : memref<64x256xf32, #tpu.memory_space<hbm>> -> memref<1x256xf32, #tpu.memory_space<hbm>>
      %dma_wait3A_76 = tpu.memref_squeeze %dma_wait3A_75 : memref<1x256xf32, #tpu.memory_space<hbm>> -> memref<256xf32, #tpu.memory_space<hbm>>
      %dma_wait3A_77 = arith.constant 0 : i32
      %dma_wait3A_78 = tpu.memref_slice %arg3[%add3A_53, %dma_wait3A_77] : memref<64x256xf32, #tpu.memory_space<hbm>> -> memref<1x256xf32, #tpu.memory_space<hbm>>
      %dma_wait3A_79 = tpu.memref_squeeze %dma_wait3A_78 : memref<1x256xf32, #tpu.memory_space<hbm>> -> memref<256xf32, #tpu.memory_space<hbm>>
      tpu.wait_dma2 semaphore(%run_scoped3A : memref<!tpu.dma_semaphore, #tpu.memory_space<semaphore_mem>>) src(%arg9 : memref<256xf32, #tpu.memory_space<vmem>>) dst(%dma_wait3A_79 : memref<256xf32, #tpu.memory_space<hbm>>)
      tpu.yield
    }) : () -> ()
    return
  }
}

module attributes {stable_mosaic.version = 14 : i64} {
  func.func @_loss_body(%arg0: memref<64x256xf32, #tpu.memory_space<vmem>>, %arg1: memref<64x1xf32, #tpu.memory_space<vmem>>, %arg2: memref<1x1xf32, #tpu.memory_space<vmem>>) attributes {dimension_semantics = [], scalar_prefetch = 0 : i64, scratch_operands = 0 : i64, tpu.core_type = #tpu.core_type<tc>} {
    %get3A = arith.constant 0 : index
    %get3A_0 = arith.constant 0 : index
    %get3A_1 = vector.load %arg0[%get3A, %get3A_0] : memref<64x256xf32, #tpu.memory_space<vmem>>, vector<64x256xf32>
    %mul3A = arith.constant 9.53674316E-7 : f32
    %mul3A_2 = vector.broadcast %mul3A : f32 to vector<64x256xf32>
    %mul3A_3 = arith.mulf %get3A_1, %mul3A_2 : vector<64x256xf32>
    %gt3A = arith.constant 0.000000e+00 : f32
    %gt3A_4 = vector.broadcast %gt3A : f32 to vector<64x256xf32>
    %gt3A_5 = arith.cmpf ogt, %get3A_1, %gt3A_4 : vector<64x256xf32>
    %jit3A = arith.constant 1.000000e+00 : f32
    %broadcast_in_dim3A = vector.broadcast %jit3A : f32 to vector<64x256xf32>
    %select_n3A = arith.select %gt3A_5, %mul3A_3, %broadcast_in_dim3A : vector<64x256xi1>, vector<64x256xf32>
    %log3A = math.log %select_n3A : vector<64x256xf32>
    %mul3A_6 = arith.mulf %mul3A_3, %log3A : vector<64x256xf32>
    %reduce_sum3A = arith.constant dense<0.000000e+00> : vector<64xf32>
    %reduce_sum3A_7 = vector.multi_reduction <add>, %mul3A_6, %reduce_sum3A [1] : vector<64x256xf32> to vector<64xf32>
    %broadcast_in_dim3A_8 = vector.shape_cast %reduce_sum3A_7 : vector<64xf32> to vector<64x1xf32>
    %neg3A = arith.constant 0.000000e+00 : f32
    %neg3A_9 = vector.broadcast %neg3A : f32 to vector<64x1xf32>
    %neg3A_10 = arith.subf %neg3A_9, %broadcast_in_dim3A_8 : vector<64x1xf32>
    %get3A_11 = arith.constant 0 : index
    %get3A_12 = arith.constant 0 : index
    %get3A_13 = vector.load %arg1[%get3A_11, %get3A_12] : memref<64x1xf32, #tpu.memory_space<vmem>>, vector<64x1xf32>
    %sub3A = arith.subf %neg3A_10, %get3A_13 : vector<64x1xf32>
    %mul3A_14 = arith.mulf %sub3A, %sub3A : vector<64x1xf32>
    %reduce_sum3A_15 = vector.shape_cast %mul3A_14 : vector<64x1xf32> to vector<1x64x1xf32>
    %reduce_sum3A_16 = arith.constant dense<0.000000e+00> : vector<1xf32>
    %reduce_sum3A_17 = vector.multi_reduction <add>, %reduce_sum3A_15, %reduce_sum3A_16 [1, 2] : vector<1x64x1xf32> to vector<1xf32>
    %reduce_sum3A_18 = vector.shape_cast %reduce_sum3A_17 : vector<1xf32> to vector<1x1x1xf32>
    %reduce_sum3A_19 = vector.extract %reduce_sum3A_18[0, 0, 0] : f32 from vector<1x1x1xf32>
    %mul3A_20 = arith.constant 1.562500e-02 : f32
    %mul3A_21 = arith.mulf %reduce_sum3A_19, %mul3A_20 : f32
    %reshape3A = vector.broadcast %mul3A_21 : f32 to vector<1x1xf32>
    %swap3A = arith.constant 0 : index
    %swap3A_22 = arith.constant 0 : index
    %swap3A_23 = vector.load %arg2[%swap3A, %swap3A_22] : memref<1x1xf32, #tpu.memory_space<vmem>>, vector<1x1xf32>
    tpu.vector_store %arg2[%swap3A, %swap3A_22], %reshape3A {strides = array<i32>} : memref<1x1xf32, #tpu.memory_space<vmem>>, vector<1x1xf32>,
    return
  }
}

</mosaic_0001>

<sc_bundles>
// kernel: sc_histogram_split_path.3.cloned.1.call-start
scs
__scs_entry_jumppad:
0x0: {  	(pc) =	sbr.rel $0x88, $3  }
0x1: {  	(tag) =	ssettag $0x0;
	lr =	simm.s32 $0x1  }
0x2: {  	[smem:$0x3F9F] =	sst lr;
	_ =	strace $0xD0000000  }
0x3: {  	_ = 	snop  }
0x4: {  	_ = 	snop  }
0x5: {  	_ = 	snop  }
0x6: {  	_ = 	snop  }
0x7: {  	_ = 	snop  }
__scs_overlays_trampoline_lowered:
0x8: {  	[smem:$0x3FAE] =	sst s0  }
0x9: {  	[smem:$0x3FAF] =	sst s1  }
0xa: {  	[smem:$0x3FB0] =	sst s2  }
0xb: {  	[smem:$0x3FB1] =	sst s3  }
0xc: {  	[smem:$0x3FB2] =	sst s4  }
0xd: {  	[smem:$0x3FB3] =	sst s5  }
0xe: {  	[smem:$0x3FB4] =	sst s6  }
0xf: {  	[smem:$0x3FB5] =	sst s7  }
0x10: {  	[smem:$0x3FB6] =	sst s8  }
0x11: {  	[smem:$0x3FB7] =	sst s9;
	s0 =	simm.s32 @!p0 $0x0  }
0x12: {  	s1 =	sld [smem:$0x3F9D];
	s0 =	simm.s32 @p0 $0x1  }
0x13: {  	[smem:$0x3FB8] =	sst s0;
	s0 =	simm.s32 @!p1 $0x0  }
0x14: {  	s2 =	sld [smem:$0x3F9C];
	s0 =	simm.s32 @p1 $0x1  }
0x15: {  	[smem:$0x3FB9] =	sst s0;
	s0 =	simm.s32 @!p2 $0x0  }
0x16: {  	s3 =	sld [smem:$0x3FDB];
	s0 =	simm.s32 @p2 $0x1  }
0x17: {  	s4 =	simm.s32 $0x1BF5;
	[smem:$0x3FBB] =	sst s0  }
0x18: {  	s0 =	sld [smem:$0x3F9E];
	_ =	swait.ge [sflag:s4], $0x0  }
0x19: {  	s7 =	sld [smem:$0x3F9F]  }
0x1a: {  	s8 =	sadd.s32 $0xFFFFE003, lr  }
0x1b: {  	s9 =	sadd.s32 $0xFFFFFEF7, lr;
	s5 =	simm.s32 $0xFFFFFFFF;
	p2 =	slt.u32 s8, $0xFFFFF086  }
0x1c: {  	p1 =	slt.u32 s9, $0xF7A;
	s5 =	simm.s32 @!p2 $0x0  }
0x1d: {  	s5 =	simm.s32 @p1 $0x1;
	p0 =	seq.s32 s7, s2  }
0x1e: {  	s7 =	smul.u32 @!p0 $0xF7A, s2;
	p2 =	seq.s32 @!p0 s5, $0x0  }
0x1f: {  	s9 =	smul.u32 $0xF7A, s1;
	s8 =	simm.s32 @!p0 $0x1BF5;
	p2 =	por !p2, p0  }
0x20: {  	[sflag:s8] =	ssyncset.s32 @!p0 $0xFFFFF086;
	s6 =	sadd.s32 @!p0 s3, s7;
	s7 =	simm.s32 @!p0 $0x108  }
0x21: {  	s3 =	sadd.s32 s3, s9;
	s6 =	sadd.s32 @!p0 $0x88, s6;
	s7 =	simm.s32 @p2 $0x1082  }
0x22: {  	[simem:s7], [sflag:s8] =	dma.local @!p0 [hbm:s6], $0xF7A  }
0x23: {  	s9 =	sor.u32 $0xD0000000, s2;
	s6 =	simm.s32 $0x108;
	_ =	swait.ge @!p0 [sflag:s8], $0x0  }
0x24: {  	s3 =	sadd.s32 $0x88, s3;
	s6 =	simm.s32 @!p1 $0x1082;
	[sflag:s4] =	ssyncset.s32 $0xFFFFF086  }
0x25: {  	[simem:s6], [sflag:s4] =	dma.local [hbm:s3], $0xF7A  }
0x26: {  	[smem:$0x3F9F] =	sst s1;
	(tag) =	ssettag s2;
	_ =	strace s9  }
0x27: {  	s1 =	sld [smem:$0x3FAF]  }
0x28: {  	s2 =	sld [smem:$0x3FB0]  }
0x29: {  	s4 =	sld [smem:$0x3FB2]  }
0x2a: {  	p0 =	seq.s32 s5, $0x0;
	s5 =	sld [smem:$0x3FB3]  }
0x2b: {  	s6 =	sld [smem:$0x3FB4]  }
0x2c: {  	s7 =	sld [smem:$0x3FB5]  }
0x2d: {  	s3 =	simm.s32 $0x108;
	s8 =	sld [smem:$0x3FB6]  }
0x2e: {  	s3 =	simm.s32 @!p0 $0x1082;
	s9 =	sld [smem:$0x3FB7]  }
0x2f: {  	lr =	sadd.s32 s0, s3;
	s0 =	sld [smem:$0x3FAE]  }
0x30: {  	s3 =	sld [smem:$0x3FB1]  }
0x31: {  	[smem:$0x3FBA] =	sst s10  }
0x32: {  	s10 =	sld [smem:$0x3FB8];
	_ =	sdelay $0x3  }
0x33: {  	p0 =	seq.s32 s10, $0x1;
	s10 =	sld [smem:$0x3FBA];
	_ =	sdelay $0x3  }
0x34: {  	[smem:$0x3FBA] =	sst s10  }
0x35: {  	s10 =	sld [smem:$0x3FB9];
	_ =	sdelay $0x3  }
0x36: {  	p1 =	seq.s32 s10, $0x1;
	s10 =	sld [smem:$0x3FBA];
	_ =	sdelay $0x3  }
0x37: {  	[smem:$0x3FBA] =	sst s10  }
0x38: {  	s10 =	sld [smem:$0x3FBB]  }
0x39: {  	_ = 	snop;
	(pc) =	sbr.ind lr, $3  }
0x3a: {  	_ = 	snop  }
0x3b: {  	_ = 	snop  }
0x3c: {  	p2 =	seq.s32 s10, $0x1;
	s10 =	sld [smem:$0x3FBA]  }
0x3d: {  	_ =	shalt  }
0x3e: {  	_ =	shalt  }
0x3f: {  	_ =	shalt  }
0x40: {  	_ =	shalt  }
0x41: {  	_ =	shalt  }
0x42: {  	_ =	shalt  }
0x43: {  	_ =	shalt  }
0x44: {  	_ =	shalt  }
0x45: {  	_ =	shalt  }
0x46: {  	_ =	shalt  }
0x47: {  	_ =	shalt  }
0x48: {  	_ =	shalt  }
0x49: {  	_ =	shalt  }
0x4a: {  	_ =	shalt  }
0x4b: {  	_ =	shalt  }
0x4c: {  	_ =	shalt  }
0x4d: {  	_ =	shalt  }
0x4e: {  	_ =	shalt  }
0x4f: {  	_ =	shalt  }
0x50: {  	_ =	shalt  }
0x51: {  	_ =	shalt  }
0x52: {  	_ =	shalt  }
0x53: {  	_ =	shalt  }
0x54: {  	_ =	shalt  }
0x55: {  	_ =	shalt  }
0x56: {  	_ =	shalt  }
0x57: {  	_ =	shalt  }
0x58: {  	_ =	shalt  }
0x59: {  	_ =	shalt  }
0x5a: {  	_ =	shalt  }
0x5b: {  	_ =	shalt  }
0x5c: {  	_ =	shalt  }
0x5d: {  	_ =	shalt  }
0x5e: {  	_ =	shalt  }
0x5f: {  	_ =	shalt  }
0x60: {  	_ =	shalt  }
0x61: {  	_ =	shalt  }
0x62: {  	_ =	shalt  }
0x63: {  	_ =	shalt  }
0x64: {  	_ =	shalt  }
0x65: {  	_ =	shalt  }
0x66: {  	_ =	shalt  }
0x67: {  	_ =	shalt  }
0x68: {  	_ =	shalt  }
0x69: {  	_ =	shalt  }
0x6a: {  	_ =	shalt  }
0x6b: {  	_ =	shalt  }
0x6c: {  	_ =	shalt  }
0x6d: {  	_ =	shalt  }
0x6e: {  	_ =	shalt  }
0x6f: {  	_ =	shalt  }
0x70: {  	_ =	shalt  }
0x71: {  	_ =	shalt  }
0x72: {  	_ =	shalt  }
0x73: {  	_ =	shalt  }
0x74: {  	_ =	shalt  }
0x75: {  	_ =	shalt  }
0x76: {  	_ =	shalt  }
0x77: {  	_ =	shalt  }
0x78: {  	_ =	shalt  }
0x79: {  	_ =	shalt  }
0x7a: {  	_ =	shalt  }
0x7b: {  	_ =	shalt  }
0x7c: {  	_ =	shalt  }
0x7d: {  	_ =	shalt  }
0x7e: {  	_ =	shalt  }
0x7f: {  	_ =	shalt  }
0x80: {  	_ =	shalt  }
0x81: {  	_ =	shalt  }
0x82: {  	_ =	shalt  }
0x83: {  	_ =	shalt  }
0x84: {  	_ =	shalt  }
0x85: {  	_ =	shalt  }
0x86: {  	_ =	shalt  }
0x87: {  	_ =	shalt  }
.Lfunc_end0:
.L_simem_size_0:
called_computation_lowered:
.L_overlay_start_0:
0x88: {  	s2 =	sld [smem:$0x3FD9]  }
0x89: {  	s3 =	sld [smem:$0x3FFE];
	_ =	sdelay $0x1  }
0x8a: {  	s1 =	srdreg.scid  }
0x8b: {  	s0 =	sand.u32 $0x1, s1  }
0x8c: {  	s17 =	sshll.u32 s0, $0xA;
	s2 =	sadd.s32 s3, s2  }
0x8d: {  	s2 =	sadd.s32 s2, s17  }
0x8e: {  	[smem:$0x3FC6] =	sst s2  }
0x8f: {  	_ = 	snop  }
0x90: {  	s2 =	sld [smem:$0x3FC9];
	(tm) =	ssettm $0x1  }
0x91: {  	s18 =	sld [smem:$0x3FFB];
	_ =	sdelay $0x3  }
0x92: {  	_ =	strace s18  }
0x93: {  	s3 =	sld [smem:$0x3FFC];
	_ =	sdelay $0x3  }
0x94: {  	_ =	strace s3  }
0x95: {  	s3 =	sld [smem:$0x3FFD];
	_ =	sdelay $0x3  }
0x96: {  	_ =	strace s3  }
0x97: {  	_ =	strace $0x8FFFFFFF  }
0x98: {  	s19 =	sld [smem:$0x3FDB];
	_ =	sdelay $0x1  }
0x99: {  	s4 =	simm.s32 $_scs_section_size  }
0x9a: {  	s5 =	simm.s32 $_size__tile_overlayer_lowered;
	s6 =	simm.s32 $_tile_overlayer_lowered  }
0x9b: {  	s22 =	simm.s32 $0x1BFF;
	s21 =	sshll.u32 s6, $0x1;
	s3 =	sadd.s32 s4, s19  }
0x9c: {  	s7 =	simm.s32 $0x0;
	s20 =	sshll.u32 s5, $0x1;
	s5 =	sadd.s32 s21, s3  }
0x9d: {  	[timem:s7], [sflag:s22] =	dma.local [hbm:s5], s20  }
0x9e: {  	_ =	swait.ge [sflag:s22], s20  }
0x9f: {  	s4 =	ssub.s32 $0x0, s20;
	[sflag:s22] =	ssyncset.done $0x0  }
0xa0: {  	[sflag:s22] =	ssyncadd.s32 s4;
	_ =	sdelay $0x1  }
0xa1: {  	s23 =	simm.s32 $0x1B8B  }
0xa2: {  	_ =	swait.ge [sflag:s23], $0x1  }
0xa3: {  	[sflag:s23] =	ssyncset.done $0x0  }
0xa4: {  	s25 =	simm.s32 $0x1B8E;
	s24 =	sld [smem:$0x3FFE];
	[sflag:s23] =	ssyncadd.s32 $0xFFFFFFFF  }
0xa5: {  	s26 =	simm.s32 $execute0_lowered;
	[smem:$0x3FD2] =	sst s25  }
0xa6: {  	s5 =	sshll.u32 s26, $0x1;
	_ =	strace $0x80000046;
	[dreg:$0x1] =	wrdreg $0xFFFFFFFF  }
0xa7: {  	s28 =	simm.s32 $_size_execute0_lowered;
	s3 =	sadd.s32 s3, s5;
	[dreg:$0x0] =	wrdreg $0x0  }
0xa8: {  	s5 =	sshll.u32 s28, $0x1;
	[dreg:$0x2] =	wrdreg s3  }
0xa9: {  	[dreg:$0x3] =	wrdreg s5  }
0xaa: {  	[dreg:$0x4] =	wrdreg $0xC0  }
0xab: {  	_ =	task [dreg:s7], $0x5FFFF  }
0xac: {  	[dreg:$0x1] =	wrdreg $0xFFFFFFFF  }
0xad: {  	[dreg:$0x0] =	wrdreg $0x60  }
0xae: {  	[dreg:$0x2] =	wrdreg s2  }
0xaf: {  	[dreg:$0x3] =	wrdreg s24  }
0xb0: {  	[dreg:$0x4] =	wrdreg $0x112000  }
0xb1: {  	[dreg:$0x5] =	wrdreg $0x9  }
0xb2: {  	_ =	task.clear_ibuf [dreg:s7], $0x6FFFF;
	_ =	strace $0x90000046  }
0xb3: {  	s29 =	simm.s32 $0x9;
	_ =	strace $0x80000048  }
0xb4: {  	_ =	swait.ge [sflag:s29], $0x1  }
0xb5: {  	[sflag:s29] =	ssyncadd.s32 $0xFFFFFFFF  }
0xb6: {  	_ =	strace $0x90000048  }
0xb7: {  	_ =	sfence  }
0xb8: {  	s30 =	sld [smem:$0x0];
	_ =	sdelay $0x2  }
0xb9: {  	s31 =	sshll.u32 s1, $0xD;
	s1 =	sshrl.u32 s1, $0x2  }
0xba: {  	s3 =	sand.u32 $0x4000, s31;
	s1 =	sadd.s32 s1, s30  }
0xbb: {  	s0 =	sor.u32 s3, s0;
	s1 =	sshll.u32 s1, $0x11  }
0xbc: {  	s0 =	sor.u32 s1, s0  }
0xbd: {  	s0 =	sadd.s32 $0x8F2B, s0  }
0xbe: {  	[sflag:s0] =	ssyncadd.remote.s32 $0x1  }
0xbf: {  	_ =	sfence.sel $0xFFFF  }
0xc0: {  	[dreg:$0x0] =	wrdreg $0xFFFFFFFF;
	(pc) =	sbr.abs _section_cstart, $3  }
0xc1: {  	[dreg:$0x1] =	wrdreg $0xFFFFFFFF  }
0xc2: {  	_ =	task.clear_ibuf [dreg:s7], $0x2FFFF;
	_ =	strace $0x9FFFFFFF  }
0xc3: {  	(tm) =	ssettm $0x7FFFFFFF  }
tec
execute0_lowered:
.L_overlay_start_1:
0x0: {  	(tag) =	ssettag $0x1  }
0x1: {  	s1 =	rddreg [dreg:$0x0]  }
0x2: {  	s0 =	rddreg [dreg:$0x1]  }
0x3: {  	s2 =	rddreg [dreg:$0x2];
	s11 =	simm.s32 $0x0;
	s3 =	srdreg.scid  }
0x4: {  	s8 =	stileid.u32;
	s28 =	simm.s32 $0x8000;
	s29 =	simm.s32 $0x4000  }
0x5: {  	s30 =	simm.s32 $0x10000;
	s31 =	simm.s32 $0x5;
	[smem:$0x7FF] =	sst s11  }
0x6: {  	s3 =	sand.u32 $0x1, s3;
	s4 =	sshll.u32 s8, $0x9;
	s7 =	sshrl.u32 s8, $0x1  }
0x7: {  	s0 =	sadd.s32 $0x800, s0;
	s10 =	sshll.u32 s8, $0xF;
	s14 =	sadd.s32 $0x4000, s1  }
0x8: {  	s16 =	sshll.u32 s8, $0x6;
	s5 =	sshll.u32 s3, $0x8;
	s4 =	sand.u32 $0x200, s4  }
0x9: {  	s3 =	ssub.s32 $0x2, s3;
	s13 =	sshll.u32 s7, $0x17;
	_ =	strace $0x80000047  }
0xa: {  	s20 =	sshll.u32 s7, $0xB;
	s7 =	simm.s32 $0x6;
	s4 =	sor.u32 s5, s4  }
0xb: {  	s6 =	sshrl.u32 s3, $0x1;
	s5 =	simm.s32 $0x2;
	s15 =	sor.u32 s13, s4  }
0xc: {  	s3 =	ssub.s32 s3, s6;
	s17 =	sor.u32 $0x80, s4;
	s4 =	sor.u32 s20, s4  }
0xd: {  	s9 =	sshrl.u32 s15, $0x3;
	s18 =	sor.u32 $0x80000, s15;
	s19 =	sor.u32 s13, s17  }
0xe: {  	s13 =	smov.u32 s15;
	s21 =	sor.u32 $0xA0000, s15;
	s4 =	sshrl.u32 s4, $0x3  }
0xf: {  	s26 =	smax.u32 s3, $0x1;
	s6 =	sadd.s32 s1, s9;
	[dreg:$0x7] =	wrdreg s18  }
0x10: {  	s12 =	sadd.s32 s9, s14;
	s9 =	sor.u32 $0x1C03, s16;
	[dreg:$0x8] =	wrdreg s21  }
0x11: {  	s22 =	sshrl.u32 s19, $0x3;
	s4 =	sadd.s32 s0, s4;
	s25 =	sor.u32 $0x80000, s19  }
0x12: {  	s18 =	sor.u32 $0xA0000, s19;
	[dreg:$0xe] =	wrdreg s26;
	s21 =	simm.s32 $0x80  }
0x13: {  	v0 =	vlaneseq.u32;
	s26 =	simm.s32 $0x100;
	[dreg:$0x5] =	wrdreg s6;
	s6 =	sadd.s32 s10, s2  }
0x14: {  	v1 =	vmul.u32 $0x10, v0;
	[dreg:$0x6] =	wrdreg s12;
	s12 =	smov.u32 s16;
	s23 =	sadd.s32 s1, s22  }
0x15: {  	v2 =	vimm.f32 $0.0e+00;
	v3 =	vimm.f32 $1.000000000e+00;
	s2 =	sor.u32 s20, s17;
	s24 =	sadd.s32 s22, s14;
	[dreg:$0xb] =	wrdreg s4  }
0x16: {  	v4 =	vor.u32 $0x1, v1;
	v5 =	vor.u32 $0x2, v1;
	v6 =	vor.u32 $0x3, v1;
	[dreg:$0xc] =	wrdreg s25;
	s17 =	smov.u32 s19;
	s22 =	simm.s32 $0x400  }
0x17: {  	v7 =	vor.u32 $0x4, v1;
	v8 =	vor.u32 $0x5, v1;
	v9 =	vor.u32 $0x6, v1;
	s25 =	simm.s32 $0x3;
	s14 =	simm.s32 $0x11100;
	[dreg:$0x9] =	wrdreg s23  }
0x18: {  	v10 =	vor.u32 $0x7, v1;
	v11 =	vor.u32 $0x8, v1;
	v12 =	vor.u32 $0x9, v1;
	s10 =	sadd.s32 $0x80, s6;
	[dreg:$0xa] =	wrdreg s24;
	s2 =	sshrl.u32 s2, $0x3  }
0x19: {  	v13 =	vor.u32 $0xA, v1;
	v14 =	vor.u32 $0xB, v1;
	v15 =	vor.u32 $0xC, v1;
	s23 =	simm.s32 $0x1;
	s24 =	simm.s32 $0x20;
	s0 =	sadd.s32 s0, s2  }
0x1a: {  	v16 =	vor.u32 $0xD, v1;
	v17 =	vor.u32 $0xE, v1;
	v18 =	vor.u32 $0xF, v1;
	s2 =	simm.s32 $0xC000;
	[dreg:$0xd] =	wrdreg s0;
	s0 =	simm.s32 $0x4  }
.LBB2_1:
0x1b: {  	[dreg:$0x4] =	wrdreg s11  }
0x1c: {  	s3 =	simm.s32 $0x0;
	s4 =	simm.s32 $0x10000;
	[tilespmem:s30+$0x0] =	vst v2  }
.LBB2_2:
0x1d: {  	s3 =	sadd.s32 $0x10, s3  }
0x1e: {  	p0 =	slt.u32 s3, $0xFF0  }
.Ltmp0:
0x1f: {  	_ = 	snop;
	(pc) =	sbr.rel @p0 .LBB2_2-.Ltmp0, $3  }
0x20: {  	_ =	sdelay $0x1  }
0x21: {  	s4 =	sadd.s32 $0x10, s4  }
0x22: {  	[tilespmem:s4+$0x0] =	vst v2  }
0x23: {  	s3 =	rddreg [dreg:$0x5]  }
0x24: {  	s15 =	simm.s32 $0x0;
	s4 =	sshrl.u32 s6, $0x3;
	s20 =	rddreg [dreg:$0x6]  }
0x25: {  	[tilespmem:s15], [sflag:$0x1] =	stream.strided.gather [hbm4b:s3+s21], $0x4000, s22, s21, $0x38;
	[tilespmem:$0x19200] =	vst v63  }
0x26: {  	[dreg:$0xf] =	wrdreg s4  }
0x27: {  	[spmem:s4@s24], [sflag:s9] =	dma.strided [hbm:s20@s21], $0x800, s23, $0x10   }
.LBB2_4:
0x28: {  	_ =	swait.ge [sflag:s25], $0x800;
	s3 =	sshll.u32 s15, $0x13  }
0x29: {  	[sflag:s25] =	ssyncset.done $0x0;
	s16 =	sor.u32 s3, s13  }
0x2a: {  	s4 =	simm.s32 $0x80;
	[sflag:s25] =	ssyncadd.s32 $0xFFFFF800;
	s16 =	sshrl.u32 s16, $0x3  }
0x2b: {  	[tilespmem:s28], [sflag:$0x5] =	stream.strided.gather [spmem:s6], $0x4000, s26, s4, $0x38;
	[tilespmem:$0x19200] =	vst v63  }
0x2c: {  	s19 =	sor.u32 $0x8000, s16  }
0x2d: {  	s16 =	sor.u32 $0xC000, s16;
	s19 =	sadd.s32 s1, s19  }
0x2e: {  	[tilespmem:s29], [sflag:$0x2] =	stream.strided.gather [hbm4b:s19+s4], $0x4000, s22, s4, $0x38;
	[tilespmem:$0x19200] =	vst v63  }
0x2f: {  	s20 =	sadd.s32 s1, s16;
	s16 =	sor.u32 $0x1C04, s12;
	s19 =	sshrl.u32 s10, $0x3  }
0x30: {  	[spmem:s19@s24], [sflag:s16] =	dma.strided [hbm:s20@s4], $0x800, s23, $0x10   }
0x31: {  	_ =	swait.ge [sflag:s23], $0x4000  }
0x32: {  	[sflag:s23] =	ssyncset.done $0x0  }
0x33: {  	[sflag:s23] =	ssyncadd.s32 $0xFFFFC000  }
0x34: {  	v19 =	vld [tilespmem:s4+$0x70]  }
0x35: {  	v20 =	vld [tilespmem:s4+$0xFFFFFF90]  }
0x36: {  	v21 =	vld [tilespmem:s4+$0xFFFFFFA0]  }
0x37: {  	v22 =	vld [tilespmem:s4+$0xFFFFFFB0]  }
0x38: {  	v23 =	vld [tilespmem:s4+$0xFFFFFFC0]  }
0x39: {  	v24 =	vld [tilespmem:s4+$0xFFFFFFD0]  }
0x3a: {  	v25 =	vld [tilespmem:s4+$0xFFFFFFE0]  }
0x3b: {  	v26 =	vld [tilespmem:s4+$0xFFFFFFF0]  }
0x3c: {  	v27 =	vld [tilespmem:s4+$0x0]  }
0x3d: {  	v28 =	vld [tilespmem:s4+$0x10]  }
0x3e: {  	v29 =	vld [tilespmem:s4+$0x20]  }
0x3f: {  	v30 =	vld [tilespmem:s4+$0x30]  }
0x40: {  	v31 =	vld [tilespmem:s4+$0x40]  }
0x41: {  	v32 =	vld [tilespmem:s4+$0x50];
	v19 =	vmul.f32 $2.560000000e+02, v19;
	v20 =	vmul.f32 $2.560000000e+02, v20  }
0x42: {  	v33 =	vld [tilespmem:s4+$0x60];
	v21 =	vmul.f32 $2.560000000e+02, v21;
	v22 =	vmul.f32 $2.560000000e+02, v22  }
0x43: {  	v34 =	vld [tilespmem:s4+$0xFFFFFF80];
	v23 =	vmul.f32 $2.560000000e+02, v23;
	v24 =	vmul.f32 $2.560000000e+02, v24  }
0x44: {  	v25 =	vmul.f32 $2.560000000e+02, v25;
	v26 =	vmul.f32 $2.560000000e+02, v26  }
0x45: {  	v27 =	vmul.f32 $2.560000000e+02, v27;
	v28 =	vmul.f32 $2.560000000e+02, v28  }
0x46: {  	v29 =	vmul.f32 $2.560000000e+02, v29;
	v30 =	vmul.f32 $2.560000000e+02, v30  }
0x47: {  	v31 =	vmul.f32 $2.560000000e+02, v31;
	v32 =	vmul.f32 $2.560000000e+02, v32  }
0x48: {  	v33 =	vmul.f32 $2.560000000e+02, v33;
	v34 =	vmul.f32 $2.560000000e+02, v34  }
0x49: {  	v19 =	vtrunc.f32 v19;
	v20 =	vtrunc.f32 v20  }
0x4a: {  	v21 =	vtrunc.f32 v21;
	v22 =	vtrunc.f32 v22  }
0x4b: {  	v23 =	vtrunc.f32 v23;
	v24 =	vtrunc.f32 v24  }
0x4c: {  	v25 =	vtrunc.f32 v25;
	v26 =	vtrunc.f32 v26  }
0x4d: {  	v27 =	vtrunc.f32 v27;
	v28 =	vtrunc.f32 v28  }
0x4e: {  	v29 =	vtrunc.f32 v29;
	v30 =	vtrunc.f32 v30  }
0x4f: {  	v31 =	vtrunc.f32 v31;
	v32 =	vtrunc.f32 v32  }
0x50: {  	v33 =	vtrunc.f32 v33;
	v34 =	vtrunc.f32 v34  }
0x51: {  	v19 =	vcvt.f32.s32 v19;
	v20 =	vcvt.f32.s32 v20  }
0x52: {  	v34 =	vcvt.f32.s32 v34;
	v21 =	vcvt.f32.s32 v21  }
0x53: {  	v22 =	vcvt.f32.s32 v22;
	v23 =	vcvt.f32.s32 v23  }
0x54: {  	v63 =	vcvt.f32.s32 v24;
	v36 =	vcvt.f32.s32 v25  }
0x55: {  	v37 =	vcvt.f32.s32 v26;
	v27 =	vcvt.f32.s32 v27  }
0x56: {  	v38 =	vcvt.f32.s32 v28;
	v39 =	vcvt.f32.s32 v29;
	v19 =	vshll.u32 v19, $0x4  }
0x57: {  	v40 =	vcvt.f32.s32 v30;
	v24 =	vcvt.f32.s32 v31;
	v35 =	vor.u32 v0, v19  }
0x58: {  	v26 =	vcvt.f32.s32 v32;
	v25 =	vcvt.f32.s32 v33  }
0x59: {  	v21 =	vshll.u32 v21, $0x4;
	v22 =	vshll.u32 v22, $0x4;
	v23 =	vshll.u32 v23, $0x4  }
0x5a: {  	v28 =	vshll.u32 v63, $0x4;
	v33 =	vshll.u32 v36, $0x4;
	v31 =	vshll.u32 v37, $0x4  }
0x5b: {  	v29 =	vshll.u32 v27, $0x4;
	v32 =	vshll.u32 v38, $0x4;
	v30 =	vshll.u32 v39, $0x4  }
0x5c: {  	s20 =	simm.s32 $0x0;
	s4 =	simm.s32 $0x180;
	v27 =	vshll.u32 v40, $0x4;
	v19 =	vshll.u32 v20, $0x4;
	v20 =	vshll.u32 v34, $0x4;
	[tilespmem:v35+s30+$0x0] =	vst.idx.add.f32.msk $0xffff, v3  }
.LBB2_5:
0x5d: {  	v34 =	vld [tilespmem:s4+$0x70];
	s20 =	sadd.s32 $0x100, s20;
	v24 =	vshll.u32 v24, $0x4;
	v26 =	vshll.u32 v26, $0x4;
	v25 =	vshll.u32 v25, $0x4  }
0x5e: {  	v20 =	vor.u32 v0, v20;
	v19 =	vor.u32 v0, v19;
	v21 =	vor.u32 v0, v21;
	v35 =	vld [tilespmem:s4+$0xFFFFFF90];
	p0 =	slt.u32 s20, $0x3F00  }
0x5f: {  	v22 =	vor.u32 v0, v22;
	v23 =	vor.u32 v0, v23;
	v28 =	vor.u32 v0, v28;
	v36 =	vld [tilespmem:s4+$0xFFFFFFA0]  }
0x60: {  	v33 =	vor.u32 v0, v33;
	v31 =	vor.u32 v0, v31;
	v29 =	vor.u32 v0, v29;
	v37 =	vld [tilespmem:s4+$0xFFFFFFB0]  }
0x61: {  	v32 =	vor.u32 v0, v32;
	v30 =	vor.u32 v0, v30;
	v27 =	vor.u32 v0, v27;
	v38 =	vld [tilespmem:s4+$0xFFFFFFC0]  }
0x62: {  	v40 =	vor.u32 v0, v24;
	v41 =	vor.u32 v0, v26;
	v39 =	vld [tilespmem:s4+$0xFFFFFFD0];
	v34 =	vmul.f32 $2.560000000e+02, v34  }
0x63: {  	v24 =	vmul.f32 $2.560000000e+02, v35;
	v26 =	vld [tilespmem:s4+$0xFFFFFFE0];
	v35 =	vor.u32 v0, v25  }
0x64: {  	v25 =	vmul.f32 $2.560000000e+02, v36;
	v36 =	vld [tilespmem:s4+$0xFFFFFFF0];
	v34 =	vtrunc.f32 v34  }
0x65: {  	v37 =	vmul.f32 $2.560000000e+02, v37;
	v42 =	vld [tilespmem:s4+$0x0];
	v34 =	vcvt.f32.s32 v34  }
0x66: {  	v24 =	vtrunc.f32 v24;
	v38 =	vmul.f32 $2.560000000e+02, v38;
	v43 =	vld [tilespmem:s4+$0x10]  }
0x67: {  	v25 =	vtrunc.f32 v25;
	v39 =	vmul.f32 $2.560000000e+02, v39;
	v44 =	vld [tilespmem:s4+$0x20];
	v34 =	vshll.u32 v34, $0x4  }
0x68: {  	v37 =	vtrunc.f32 v37;
	v26 =	vmul.f32 $2.560000000e+02, v26;
	v45 =	vld [tilespmem:s4+$0x30];
	v34 =	vor.u32 v0, v34  }
0x69: {  	v38 =	vtrunc.f32 v38;
	v36 =	vmul.f32 $2.560000000e+02, v36;
	v46 =	vld [tilespmem:s4+$0x40]  }
0x6a: {  	v39 =	vtrunc.f32 v39;
	v42 =	vmul.f32 $2.560000000e+02, v42;
	v47 =	vld [tilespmem:s4+$0x50]  }
0x6b: {  	v26 =	vtrunc.f32 v26;
	v43 =	vmul.f32 $2.560000000e+02, v43;
	v48 =	vld [tilespmem:s4+$0x60]  }
0x6c: {  	v36 =	vtrunc.f32 v36;
	v49 =	vld [tilespmem:s4+$0xFFFFFF80];
	v44 =	vmul.f32 $2.560000000e+02, v44  }
0x6d: {  	v42 =	vtrunc.f32 v42;
	v45 =	vmul.f32 $2.560000000e+02, v45;
	[tilespmem:v34+s30+$0x0] =	vst.idx.add.f32.msk $0xffff, v3  }
0x6e: {  	v34 =	vtrunc.f32 v43;
	v43 =	vmul.f32 $2.560000000e+02, v46;
	[tilespmem:v20+s30+$0x0] =	vst.idx.add.f32.msk $0xffff, v3  }
0x6f: {  	v44 =	vtrunc.f32 v44;
	v20 =	vmul.f32 $2.560000000e+02, v47;
	[tilespmem:v19+s30+$0x0] =	vst.idx.add.f32.msk $0xffff, v3  }
0x70: {  	v45 =	vtrunc.f32 v45;
	v19 =	vmul.f32 $2.560000000e+02, v48;
	[tilespmem:v21+s30+$0x0] =	vst.idx.add.f32.msk $0xffff, v3  }
0x71: {  	v43 =	vtrunc.f32 v43;
	v21 =	vmul.f32 $2.560000000e+02, v49;
	[tilespmem:v22+s30+$0x0] =	vst.idx.add.f32.msk $0xffff, v3  }
0x72: {  	v46 =	vtrunc.f32 v20;
	v47 =	vtrunc.f32 v19;
	[tilespmem:v23+s30+$0x0] =	vst.idx.add.f32.msk $0xffff, v3  }
0x73: {  	v20 =	vcvt.f32.s32 v24;
	v19 =	vtrunc.f32 v21;
	[tilespmem:v28+s30+$0x0] =	vst.idx.add.f32.msk $0xffff, v3  }
0x74: {  	v22 =	vcvt.f32.s32 v25;
	v21 =	vcvt.f32.s32 v19;
	[tilespmem:v33+s30+$0x0] =	vst.idx.add.f32.msk $0xffff, v3  }
0x75: {  	v24 =	vcvt.f32.s32 v38;
	v23 =	vcvt.f32.s32 v37;
	v19 =	vshll.u32 v20, $0x4;
	[tilespmem:v31+s30+$0x0] =	vst.idx.add.f32.msk $0xffff, v3  }
0x76: {  	v25 =	vcvt.f32.s32 v39;
	v31 =	vcvt.f32.s32 v26;
	v20 =	vshll.u32 v21, $0x4;
	[tilespmem:v29+s30+$0x0] =	vst.idx.add.f32.msk $0xffff, v3  }
0x77: {  	v21 =	vshll.u32 v22, $0x4;
	v29 =	vcvt.f32.s32 v36;
	v36 =	vcvt.f32.s32 v42;
	[tilespmem:v32+s30+$0x0] =	vst.idx.add.f32.msk $0xffff, v3  }
.Ltmp1:
0x78: {  	v22 =	vshll.u32 v23, $0x4;
	v32 =	vcvt.f32.s32 v34;
	v34 =	vcvt.f32.s32 v44;
	[tilespmem:v30+s30+$0x0] =	vst.idx.add.f32.msk $0xffff, v3;
	(pc) =	sbr.rel @p0 .LBB2_5-.Ltmp1, $4  }
0x79: {  	v37 =	vcvt.f32.s32 v45;
	v23 =	vshll.u32 v24, $0x4;
	v24 =	vcvt.f32.s32 v43;
	[tilespmem:v27+s30+$0x0] =	vst.idx.add.f32.msk $0xffff, v3  }
0x7a: {  	v28 =	vshll.u32 v25, $0x4;
	v25 =	vcvt.f32.s32 v47;
	v26 =	vcvt.f32.s32 v46;
	[tilespmem:v40+s30+$0x0] =	vst.idx.add.f32.msk $0xffff, v3  }
0x7b: {  	v33 =	vshll.u32 v31, $0x4;
	v31 =	vshll.u32 v29, $0x4;
	v29 =	vshll.u32 v36, $0x4;
	[tilespmem:v41+s30+$0x0] =	vst.idx.add.f32.msk $0xffff, v3  }
0x7c: {  	s4 =	sadd.s32 $0x100, s4;
	v32 =	vshll.u32 v32, $0x4;
	v30 =	vshll.u32 v34, $0x4;
	v27 =	vshll.u32 v37, $0x4;
	[tilespmem:v35+s30+$0x0] =	vst.idx.add.f32.msk $0xffff, v3  }
0x7d: {  	v20 =	vor.u32 v0, v20  }
0x7e: {  	v19 =	vor.u32 v0, v19  }
0x7f: {  	v21 =	vor.u32 v0, v21  }
0x80: {  	v22 =	vor.u32 v0, v22  }
0x81: {  	v23 =	vor.u32 v0, v23  }
0x82: {  	v28 =	vor.u32 v0, v28;
	[tilespmem:v20+s30+$0x0] =	vst.idx.add.f32.msk $0xffff, v3  }
0x83: {  	v27 =	vor.u32 v0, v27;
	[tilespmem:v19+s30+$0x0] =	vst.idx.add.f32.msk $0xffff, v3  }
0x84: {  	v20 =	vor.u32 v0, v33;
	[tilespmem:v21+s30+$0x0] =	vst.idx.add.f32.msk $0xffff, v3  }
0x85: {  	v24 =	vshll.u32 v24, $0x4;
	v19 =	vor.u32 v0, v31;
	[tilespmem:v22+s30+$0x0] =	vst.idx.add.f32.msk $0xffff, v3  }
0x86: {  	v24 =	vor.u32 v0, v24;
	[tilespmem:v23+s30+$0x0] =	vst.idx.add.f32.msk $0xffff, v3  }
0x87: {  	v21 =	vor.u32 v0, v29;
	[tilespmem:v28+s30+$0x0] =	vst.idx.add.f32.msk $0xffff, v3  }
0x88: {  	v22 =	vor.u32 v0, v32;
	[tilespmem:v27+s30+$0x0] =	vst.idx.add.f32.msk $0xffff, v3  }
0x89: {  	v23 =	vor.u32 v0, v30;
	[tilespmem:v20+s30+$0x0] =	vst.idx.add.f32.msk $0xffff, v3;
	v20 =	vshll.u32 v26, $0x4  }
0x8a: {  	[tilespmem:v19+s30+$0x0] =	vst.idx.add.f32.msk $0xffff, v3;
	v19 =	vshll.u32 v25, $0x4;
	v20 =	vor.u32 v0, v20  }
0x8b: {  	[tilespmem:v24+s30+$0x0] =	vst.idx.add.f32.msk $0xffff, v3;
	v19 =	vor.u32 v0, v19  }
0x8c: {  	[tilespmem:v21+s30+$0x0] =	vst.idx.add.f32.msk $0xffff, v3  }
0x8d: {  	[tilespmem:v22+s30+$0x0] =	vst.idx.add.f32.msk $0xffff, v3  }
0x8e: {  	[tilespmem:v23+s30+$0x0] =	vst.idx.add.f32.msk $0xffff, v3  }
0x8f: {  	[tilespmem:v20+s30+$0x0] =	vst.idx.add.f32.msk $0xffff, v3  }
0x90: {  	[tilespmem:v19+s30+$0x0] =	vst.idx.add.f32.msk $0xffff, v3  }
0x91: {  	_ =	swait.ge [sflag:s31], $0x4000  }
0x92: {  	[sflag:s31] =	ssyncset.done $0x0  }
0x93: {  	s4 =	simm.s32 $0x8080;
	[sflag:s31] =	ssyncadd.s32 $0xFFFFC000  }
0x94: {  	v19 =	vld [tilespmem:s4+$0x70]  }
0x95: {  	v20 =	vld [tilespmem:s4+$0xFFFFFF90]  }
0x96: {  	v21 =	vld [tilespmem:s4+$0xFFFFFFA0]  }
0x97: {  	v22 =	vld [tilespmem:s4+$0xFFFFFFB0]  }
0x98: {  	v23 =	vld [tilespmem:s4+$0xFFFFFFC0]  }
0x99: {  	v24 =	vld [tilespmem:s4+$0xFFFFFFD0]  }
0x9a: {  	v25 =	vld [tilespmem:s4+$0xFFFFFFE0]  }
0x9b: {  	v26 =	vld [tilespmem:s4+$0xFFFFFFF0]  }
0x9c: {  	v27 =	vld [tilespmem:s4+$0x0]  }
0x9d: {  	v28 =	vld [tilespmem:s4+$0x10]  }
0x9e: {  	v29 =	vld [tilespmem:s4+$0x20]  }
0x9f: {  	v30 =	vld [tilespmem:s4+$0x30]  }
0xa0: {  	v31 =	vld [tilespmem:s4+$0x40]  }
0xa1: {  	v61 =	vld [tilespmem:s4+$0x50];
	v19 =	vmul.f32 $2.560000000e+02, v19;
	v20 =	vmul.f32 $2.560000000e+02, v20  }
0xa2: {  	v62 =	vld [tilespmem:s4+$0x60];
	v21 =	vmul.f32 $2.560000000e+02, v21;
	v22 =	vmul.f32 $2.560000000e+02, v22  }
0xa3: {  	v34 =	vld [tilespmem:s4+$0xFFFFFF80];
	v23 =	vmul.f32 $2.560000000e+02, v23;
	v24 =	vmul.f32 $2.560000000e+02, v24  }
0xa4: {  	v25 =	vmul.f32 $2.560000000e+02, v25;
	v26 =	vmul.f32 $2.560000000e+02, v26  }
0xa5: {  	v27 =	vmul.f32 $2.560000000e+02, v27;
	v28 =	vmul.f32 $2.560000000e+02, v28  }
0xa6: {  	v29 =	vmul.f32 $2.560000000e+02, v29;
	v30 =	vmul.f32 $2.560000000e+02, v30  }
0xa7: {  	v31 =	vmul.f32 $2.560000000e+02, v31;
	v32 =	vmul.f32 $2.560000000e+02, v61  }
0xa8: {  	v33 =	vmul.f32 $2.560000000e+02, v62;
	v34 =	vmul.f32 $2.560000000e+02, v34  }
0xa9: {  	v19 =	vtrunc.f32 v19;
	v20 =	vtrunc.f32 v20  }
0xaa: {  	v21 =	vtrunc.f32 v21;
	v22 =	vtrunc.f32 v22  }
0xab: {  	v23 =	vtrunc.f32 v23;
	v24 =	vtrunc.f32 v24  }
0xac: {  	v25 =	vtrunc.f32 v25;
	v26 =	vtrunc.f32 v26  }
0xad: {  	v27 =	vtrunc.f32 v27;
	v28 =	vtrunc.f32 v28  }
0xae: {  	v29 =	vtrunc.f32 v29;
	v30 =	vtrunc.f32 v30  }
0xaf: {  	v31 =	vtrunc.f32 v31;
	v32 =	vtrunc.f32 v32  }
0xb0: {  	v33 =	vtrunc.f32 v33;
	v34 =	vtrunc.f32 v34  }
0xb1: {  	v19 =	vcvt.f32.s32 v19;
	v20 =	vcvt.f32.s32 v20  }
0xb2: {  	v34 =	vcvt.f32.s32 v34;
	v21 =	vcvt.f32.s32 v21  }
0xb3: {  	v22 =	vcvt.f32.s32 v22;
	v23 =	vcvt.f32.s32 v23  }
0xb4: {  	v63 =	vcvt.f32.s32 v24;
	v36 =	vcvt.f32.s32 v25  }
0xb5: {  	v37 =	vcvt.f32.s32 v26;
	v27 =	vcvt.f32.s32 v27  }
0xb6: {  	v38 =	vcvt.f32.s32 v28;
	v39 =	vcvt.f32.s32 v29;
	v19 =	vshll.u32 v19, $0x4  }
0xb7: {  	v40 =	vcvt.f32.s32 v30;
	v24 =	vcvt.f32.s32 v31;
	v35 =	vor.u32 v0, v19  }
0xb8: {  	v26 =	vcvt.f32.s32 v32;
	v25 =	vcvt.f32.s32 v33  }
0xb9: {  	v21 =	vshll.u32 v21, $0x4;
	v22 =	vshll.u32 v22, $0x4;
	v23 =	vshll.u32 v23, $0x4  }
0xba: {  	v28 =	vshll.u32 v63, $0x4;
	v33 =	vshll.u32 v36, $0x4;
	v31 =	vshll.u32 v37, $0x4  }
0xbb: {  	v29 =	vshll.u32 v27, $0x4;
	v32 =	vshll.u32 v38, $0x4;
	v30 =	vshll.u32 v39, $0x4  }
0xbc: {  	s20 =	simm.s32 $0x0;
	s4 =	simm.s32 $0x8180;
	v27 =	vshll.u32 v40, $0x4;
	v19 =	vshll.u32 v20, $0x4;
	v20 =	vshll.u32 v34, $0x4;
	[tilespmem:v35+s30+$0x0] =	vst.idx.add.f32.msk $0xffff, v3  }
.LBB2_7:
0xbd: {  	v34 =	vld [tilespmem:s4+$0x70];
	s20 =	sadd.s32 $0x100, s20;
	v24 =	vshll.u32 v24, $0x4;
	v26 =	vshll.u32 v26, $0x4;
	v25 =	vshll.u32 v25, $0x4  }
0xbe: {  	v20 =	vor.u32 v0, v20;
	v19 =	vor.u32 v0, v19;
	v21 =	vor.u32 v0, v21;
	v35 =	vld [tilespmem:s4+$0xFFFFFF90];
	p0 =	slt.u32 s20, $0x3F00  }
0xbf: {  	v22 =	vor.u32 v0, v22;
	v23 =	vor.u32 v0, v23;
	v28 =	vor.u32 v0, v28;
	v36 =	vld [tilespmem:s4+$0xFFFFFFA0]  }
0xc0: {  	v33 =	vor.u32 v0, v33;
	v31 =	vor.u32 v0, v31;
	v29 =	vor.u32 v0, v29;
	v37 =	vld [tilespmem:s4+$0xFFFFFFB0]  }
0xc1: {  	v32 =	vor.u32 v0, v32;
	v30 =	vor.u32 v0, v30;
	v27 =	vor.u32 v0, v27;
	v38 =	vld [tilespmem:s4+$0xFFFFFFC0]  }
0xc2: {  	v40 =	vor.u32 v0, v24;
	v41 =	vor.u32 v0, v26;
	v39 =	vld [tilespmem:s4+$0xFFFFFFD0];
	v34 =	vmul.f32 $2.560000000e+02, v34  }
0xc3: {  	v24 =	vmul.f32 $2.560000000e+02, v35;
	v26 =	vld [tilespmem:s4+$0xFFFFFFE0];
	v35 =	vor.u32 v0, v25  }
0xc4: {  	v25 =	vmul.f32 $2.560000000e+02, v36;
	v36 =	vld [tilespmem:s4+$0xFFFFFFF0];
	v34 =	vtrunc.f32 v34  }
0xc5: {  	v37 =	vmul.f32 $2.560000000e+02, v37;
	v42 =	vld [tilespmem:s4+$0x0];
	v34 =	vcvt.f32.s32 v34  }
0xc6: {  	v24 =	vtrunc.f32 v24;
	v38 =	vmul.f32 $2.560000000e+02, v38;
	v43 =	vld [tilespmem:s4+$0x10]  }
0xc7: {  	v25 =	vtrunc.f32 v25;
	v39 =	vmul.f32 $2.560000000e+02, v39;
	v44 =	vld [tilespmem:s4+$0x20];
	v34 =	vshll.u32 v34, $0x4  }
0xc8: {  	v37 =	vtrunc.f32 v37;
	v26 =	vmul.f32 $2.560000000e+02, v26;
	v45 =	vld [tilespmem:s4+$0x30];
	v34 =	vor.u32 v0, v34  }
0xc9: {  	v38 =	vtrunc.f32 v38;
	v36 =	vmul.f32 $2.560000000e+02, v36;
	v46 =	vld [tilespmem:s4+$0x40]  }
0xca: {  	v39 =	vtrunc.f32 v39;
	v42 =	vmul.f32 $2.560000000e+02, v42;
	v47 =	vld [tilespmem:s4+$0x50]  }
0xcb: {  	v26 =	vtrunc.f32 v26;
	v43 =	vmul.f32 $2.560000000e+02, v43;
	v48 =	vld [tilespmem:s4+$0x60]  }
0xcc: {  	v36 =	vtrunc.f32 v36;
	v49 =	vld [tilespmem:s4+$0xFFFFFF80];
	v44 =	vmul.f32 $2.560000000e+02, v44  }
0xcd: {  	v42 =	vtrunc.f32 v42;
	v45 =	vmul.f32 $2.560000000e+02, v45;
	[tilespmem:v34+s30+$0x0] =	vst.idx.add.f32.msk $0xffff, v3  }
0xce: {  	v34 =	vtrunc.f32 v43;
	v43 =	vmul.f32 $2.560000000e+02, v46;
	[tilespmem:v20+s30+$0x0] =	vst.idx.add.f32.msk $0xffff, v3  }
0xcf: {  	v44 =	vtrunc.f32 v44;
	v20 =	vmul.f32 $2.560000000e+02, v47;
	[tilespmem:v19+s30+$0x0] =	vst.idx.add.f32.msk $0xffff, v3  }
0xd0: {  	v45 =	vtrunc.f32 v45;
	v19 =	vmul.f32 $2.560000000e+02, v48;
	[tilespmem:v21+s30+$0x0] =	vst.idx.add.f32.msk $0xffff, v3  }
0xd1: {  	v43 =	vtrunc.f32 v43;
	v21 =	vmul.f32 $2.560000000e+02, v49;
	[tilespmem:v22+s30+$0x0] =	vst.idx.add.f32.msk $0xffff, v3  }
0xd2: {  	v46 =	vtrunc.f32 v20;
	v47 =	vtrunc.f32 v19;
	[tilespmem:v23+s30+$0x0] =	vst.idx.add.f32.msk $0xffff, v3  }
0xd3: {  	v20 =	vcvt.f32.s32 v24;
	v19 =	vtrunc.f32 v21;
	[tilespmem:v28+s30+$0x0] =	vst.idx.add.f32.msk $0xffff, v3  }
0xd4: {  	v22 =	vcvt.f32.s32 v25;
	v21 =	vcvt.f32.s32 v19;
	[tilespmem:v33+s30+$0x0] =	vst.idx.add.f32.msk $0xffff, v3  }
0xd5: {  	v24 =	vcvt.f32.s32 v38;
	v23 =	vcvt.f32.s32 v37;
	v19 =	vshll.u32 v20, $0x4;
	[tilespmem:v31+s30+$0x0] =	vst.idx.add.f32.msk $0xffff, v3  }
0xd6: {  	v25 =	vcvt.f32.s32 v39;
	v31 =	vcvt.f32.s32 v26;
	v20 =	vshll.u32 v21, $0x4;
	[tilespmem:v29+s30+$0x0] =	vst.idx.add.f32.msk $0xffff, v3  }
0xd7: {  	v21 =	vshll.u32 v22, $0x4;
	v29 =	vcvt.f32.s32 v36;
	v36 =	vcvt.f32.s32 v42;
	[tilespmem:v32+s30+$0x0] =	vst.idx.add.f32.msk $0xffff, v3  }
.Ltmp2:
0xd8: {  	v22 =	vshll.u32 v23, $0x4;
	v32 =	vcvt.f32.s32 v34;
	v34 =	vcvt.f32.s32 v44;
	[tilespmem:v30+s30+$0x0] =	vst.idx.add.f32.msk $0xffff, v3;
	(pc) =	sbr.rel @p0 .LBB2_7-.Ltmp2, $4  }
0xd9: {  	v37 =	vcvt.f32.s32 v45;
	v23 =	vshll.u32 v24, $0x4;
	v24 =	vcvt.f32.s32 v43;
	[tilespmem:v27+s30+$0x0] =	vst.idx.add.f32.msk $0xffff, v3  }
0xda: {  	v28 =	vshll.u32 v25, $0x4;
	v25 =	vcvt.f32.s32 v47;
	v26 =	vcvt.f32.s32 v46;
	[tilespmem:v40+s30+$0x0] =	vst.idx.add.f32.msk $0xffff, v3  }
0xdb: {  	v33 =	vshll.u32 v31, $0x4;
	v31 =	vshll.u32 v29, $0x4;
	v29 =	vshll.u32 v36, $0x4;
	[tilespmem:v41+s30+$0x0] =	vst.idx.add.f32.msk $0xffff, v3  }
0xdc: {  	s4 =	sadd.s32 $0x100, s4;
	v32 =	vshll.u32 v32, $0x4;
	v30 =	vshll.u32 v34, $0x4;
	v27 =	vshll.u32 v37, $0x4;
	[tilespmem:v35+s30+$0x0] =	vst.idx.add.f32.msk $0xffff, v3  }
0xdd: {  	v20 =	vor.u32 v0, v20  }
0xde: {  	v19 =	vor.u32 v0, v19  }
0xdf: {  	v21 =	vor.u32 v0, v21  }
0xe0: {  	v22 =	vor.u32 v0, v22  }
0xe1: {  	v23 =	vor.u32 v0, v23  }
0xe2: {  	v28 =	vor.u32 v0, v28;
	[tilespmem:v20+s30+$0x0] =	vst.idx.add.f32.msk $0xffff, v3  }
0xe3: {  	v27 =	vor.u32 v0, v27;
	[tilespmem:v19+s30+$0x0] =	vst.idx.add.f32.msk $0xffff, v3  }
0xe4: {  	v20 =	vor.u32 v0, v33;
	[tilespmem:v21+s30+$0x0] =	vst.idx.add.f32.msk $0xffff, v3  }
0xe5: {  	v24 =	vshll.u32 v24, $0x4;
	v19 =	vor.u32 v0, v31;
	[tilespmem:v22+s30+$0x0] =	vst.idx.add.f32.msk $0xffff, v3  }
0xe6: {  	v24 =	vor.u32 v0, v24;
	[tilespmem:v23+s30+$0x0] =	vst.idx.add.f32.msk $0xffff, v3  }
0xe7: {  	v21 =	vor.u32 v0, v29;
	[tilespmem:v28+s30+$0x0] =	vst.idx.add.f32.msk $0xffff, v3  }
0xe8: {  	v22 =	vor.u32 v0, v32;
	[tilespmem:v27+s30+$0x0] =	vst.idx.add.f32.msk $0xffff, v3  }
0xe9: {  	v23 =	vor.u32 v0, v30;
	[tilespmem:v20+s30+$0x0] =	vst.idx.add.f32.msk $0xffff, v3;
	v20 =	vshll.u32 v26, $0x4  }
0xea: {  	[tilespmem:v19+s30+$0x0] =	vst.idx.add.f32.msk $0xffff, v3;
	v19 =	vshll.u32 v25, $0x4;
	v20 =	vor.u32 v0, v20  }
0xeb: {  	[tilespmem:v24+s30+$0x0] =	vst.idx.add.f32.msk $0xffff, v3;
	v19 =	vor.u32 v0, v19  }
0xec: {  	[tilespmem:v21+s30+$0x0] =	vst.idx.add.f32.msk $0xffff, v3  }
0xed: {  	[tilespmem:v22+s30+$0x0] =	vst.idx.add.f32.msk $0xffff, v3  }
0xee: {  	[tilespmem:v23+s30+$0x0] =	vst.idx.add.f32.msk $0xffff, v3  }
0xef: {  	[tilespmem:v20+s30+$0x0] =	vst.idx.add.f32.msk $0xffff, v3  }
0xf0: {  	[tilespmem:v19+s30+$0x0] =	vst.idx.add.f32.msk $0xffff, v3  }
0xf1: {  	_ =	swait.ge [sflag:s0], $0x800  }
0xf2: {  	p0 =	seq.s32 s15, $0xF;
	[sflag:s0] =	ssyncset.done $0x0;
	s4 =	rddreg [dreg:$0x7]  }
0xf3: {  	[sflag:s0] =	ssyncadd.s32 $0xFFFFF800;
	s4 =	sadd.s32 @!p0 s3, s4  }
0xf4: {  	[tilespmem:s2], [sflag:$0x6] =	stream.strided.gather [spmem:s10], $0x4000, s26, s21, $0x38;
	[tilespmem:$0x19200] =	vst v63  }
0xf5: {  	s20 =	simm.s32 @!p0 $0x80;
	s4 =	sshrl.u32 @!p0 s4, $0x3  }
0xf6: {  	s8 =	simm.s32 @!p0 $0x400;
	s11 =	simm.s32 @!p0 $0x0;
	s4 =	sadd.s32 @!p0 s1, s4  }
0xf7: {  	[tilespmem:s11], [sflag:$0x1] =	stream.strided.gather @!p0 [hbm4b:s4+s20], $0x4000, s8, s20, $0x38;
	[tilespmem:$0x19200] =	vst v63  }
0xf8: {  	s4 =	rddreg [dreg:$0x8]  }
0xf9: {  	s3 =	sadd.s32 @!p0 s3, s4  }
0xfa: {  	s8 =	simm.s32 @!p0 $0x1;
	s3 =	sshrl.u32 @!p0 s3, $0x3  }
0xfb: {  	s11 =	simm.s32 @!p0 $0x20;
	s4 =	sshrl.u32 @!p0 s6, $0x3;
	s3 =	sadd.s32 @!p0 s1, s3  }
0xfc: {  	[spmem:s4@s11], [sflag:s9] =	dma.strided @!p0 [hbm:s3@s20], $0x800, s8, $0x10   }
0xfd: {  	_ =	swait.ge [sflag:s5], $0x4000  }
0xfe: {  	[sflag:s5] =	ssyncset.done $0x0  }
0xff: {  	s20 =	simm.s32 $0x4080;
	[sflag:s5] =	ssyncadd.s32 $0xFFFFC000  }
0x100: {  	v19 =	vld [tilespmem:s20+$0x70]  }
0x101: {  	v20 =	vld [tilespmem:s20+$0xFFFFFF90]  }
0x102: {  	v21 =	vld [tilespmem:s20+$0xFFFFFFA0]  }
0x103: {  	v22 =	vld [tilespmem:s20+$0xFFFFFFB0]  }
0x104: {  	v23 =	vld [tilespmem:s20+$0xFFFFFFC0]  }
0x105: {  	v24 =	vld [tilespmem:s20+$0xFFFFFFD0]  }
0x106: {  	v25 =	vld [tilespmem:s20+$0xFFFFFFE0]  }
0x107: {  	v26 =	vld [tilespmem:s20+$0xFFFFFFF0]  }
0x108: {  	v27 =	vld [tilespmem:s20+$0x0]  }
0x109: {  	v28 =	vld [tilespmem:s20+$0x10]  }
0x10a: {  	v29 =	vld [tilespmem:s20+$0x20]  }
0x10b: {  	v30 =	vld [tilespmem:s20+$0x30]  }
0x10c: {  	v31 =	vld [tilespmem:s20+$0x40]  }
0x10d: {  	v61 =	vld [tilespmem:s20+$0x50];
	v19 =	vmul.f32 $2.560000000e+02, v19;
	v20 =	vmul.f32 $2.560000000e+02, v20  }
0x10e: {  	v62 =	vld [tilespmem:s20+$0x60];
	v21 =	vmul.f32 $2.560000000e+02, v21;
	v22 =	vmul.f32 $2.560000000e+02, v22  }
0x10f: {  	v34 =	vld [tilespmem:s20+$0xFFFFFF80];
	v23 =	vmul.f32 $2.560000000e+02, v23;
	v24 =	vmul.f32 $2.560000000e+02, v24  }
0x110: {  	v25 =	vmul.f32 $2.560000000e+02, v25;
	v26 =	vmul.f32 $2.560000000e+02, v26  }
0x111: {  	v27 =	vmul.f32 $2.560000000e+02, v27;
	v28 =	vmul.f32 $2.560000000e+02, v28  }
0x112: {  	v29 =	vmul.f32 $2.560000000e+02, v29;
	v30 =	vmul.f32 $2.560000000e+02, v30  }
0x113: {  	v31 =	vmul.f32 $2.560000000e+02, v31;
	v32 =	vmul.f32 $2.560000000e+02, v61  }
0x114: {  	v33 =	vmul.f32 $2.560000000e+02, v62;
	v34 =	vmul.f32 $2.560000000e+02, v34  }
0x115: {  	v19 =	vtrunc.f32 v19;
	v20 =	vtrunc.f32 v20  }
0x116: {  	v21 =	vtrunc.f32 v21;
	v22 =	vtrunc.f32 v22  }
0x117: {  	v23 =	vtrunc.f32 v23;
	v24 =	vtrunc.f32 v24  }
0x118: {  	v25 =	vtrunc.f32 v25;
	v26 =	vtrunc.f32 v26  }
0x119: {  	v27 =	vtrunc.f32 v27;
	v28 =	vtrunc.f32 v28  }
0x11a: {  	v29 =	vtrunc.f32 v29;
	v30 =	vtrunc.f32 v30  }
0x11b: {  	v31 =	vtrunc.f32 v31;
	v32 =	vtrunc.f32 v32  }
0x11c: {  	v33 =	vtrunc.f32 v33;
	v34 =	vtrunc.f32 v34  }
0x11d: {  	v19 =	vcvt.f32.s32 v19;
	v20 =	vcvt.f32.s32 v20  }
0x11e: {  	v34 =	vcvt.f32.s32 v34;
	v21 =	vcvt.f32.s32 v21  }
0x11f: {  	v22 =	vcvt.f32.s32 v22;
	v23 =	vcvt.f32.s32 v23  }
0x120: {  	v63 =	vcvt.f32.s32 v24;
	v36 =	vcvt.f32.s32 v25  }
0x121: {  	v37 =	vcvt.f32.s32 v26;
	v27 =	vcvt.f32.s32 v27  }
0x122: {  	v38 =	vcvt.f32.s32 v28;
	v39 =	vcvt.f32.s32 v29;
	v19 =	vshll.u32 v19, $0x4  }
0x123: {  	v40 =	vcvt.f32.s32 v30;
	v24 =	vcvt.f32.s32 v31;
	v35 =	vor.u32 v0, v19  }
0x124: {  	v26 =	vcvt.f32.s32 v32;
	v25 =	vcvt.f32.s32 v33  }
0x125: {  	v21 =	vshll.u32 v21, $0x4;
	v22 =	vshll.u32 v22, $0x4;
	v23 =	vshll.u32 v23, $0x4  }
0x126: {  	v28 =	vshll.u32 v63, $0x4;
	v33 =	vshll.u32 v36, $0x4;
	v31 =	vshll.u32 v37, $0x4  }
0x127: {  	v29 =	vshll.u32 v27, $0x4;
	v32 =	vshll.u32 v38, $0x4;
	v30 =	vshll.u32 v39, $0x4  }
0x128: {  	s3 =	simm.s32 $0x0;
	s4 =	simm.s32 $0x4180;
	v27 =	vshll.u32 v40, $0x4;
	v19 =	vshll.u32 v20, $0x4;
	v20 =	vshll.u32 v34, $0x4;
	[tilespmem:v35+s30+$0x0] =	vst.idx.add.f32.msk $0xffff, v3  }
.LBB2_9:
0x129: {  	v34 =	vld [tilespmem:s4+$0x70];
	s3 =	sadd.s32 $0x100, s3;
	v24 =	vshll.u32 v24, $0x4;
	v26 =	vshll.u32 v26, $0x4;
	v25 =	vshll.u32 v25, $0x4  }
0x12a: {  	v20 =	vor.u32 v0, v20;
	v19 =	vor.u32 v0, v19;
	v21 =	vor.u32 v0, v21;
	v35 =	vld [tilespmem:s4+$0xFFFFFF90];
	p0 =	slt.u32 s3, $0x3F00  }
0x12b: {  	v22 =	vor.u32 v0, v22;
	v23 =	vor.u32 v0, v23;
	v28 =	vor.u32 v0, v28;
	v36 =	vld [tilespmem:s4+$0xFFFFFFA0]  }
0x12c: {  	v33 =	vor.u32 v0, v33;
	v31 =	vor.u32 v0, v31;
	v29 =	vor.u32 v0, v29;
	v37 =	vld [tilespmem:s4+$0xFFFFFFB0]  }
0x12d: {  	v32 =	vor.u32 v0, v32;
	v30 =	vor.u32 v0, v30;
	v27 =	vor.u32 v0, v27;
	v38 =	vld [tilespmem:s4+$0xFFFFFFC0]  }
0x12e: {  	v40 =	vor.u32 v0, v24;
	v41 =	vor.u32 v0, v26;
	v39 =	vld [tilespmem:s4+$0xFFFFFFD0];
	v34 =	vmul.f32 $2.560000000e+02, v34  }
0x12f: {  	v24 =	vmul.f32 $2.560000000e+02, v35;
	v26 =	vld [tilespmem:s4+$0xFFFFFFE0];
	v35 =	vor.u32 v0, v25  }
0x130: {  	v25 =	vmul.f32 $2.560000000e+02, v36;
	v36 =	vld [tilespmem:s4+$0xFFFFFFF0];
	v34 =	vtrunc.f32 v34  }
0x131: {  	v37 =	vmul.f32 $2.560000000e+02, v37;
	v42 =	vld [tilespmem:s4+$0x0];
	v34 =	vcvt.f32.s32 v34  }
0x132: {  	v24 =	vtrunc.f32 v24;
	v38 =	vmul.f32 $2.560000000e+02, v38;
	v43 =	vld [tilespmem:s4+$0x10]  }
0x133: {  	v25 =	vtrunc.f32 v25;
	v39 =	vmul.f32 $2.560000000e+02, v39;
	v44 =	vld [tilespmem:s4+$0x20];
	v34 =	vshll.u32 v34, $0x4  }
0x134: {  	v37 =	vtrunc.f32 v37;
	v26 =	vmul.f32 $2.560000000e+02, v26;
	v45 =	vld [tilespmem:s4+$0x30];
	v34 =	vor.u32 v0, v34  }
0x135: {  	v38 =	vtrunc.f32 v38;
	v36 =	vmul.f32 $2.560000000e+02, v36;
	v46 =	vld [tilespmem:s4+$0x40]  }
0x136: {  	v39 =	vtrunc.f32 v39;
	v42 =	vmul.f32 $2.560000000e+02, v42;
	v47 =	vld [tilespmem:s4+$0x50]  }
0x137: {  	v26 =	vtrunc.f32 v26;
	v43 =	vmul.f32 $2.560000000e+02, v43;
	v48 =	vld [tilespmem:s4+$0x60]  }
0x138: {  	v36 =	vtrunc.f32 v36;
	v49 =	vld [tilespmem:s4+$0xFFFFFF80];
	v44 =	vmul.f32 $2.560000000e+02, v44  }
0x139: {  	v42 =	vtrunc.f32 v42;
	v45 =	vmul.f32 $2.560000000e+02, v45;
	[tilespmem:v34+s30+$0x0] =	vst.idx.add.f32.msk $0xffff, v3  }
0x13a: {  	v34 =	vtrunc.f32 v43;
	v43 =	vmul.f32 $2.560000000e+02, v46;
	[tilespmem:v20+s30+$0x0] =	vst.idx.add.f32.msk $0xffff, v3  }
0x13b: {  	v44 =	vtrunc.f32 v44;
	v20 =	vmul.f32 $2.560000000e+02, v47;
	[tilespmem:v19+s30+$0x0] =	vst.idx.add.f32.msk $0xffff, v3  }
0x13c: {  	v45 =	vtrunc.f32 v45;
	v19 =	vmul.f32 $2.560000000e+02, v48;
	[tilespmem:v21+s30+$0x0] =	vst.idx.add.f32.msk $0xffff, v3  }
0x13d: {  	v43 =	vtrunc.f32 v43;
	v21 =	vmul.f32 $2.560000000e+02, v49;
	[tilespmem:v22+s30+$0x0] =	vst.idx.add.f32.msk $0xffff, v3  }
0x13e: {  	v46 =	vtrunc.f32 v20;
	v47 =	vtrunc.f32 v19;
	[tilespmem:v23+s30+$0x0] =	vst.idx.add.f32.msk $0xffff, v3  }
0x13f: {  	v20 =	vcvt.f32.s32 v24;
	v19 =	vtrunc.f32 v21;
	[tilespmem:v28+s30+$0x0] =	vst.idx.add.f32.msk $0xffff, v3  }
0x140: {  	v22 =	vcvt.f32.s32 v25;
	v21 =	vcvt.f32.s32 v19;
	[tilespmem:v33+s30+$0x0] =	vst.idx.add.f32.msk $0xffff, v3  }
0x141: {  	v24 =	vcvt.f32.s32 v38;
	v23 =	vcvt.f32.s32 v37;
	v19 =	vshll.u32 v20, $0x4;
	[tilespmem:v31+s30+$0x0] =	vst.idx.add.f32.msk $0xffff, v3  }
0x142: {  	v25 =	vcvt.f32.s32 v39;
	v31 =	vcvt.f32.s32 v26;
	v20 =	vshll.u32 v21, $0x4;
	[tilespmem:v29+s30+$0x0] =	vst.idx.add.f32.msk $0xffff, v3  }
0x143: {  	v21 =	vshll.u32 v22, $0x4;
	v29 =	vcvt.f32.s32 v36;
	v36 =	vcvt.f32.s32 v42;
	[tilespmem:v32+s30+$0x0] =	vst.idx.add.f32.msk $0xffff, v3  }
.Ltmp3:
0x144: {  	v22 =	vshll.u32 v23, $0x4;
	v32 =	vcvt.f32.s32 v34;
	v34 =	vcvt.f32.s32 v44;
	[tilespmem:v30+s30+$0x0] =	vst.idx.add.f32.msk $0xffff, v3;
	(pc) =	sbr.rel @p0 .LBB2_9-.Ltmp3, $4  }
0x145: {  	v37 =	vcvt.f32.s32 v45;
	v23 =	vshll.u32 v24, $0x4;
	v24 =	vcvt.f32.s32 v43;
	[tilespmem:v27+s30+$0x0] =	vst.idx.add.f32.msk $0xffff, v3  }
0x146: {  	v28 =	vshll.u32 v25, $0x4;
	v25 =	vcvt.f32.s32 v47;
	v26 =	vcvt.f32.s32 v46;
	[tilespmem:v40+s30+$0x0] =	vst.idx.add.f32.msk $0xffff, v3  }
0x147: {  	v33 =	vshll.u32 v31, $0x4;
	v31 =	vshll.u32 v29, $0x4;
	v29 =	vshll.u32 v36, $0x4;
	[tilespmem:v41+s30+$0x0] =	vst.idx.add.f32.msk $0xffff, v3  }
0x148: {  	s4 =	sadd.s32 $0x100, s4;
	v32 =	vshll.u32 v32, $0x4;
	v30 =	vshll.u32 v34, $0x4;
	v27 =	vshll.u32 v37, $0x4;
	[tilespmem:v35+s30+$0x0] =	vst.idx.add.f32.msk $0xffff, v3  }
0x149: {  	v20 =	vor.u32 v0, v20  }
0x14a: {  	v19 =	vor.u32 v0, v19  }
0x14b: {  	v21 =	vor.u32 v0, v21  }
0x14c: {  	v22 =	vor.u32 v0, v22  }
0x14d: {  	v23 =	vor.u32 v0, v23  }
0x14e: {  	v28 =	vor.u32 v0, v28;
	[tilespmem:v20+s30+$0x0] =	vst.idx.add.f32.msk $0xffff, v3  }
0x14f: {  	v27 =	vor.u32 v0, v27;
	[tilespmem:v19+s30+$0x0] =	vst.idx.add.f32.msk $0xffff, v3  }
0x150: {  	v20 =	vor.u32 v0, v33;
	[tilespmem:v21+s30+$0x0] =	vst.idx.add.f32.msk $0xffff, v3  }
0x151: {  	v24 =	vshll.u32 v24, $0x4;
	v19 =	vor.u32 v0, v31;
	[tilespmem:v22+s30+$0x0] =	vst.idx.add.f32.msk $0xffff, v3  }
0x152: {  	v24 =	vor.u32 v0, v24;
	[tilespmem:v23+s30+$0x0] =	vst.idx.add.f32.msk $0xffff, v3  }
0x153: {  	v21 =	vor.u32 v0, v29;
	[tilespmem:v28+s30+$0x0] =	vst.idx.add.f32.msk $0xffff, v3  }
0x154: {  	v22 =	vor.u32 v0, v32;
	[tilespmem:v27+s30+$0x0] =	vst.idx.add.f32.msk $0xffff, v3  }
0x155: {  	v23 =	vor.u32 v0, v30;
	[tilespmem:v20+s30+$0x0] =	vst.idx.add.f32.msk $0xffff, v3;
	v20 =	vshll.u32 v26, $0x4  }
0x156: {  	[tilespmem:v19+s30+$0x0] =	vst.idx.add.f32.msk $0xffff, v3;
	v19 =	vshll.u32 v25, $0x4;
	v20 =	vor.u32 v0, v20  }
0x157: {  	[tilespmem:v24+s30+$0x0] =	vst.idx.add.f32.msk $0xffff, v3;
	v19 =	vor.u32 v0, v19  }
0x158: {  	[tilespmem:v21+s30+$0x0] =	vst.idx.add.f32.msk $0xffff, v3  }
0x159: {  	[tilespmem:v22+s30+$0x0] =	vst.idx.add.f32.msk $0xffff, v3  }
0x15a: {  	[tilespmem:v23+s30+$0x0] =	vst.idx.add.f32.msk $0xffff, v3  }
0x15b: {  	[tilespmem:v20+s30+$0x0] =	vst.idx.add.f32.msk $0xffff, v3  }
0x15c: {  	[tilespmem:v19+s30+$0x0] =	vst.idx.add.f32.msk $0xffff, v3  }
0x15d: {  	_ =	swait.ge [sflag:s7], $0x4000  }
0x15e: {  	[sflag:s7] =	ssyncset.done $0x0  }
0x15f: {  	s3 =	simm.s32 $0xC080;
	[sflag:s7] =	ssyncadd.s32 $0xFFFFC000  }
0x160: {  	v19 =	vld [tilespmem:s3+$0x70]  }
0x161: {  	v20 =	vld [tilespmem:s3+$0xFFFFFF90]  }
0x162: {  	v21 =	vld [tilespmem:s3+$0xFFFFFFA0]  }
0x163: {  	v22 =	vld [tilespmem:s3+$0xFFFFFFB0]  }
0x164: {  	v23 =	vld [tilespmem:s3+$0xFFFFFFC0]  }
0x165: {  	v24 =	vld [tilespmem:s3+$0xFFFFFFD0]  }
0x166: {  	v25 =	vld [tilespmem:s3+$0xFFFFFFE0]  }
0x167: {  	v26 =	vld [tilespmem:s3+$0xFFFFFFF0]  }
0x168: {  	v27 =	vld [tilespmem:s3+$0x0]  }
0x169: {  	v28 =	vld [tilespmem:s3+$0x10]  }
0x16a: {  	v29 =	vld [tilespmem:s3+$0x20]  }
0x16b: {  	v30 =	vld [tilespmem:s3+$0x30]  }
0x16c: {  	v31 =	vld [tilespmem:s3+$0x40]  }
0x16d: {  	v61 =	vld [tilespmem:s3+$0x50];
	v19 =	vmul.f32 $2.560000000e+02, v19;
	v20 =	vmul.f32 $2.560000000e+02, v20  }
0x16e: {  	v62 =	vld [tilespmem:s3+$0x60];
	v21 =	vmul.f32 $2.560000000e+02, v21;
	v22 =	vmul.f32 $2.560000000e+02, v22  }
0x16f: {  	v34 =	vld [tilespmem:s3+$0xFFFFFF80];
	v23 =	vmul.f32 $2.560000000e+02, v23;
	v24 =	vmul.f32 $2.560000000e+02, v24  }
0x170: {  	v25 =	vmul.f32 $2.560000000e+02, v25;
	v26 =	vmul.f32 $2.560000000e+02, v26  }
0x171: {  	v27 =	vmul.f32 $2.560000000e+02, v27;
	v28 =	vmul.f32 $2.560000000e+02, v28  }
0x172: {  	v29 =	vmul.f32 $2.560000000e+02, v29;
	v30 =	vmul.f32 $2.560000000e+02, v30  }
0x173: {  	v31 =	vmul.f32 $2.560000000e+02, v31;
	v32 =	vmul.f32 $2.560000000e+02, v61  }
0x174: {  	v33 =	vmul.f32 $2.560000000e+02, v62;
	v34 =	vmul.f32 $2.560000000e+02, v34  }
0x175: {  	v19 =	vtrunc.f32 v19;
	v20 =	vtrunc.f32 v20  }
0x176: {  	v21 =	vtrunc.f32 v21;
	v22 =	vtrunc.f32 v22  }
0x177: {  	v23 =	vtrunc.f32 v23;
	v24 =	vtrunc.f32 v24  }
0x178: {  	v25 =	vtrunc.f32 v25;
	v26 =	vtrunc.f32 v26  }
0x179: {  	v27 =	vtrunc.f32 v27;
	v28 =	vtrunc.f32 v28  }
0x17a: {  	v29 =	vtrunc.f32 v29;
	v30 =	vtrunc.f32 v30  }
0x17b: {  	v31 =	vtrunc.f32 v31;
	v32 =	vtrunc.f32 v32  }
0x17c: {  	v33 =	vtrunc.f32 v33;
	v34 =	vtrunc.f32 v34  }
0x17d: {  	v19 =	vcvt.f32.s32 v19;
	v20 =	vcvt.f32.s32 v20  }
0x17e: {  	v34 =	vcvt.f32.s32 v34;
	v21 =	vcvt.f32.s32 v21  }
0x17f: {  	v22 =	vcvt.f32.s32 v22;
	v23 =	vcvt.f32.s32 v23  }
0x180: {  	v63 =	vcvt.f32.s32 v24;
	v36 =	vcvt.f32.s32 v25  }
0x181: {  	v37 =	vcvt.f32.s32 v26;
	v27 =	vcvt.f32.s32 v27  }
0x182: {  	v38 =	vcvt.f32.s32 v28;
	v39 =	vcvt.f32.s32 v29;
	v19 =	vshll.u32 v19, $0x4  }
0x183: {  	v40 =	vcvt.f32.s32 v30;
	v24 =	vcvt.f32.s32 v31;
	v35 =	vor.u32 v0, v19  }
0x184: {  	v26 =	vcvt.f32.s32 v32;
	v25 =	vcvt.f32.s32 v33  }
0x185: {  	v21 =	vshll.u32 v21, $0x4;
	v22 =	vshll.u32 v22, $0x4;
	v23 =	vshll.u32 v23, $0x4  }
0x186: {  	v28 =	vshll.u32 v63, $0x4;
	v33 =	vshll.u32 v36, $0x4;
	v31 =	vshll.u32 v37, $0x4  }
0x187: {  	v29 =	vshll.u32 v27, $0x4;
	v32 =	vshll.u32 v38, $0x4;
	v30 =	vshll.u32 v39, $0x4  }
0x188: {  	s4 =	simm.s32 $0xC180;
	s3 =	simm.s32 $0x0;
	v27 =	vshll.u32 v40, $0x4;
	v19 =	vshll.u32 v20, $0x4;
	v20 =	vshll.u32 v34, $0x4;
	[tilespmem:v35+s30+$0x0] =	vst.idx.add.f32.msk $0xffff, v3  }
.LBB2_11:
0x189: {  	v34 =	vld [tilespmem:s4+$0x70];
	s3 =	sadd.s32 $0x100, s3;
	v24 =	vshll.u32 v24, $0x4;
	v26 =	vshll.u32 v26, $0x4;
	v25 =	vshll.u32 v25, $0x4  }
0x18a: {  	v20 =	vor.u32 v0, v20;
	v19 =	vor.u32 v0, v19;
	v21 =	vor.u32 v0, v21;
	v35 =	vld [tilespmem:s4+$0xFFFFFF90];
	p0 =	slt.u32 s3, $0x3F00  }
0x18b: {  	v22 =	vor.u32 v0, v22;
	v23 =	vor.u32 v0, v23;
	v28 =	vor.u32 v0, v28;
	v36 =	vld [tilespmem:s4+$0xFFFFFFA0]  }
0x18c: {  	v33 =	vor.u32 v0, v33;
	v31 =	vor.u32 v0, v31;
	v29 =	vor.u32 v0, v29;
	v37 =	vld [tilespmem:s4+$0xFFFFFFB0]  }
0x18d: {  	v32 =	vor.u32 v0, v32;
	v30 =	vor.u32 v0, v30;
	v27 =	vor.u32 v0, v27;
	v38 =	vld [tilespmem:s4+$0xFFFFFFC0]  }
0x18e: {  	v40 =	vor.u32 v0, v24;
	v41 =	vor.u32 v0, v26;
	v39 =	vld [tilespmem:s4+$0xFFFFFFD0];
	v34 =	vmul.f32 $2.560000000e+02, v34  }
0x18f: {  	v24 =	vmul.f32 $2.560000000e+02, v35;
	v26 =	vld [tilespmem:s4+$0xFFFFFFE0];
	v35 =	vor.u32 v0, v25  }
0x190: {  	v25 =	vmul.f32 $2.560000000e+02, v36;
	v36 =	vld [tilespmem:s4+$0xFFFFFFF0];
	v34 =	vtrunc.f32 v34  }
0x191: {  	v37 =	vmul.f32 $2.560000000e+02, v37;
	v42 =	vld [tilespmem:s4+$0x0];
	v34 =	vcvt.f32.s32 v34  }
0x192: {  	v24 =	vtrunc.f32 v24;
	v38 =	vmul.f32 $2.560000000e+02, v38;
	v43 =	vld [tilespmem:s4+$0x10]  }
0x193: {  	v25 =	vtrunc.f32 v25;
	v39 =	vmul.f32 $2.560000000e+02, v39;
	v44 =	vld [tilespmem:s4+$0x20];
	v34 =	vshll.u32 v34, $0x4  }
0x194: {  	v37 =	vtrunc.f32 v37;
	v26 =	vmul.f32 $2.560000000e+02, v26;
	v45 =	vld [tilespmem:s4+$0x30];
	v34 =	vor.u32 v0, v34  }
0x195: {  	v38 =	vtrunc.f32 v38;
	v36 =	vmul.f32 $2.560000000e+02, v36;
	v46 =	vld [tilespmem:s4+$0x40]  }
0x196: {  	v39 =	vtrunc.f32 v39;
	v42 =	vmul.f32 $2.560000000e+02, v42;
	v47 =	vld [tilespmem:s4+$0x50]  }
0x197: {  	v26 =	vtrunc.f32 v26;
	v43 =	vmul.f32 $2.560000000e+02, v43;
	v48 =	vld [tilespmem:s4+$0x60]  }
0x198: {  	v36 =	vtrunc.f32 v36;
	v49 =	vld [tilespmem:s4+$0xFFFFFF80];
	v44 =	vmul.f32 $2.560000000e+02, v44  }
0x199: {  	v42 =	vtrunc.f32 v42;
	v45 =	vmul.f32 $2.560000000e+02, v45;
	[tilespmem:v34+s30+$0x0] =	vst.idx.add.f32.msk $0xffff, v3  }
0x19a: {  	v34 =	vtrunc.f32 v43;
	v43 =	vmul.f32 $2.560000000e+02, v46;
	[tilespmem:v20+s30+$0x0] =	vst.idx.add.f32.msk $0xffff, v3  }
0x19b: {  	v44 =	vtrunc.f32 v44;
	v20 =	vmul.f32 $2.560000000e+02, v47;
	[tilespmem:v19+s30+$0x0] =	vst.idx.add.f32.msk $0xffff, v3  }
0x19c: {  	v45 =	vtrunc.f32 v45;
	v19 =	vmul.f32 $2.560000000e+02, v48;
	[tilespmem:v21+s30+$0x0] =	vst.idx.add.f32.msk $0xffff, v3  }
0x19d: {  	v43 =	vtrunc.f32 v43;
	v21 =	vmul.f32 $2.560000000e+02, v49;
	[tilespmem:v22+s30+$0x0] =	vst.idx.add.f32.msk $0xffff, v3  }
0x19e: {  	v46 =	vtrunc.f32 v20;
	v47 =	vtrunc.f32 v19;
	[tilespmem:v23+s30+$0x0] =	vst.idx.add.f32.msk $0xffff, v3  }
0x19f: {  	v20 =	vcvt.f32.s32 v24;
	v19 =	vtrunc.f32 v21;
	[tilespmem:v28+s30+$0x0] =	vst.idx.add.f32.msk $0xffff, v3  }
0x1a0: {  	v22 =	vcvt.f32.s32 v25;
	v21 =	vcvt.f32.s32 v19;
	[tilespmem:v33+s30+$0x0] =	vst.idx.add.f32.msk $0xffff, v3  }
0x1a1: {  	v24 =	vcvt.f32.s32 v38;
	v23 =	vcvt.f32.s32 v37;
	v19 =	vshll.u32 v20, $0x4;
	[tilespmem:v31+s30+$0x0] =	vst.idx.add.f32.msk $0xffff, v3  }
0x1a2: {  	v25 =	vcvt.f32.s32 v39;
	v31 =	vcvt.f32.s32 v26;
	v20 =	vshll.u32 v21, $0x4;
	[tilespmem:v29+s30+$0x0] =	vst.idx.add.f32.msk $0xffff, v3  }
0x1a3: {  	v21 =	vshll.u32 v22, $0x4;
	v29 =	vcvt.f32.s32 v36;
	v36 =	vcvt.f32.s32 v42;
	[tilespmem:v32+s30+$0x0] =	vst.idx.add.f32.msk $0xffff, v3  }
.Ltmp4:
0x1a4: {  	v22 =	vshll.u32 v23, $0x4;
	v32 =	vcvt.f32.s32 v34;
	v34 =	vcvt.f32.s32 v44;
	[tilespmem:v30+s30+$0x0] =	vst.idx.add.f32.msk $0xffff, v3;
	(pc) =	sbr.rel @p0 .LBB2_11-.Ltmp4, $4  }
0x1a5: {  	v37 =	vcvt.f32.s32 v45;
	v23 =	vshll.u32 v24, $0x4;
	v24 =	vcvt.f32.s32 v43;
	[tilespmem:v27+s30+$0x0] =	vst.idx.add.f32.msk $0xffff, v3  }
0x1a6: {  	v28 =	vshll.u32 v25, $0x4;
	v25 =	vcvt.f32.s32 v47;
	v26 =	vcvt.f32.s32 v46;
	[tilespmem:v40+s30+$0x0] =	vst.idx.add.f32.msk $0xffff, v3  }
0x1a7: {  	v33 =	vshll.u32 v31, $0x4;
	v31 =	vshll.u32 v29, $0x4;
	v29 =	vshll.u32 v36, $0x4;
	[tilespmem:v41+s30+$0x0] =	vst.idx.add.f32.msk $0xffff, v3  }
0x1a8: {  	s4 =	sadd.s32 $0x100, s4;
	v32 =	vshll.u32 v32, $0x4;
	v30 =	vshll.u32 v34, $0x4;
	v27 =	vshll.u32 v37, $0x4;
	[tilespmem:v35+s30+$0x0] =	vst.idx.add.f32.msk $0xffff, v3  }
0x1a9: {  	v20 =	vor.u32 v0, v20  }
0x1aa: {  	v19 =	vor.u32 v0, v19  }
0x1ab: {  	v21 =	vor.u32 v0, v21  }
0x1ac: {  	v22 =	vor.u32 v0, v22  }
0x1ad: {  	v23 =	vor.u32 v0, v23  }
0x1ae: {  	v28 =	vor.u32 v0, v28;
	[tilespmem:v20+s30+$0x0] =	vst.idx.add.f32.msk $0xffff, v3  }
0x1af: {  	v61 =	vor.u32 v0, v29;
	[tilespmem:v19+s30+$0x0] =	vst.idx.add.f32.msk $0xffff, v3  }
0x1b0: {  	v20 =	vor.u32 v0, v33;
	[tilespmem:v21+s30+$0x0] =	vst.idx.add.f32.msk $0xffff, v3  }
0x1b1: {  	v19 =	vor.u32 v0, v31;
	[tilespmem:v22+s30+$0x0] =	vst.idx.add.f32.msk $0xffff, v3  }
0x1b2: {  	v62 =	vor.u32 v0, v32;
	[tilespmem:v23+s30+$0x0] =	vst.idx.add.f32.msk $0xffff, v3  }
0x1b3: {  	v63 =	vor.u32 v0, v30;
	[tilespmem:v28+s30+$0x0] =	vst.idx.add.f32.msk $0xffff, v3  }
0x1b4: {  	v24 =	vshll.u32 v24, $0x4;
	v27 =	vor.u32 v0, v27;
	[tilespmem:v61+s30+$0x0] =	vst.idx.add.f32.msk $0xffff, v3  }
0x1b5: {  	v24 =	vor.u32 v0, v24;
	[tilespmem:v20+s30+$0x0] =	vst.idx.add.f32.msk $0xffff, v3;
	v20 =	vshll.u32 v26, $0x4  }
0x1b6: {  	s15 =	sadd.s32 $0x1, s15;
	[tilespmem:v19+s30+$0x0] =	vst.idx.add.f32.msk $0xffff, v3;
	v19 =	vshll.u32 v25, $0x4;
	v20 =	vor.u32 v0, v20  }
0x1b7: {  	p0 =	sne.s32 s15, $0x10;
	[tilespmem:v62+s30+$0x0] =	vst.idx.add.f32.msk $0xffff, v3;
	v19 =	vor.u32 v0, v19  }
.Ltmp5:
0x1b8: {  	[tilespmem:v63+s30+$0x0] =	vst.idx.add.f32.msk $0xffff, v3;
	(pc) =	sbr.rel @p0 .LBB2_4-.Ltmp5, $4  }
0x1b9: {  	[tilespmem:v27+s30+$0x0] =	vst.idx.add.f32.msk $0xffff, v3  }
0x1ba: {  	[tilespmem:v24+s30+$0x0] =	vst.idx.add.f32.msk $0xffff, v3  }
0x1bb: {  	[tilespmem:v20+s30+$0x0] =	vst.idx.add.f32.msk $0xffff, v3  }
0x1bc: {  	[tilespmem:v19+s30+$0x0] =	vst.idx.add.f32.msk $0xffff, v3  }
0x1bd: {  	s4 =	rddreg [dreg:$0x9]  }
0x1be: {  	s3 =	simm.s32 $0x0;
	s15 =	rddreg [dreg:$0xa]  }
0x1bf: {  	[tilespmem:s3], [sflag:$0x1] =	stream.strided.gather [hbm4b:s4+s21], $0x4000, s22, s21, $0x38;
	[tilespmem:$0x19200] =	vst v63  }
0x1c0: {  	s20 =	rddreg [dreg:$0xf];
	s3 =	simm.s32 $0x10080  }
0x1c1: {  	[spmem:s20@s24], [sflag:s9] =	dma.strided [hbm:s15@s21], $0x800, s23, $0x10   }
0x1c2: {  	v19 =	vld [tilespmem:s3+$0xFFFFFF80];
	_ =	sdelay $0x4  }
0x1c3: {  	[tilespmem:v1+s14+$0x0] =	vst.idx.msk $0xffff, v19  }
0x1c4: {  	v19 =	vld [tilespmem:s3+$0xFFFFFF90];
	_ =	sdelay $0x4  }
0x1c5: {  	[tilespmem:v4+s14+$0x0] =	vst.idx.msk $0xffff, v19  }
0x1c6: {  	v19 =	vld [tilespmem:s3+$0xFFFFFFA0];
	_ =	sdelay $0x4  }
0x1c7: {  	[tilespmem:v5+s14+$0x0] =	vst.idx.msk $0xffff, v19  }
0x1c8: {  	v19 =	vld [tilespmem:s3+$0xFFFFFFB0];
	_ =	sdelay $0x4  }
0x1c9: {  	[tilespmem:v6+s14+$0x0] =	vst.idx.msk $0xffff, v19  }
0x1ca: {  	v19 =	vld [tilespmem:s3+$0xFFFFFFC0];
	_ =	sdelay $0x4  }
0x1cb: {  	[tilespmem:v7+s14+$0x0] =	vst.idx.msk $0xffff, v19  }
0x1cc: {  	v19 =	vld [tilespmem:s3+$0xFFFFFFD0];
	_ =	sdelay $0x4  }
0x1cd: {  	[tilespmem:v8+s14+$0x0] =	vst.idx.msk $0xffff, v19  }
0x1ce: {  	v19 =	vld [tilespmem:s3+$0xFFFFFFE0];
	_ =	sdelay $0x4  }
0x1cf: {  	[tilespmem:v9+s14+$0x0] =	vst.idx.msk $0xffff, v19  }
0x1d0: {  	v19 =	vld [tilespmem:s3+$0xFFFFFFF0];
	_ =	sdelay $0x4  }
0x1d1: {  	[tilespmem:v10+s14+$0x0] =	vst.idx.msk $0xffff, v19  }
0x1d2: {  	v19 =	vld [tilespmem:s3+$0x0];
	_ =	sdelay $0x4  }
0x1d3: {  	[tilespmem:v11+s14+$0x0] =	vst.idx.msk $0xffff, v19  }
0x1d4: {  	v19 =	vld [tilespmem:s3+$0x10];
	_ =	sdelay $0x4  }
0x1d5: {  	[tilespmem:v12+s14+$0x0] =	vst.idx.msk $0xffff, v19  }
0x1d6: {  	v19 =	vld [tilespmem:s3+$0x20];
	_ =	sdelay $0x4  }
0x1d7: {  	[tilespmem:v13+s14+$0x0] =	vst.idx.msk $0xffff, v19  }
0x1d8: {  	v19 =	vld [tilespmem:s3+$0x30];
	_ =	sdelay $0x4  }
0x1d9: {  	[tilespmem:v14+s14+$0x0] =	vst.idx.msk $0xffff, v19  }
0x1da: {  	v19 =	vld [tilespmem:s3+$0x40];
	_ =	sdelay $0x4  }
0x1db: {  	[tilespmem:v15+s14+$0x0] =	vst.idx.msk $0xffff, v19  }
0x1dc: {  	v19 =	vld [tilespmem:s3+$0x50];
	_ =	sdelay $0x4  }
0x1dd: {  	[tilespmem:v16+s14+$0x0] =	vst.idx.msk $0xffff, v19  }
0x1de: {  	v19 =	vld [tilespmem:s3+$0x60];
	_ =	sdelay $0x4  }
0x1df: {  	[tilespmem:v17+s14+$0x0] =	vst.idx.msk $0xffff, v19  }
0x1e0: {  	v19 =	vld [tilespmem:s3+$0x70];
	_ =	sdelay $0x4  }
0x1e1: {  	[tilespmem:v18+s14+$0x0] =	vst.idx.msk $0xffff, v19  }
0x1e2: {  	v19 =	vld [tilespmem:$0x11100]  }
0x1e3: {  	v20 =	vld [tilespmem:$0x11110];
	_ =	sdelay $0x1  }
0x1e4: {  	v21 =	vld [tilespmem:$0x11120];
	_ =	sdelay $0x1  }
0x1e5: {  	v22 =	vld [tilespmem:$0x11130]  }
0x1e6: {  	v19 =	vadd.f32 v20, v19  }
0x1e7: {  	v20 =	vld [tilespmem:$0x11140]  }
0x1e8: {  	v19 =	vadd.f32 v21, v19  }
0x1e9: {  	v56 =	vld [tilespmem:$0x11150]  }
0x1ea: {  	v19 =	vadd.f32 v22, v19  }
0x1eb: {  	v57 =	vld [tilespmem:$0x11160]  }
0x1ec: {  	v19 =	vadd.f32 v20, v19  }
0x1ed: {  	v20 =	vld [tilespmem:$0x11170]  }
0x1ee: {  	v19 =	vadd.f32 v56, v19  }
0x1ef: {  	v58 =	vld [tilespmem:$0x11180]  }
0x1f0: {  	v19 =	vadd.f32 v57, v19  }
0x1f1: {  	v59 =	vld [tilespmem:$0x11190]  }
0x1f2: {  	v19 =	vadd.f32 v20, v19  }
0x1f3: {  	v20 =	vld [tilespmem:$0x111A0]  }
0x1f4: {  	v19 =	vadd.f32 v58, v19  }
0x1f5: {  	v60 =	vld [tilespmem:$0x111B0]  }
0x1f6: {  	v19 =	vadd.f32 v59, v19  }
0x1f7: {  	v61 =	vld [tilespmem:$0x111C0]  }
0x1f8: {  	v19 =	vadd.f32 v20, v19  }
0x1f9: {  	v20 =	vld [tilespmem:$0x111D0]  }
0x1fa: {  	v19 =	vadd.f32 v60, v19  }
0x1fb: {  	v62 =	vld [tilespmem:$0x111E0]  }
0x1fc: {  	v19 =	vadd.f32 v61, v19  }
0x1fd: {  	v63 =	vld [tilespmem:$0x111F0]  }
0x1fe: {  	v19 =	vadd.f32 v20, v19;
	_ =	sdelay $0x1  }
0x1ff: {  	v19 =	vadd.f32 v62, v19;
	_ =	sdelay $0x1  }
0x200: {  	s4 =	simm.s32 $0x0;
	s15 =	simm.s32 $0x40;
	v19 =	vadd.f32 v63, v19  }
.LBB2_14:
0x201: {  	p0 =	sne.s32 s15, $0x3C0  }
0x202: {  	s3 =	sadd.s32 $0x100, s3;
	s20 =	smov.u32 s15;
	s15 =	sadd.s32 $0x40, s15  }
0x203: {  	[tilespmem:s4+$0x11000] =	vst v19  }
0x204: {  	v19 =	vld [tilespmem:s3+$0xFFFFFF80];
	_ =	sdelay $0x4  }
0x205: {  	[tilespmem:v1+s14+$0x0] =	vst.idx.msk $0xffff, v19  }
0x206: {  	v19 =	vld [tilespmem:s3+$0xFFFFFF90];
	_ =	sdelay $0x4  }
0x207: {  	[tilespmem:v4+s14+$0x0] =	vst.idx.msk $0xffff, v19  }
0x208: {  	v19 =	vld [tilespmem:s3+$0xFFFFFFA0];
	_ =	sdelay $0x4  }
0x209: {  	[tilespmem:v5+s14+$0x0] =	vst.idx.msk $0xffff, v19  }
0x20a: {  	v19 =	vld [tilespmem:s3+$0xFFFFFFB0];
	_ =	sdelay $0x4  }
0x20b: {  	[tilespmem:v6+s14+$0x0] =	vst.idx.msk $0xffff, v19  }
0x20c: {  	v19 =	vld [tilespmem:s3+$0xFFFFFFC0];
	_ =	sdelay $0x4  }
0x20d: {  	[tilespmem:v7+s14+$0x0] =	vst.idx.msk $0xffff, v19  }
0x20e: {  	v19 =	vld [tilespmem:s3+$0xFFFFFFD0];
	_ =	sdelay $0x4  }
0x20f: {  	[tilespmem:v8+s14+$0x0] =	vst.idx.msk $0xffff, v19  }
0x210: {  	v19 =	vld [tilespmem:s3+$0xFFFFFFE0];
	_ =	sdelay $0x4  }
0x211: {  	[tilespmem:v9+s14+$0x0] =	vst.idx.msk $0xffff, v19  }
0x212: {  	v19 =	vld [tilespmem:s3+$0xFFFFFFF0];
	_ =	sdelay $0x4  }
0x213: {  	[tilespmem:v10+s14+$0x0] =	vst.idx.msk $0xffff, v19  }
0x214: {  	v19 =	vld [tilespmem:s3+$0x0];
	_ =	sdelay $0x4  }
0x215: {  	[tilespmem:v11+s14+$0x0] =	vst.idx.msk $0xffff, v19  }
0x216: {  	v19 =	vld [tilespmem:s3+$0x10];
	_ =	sdelay $0x4  }
0x217: {  	[tilespmem:v12+s14+$0x0] =	vst.idx.msk $0xffff, v19  }
0x218: {  	v19 =	vld [tilespmem:s3+$0x20];
	_ =	sdelay $0x4  }
0x219: {  	[tilespmem:v13+s14+$0x0] =	vst.idx.msk $0xffff, v19  }
0x21a: {  	v19 =	vld [tilespmem:s3+$0x30];
	_ =	sdelay $0x4  }
0x21b: {  	[tilespmem:v14+s14+$0x0] =	vst.idx.msk $0xffff, v19  }
0x21c: {  	v19 =	vld [tilespmem:s3+$0x40];
	_ =	sdelay $0x4  }
0x21d: {  	[tilespmem:v15+s14+$0x0] =	vst.idx.msk $0xffff, v19  }
0x21e: {  	v19 =	vld [tilespmem:s3+$0x50];
	_ =	sdelay $0x4  }
0x21f: {  	[tilespmem:v16+s14+$0x0] =	vst.idx.msk $0xffff, v19  }
0x220: {  	v19 =	vld [tilespmem:s3+$0x60];
	_ =	sdelay $0x4  }
0x221: {  	[tilespmem:v17+s14+$0x0] =	vst.idx.msk $0xffff, v19  }
0x222: {  	v19 =	vld [tilespmem:s3+$0x70];
	_ =	sdelay $0x4  }
0x223: {  	[tilespmem:v18+s14+$0x0] =	vst.idx.msk $0xffff, v19  }
0x224: {  	v19 =	vld [tilespmem:$0x11100]  }
0x225: {  	v20 =	vld [tilespmem:$0x11110]  }
0x226: {  	v21 =	vld [tilespmem:$0x11120]  }
0x227: {  	v22 =	vld [tilespmem:$0x11130]  }
0x228: {  	v23 =	vld [tilespmem:$0x11140]  }
0x229: {  	v24 =	vld [tilespmem:$0x11150]  }
0x22a: {  	v19 =	vadd.f32 v20, v19;
	v20 =	vld [tilespmem:$0x11160]  }
0x22b: {  	v25 =	vld [tilespmem:$0x11170]  }
0x22c: {  	v19 =	vadd.f32 v21, v19;
	v21 =	vld [tilespmem:$0x11180]  }
0x22d: {  	v26 =	vld [tilespmem:$0x11190]  }
0x22e: {  	v19 =	vadd.f32 v22, v19;
	v22 =	vld [tilespmem:$0x111A0]  }
0x22f: {  	v27 =	vld [tilespmem:$0x111B0]  }
0x230: {  	v19 =	vadd.f32 v23, v19;
	v23 =	vld [tilespmem:$0x111C0]  }
0x231: {  	v28 =	vld [tilespmem:$0x111D0]  }
0x232: {  	v19 =	vadd.f32 v24, v19;
	v24 =	vld [tilespmem:$0x111E0]  }
0x233: {  	v29 =	vld [tilespmem:$0x111F0]  }
0x234: {  	v19 =	vadd.f32 v20, v19;
	_ =	sdelay $0x1  }
0x235: {  	v19 =	vadd.f32 v25, v19;
	_ =	sdelay $0x1  }
0x236: {  	v19 =	vadd.f32 v21, v19;
	_ =	sdelay $0x1  }
0x237: {  	v19 =	vadd.f32 v26, v19;
	_ =	sdelay $0x1  }
0x238: {  	v19 =	vadd.f32 v22, v19;
	_ =	sdelay $0x1  }
0x239: {  	v19 =	vadd.f32 v27, v19;
	_ =	sdelay $0x1  }
0x23a: {  	v19 =	vadd.f32 v23, v19;
	_ =	sdelay $0x1  }
.Ltmp6:
0x23b: {  	v19 =	vadd.f32 v28, v19;
	(pc) =	sbr.rel @p0 .LBB2_14-.Ltmp6, $3  }
0x23c: {  	_ = 	snop  }
0x23d: {  	v19 =	vadd.f32 v24, v19;
	_ =	sdelay $0x1  }
0x23e: {  	s4 =	sshra.s32 s20, $0x2;
	v19 =	vadd.f32 v29, v19  }
0x23f: {  	_ = 	snop  }
0x240: {  	s3 =	rddreg [dreg:$0xb];
	s15 =	simm.s32 $0x11000;
	s20 =	simm.s32 $0x7;
	[tilespmem:s4+$0x11000] =	vst v19  }
0x241: {  	[hbm4b:s3+s21] =	stream.strided.scatter [tilespmem:s15], [sflag:$0x7], $0x100, s22, s21, $0x38;
	[tilespmem:$0x19200] =	vst v63  }
0x242: {  	_ =	swait.ge [sflag:s20], $0x100  }
0x243: {  	[sflag:s20] =	ssyncset.done $0x0  }
0x244: {  	s3 =	simm.s32 $0x10000;
	[sflag:s20] =	ssyncadd.s32 $0xFFFFFF00  }
0x245: {  	s4 =	simm.s32 $0x0;
	[tilespmem:s3+$0x0] =	vst v2  }
.LBB2_16:
0x246: {  	s4 =	sadd.s32 $0x10, s4  }
0x247: {  	p0 =	slt.u32 s4, $0xFF0  }
.Ltmp7:
0x248: {  	_ = 	snop;
	(pc) =	sbr.rel @p0 .LBB2_16-.Ltmp7, $3  }
0x249: {  	_ =	sdelay $0x1  }
0x24a: {  	s3 =	sadd.s32 $0x10, s3  }
0x24b: {  	[tilespmem:s3+$0x0] =	vst v2  }
0x24c: {  	s15 =	simm.s32 $0x0  }
.LBB2_18:
0x24d: {  	_ =	swait.ge [sflag:s25], $0x800;
	s3 =	sshll.u32 s15, $0x13  }
0x24e: {  	[sflag:s25] =	ssyncset.done $0x0;
	s8 =	sor.u32 s3, s17  }
0x24f: {  	s4 =	simm.s32 $0x80;
	[sflag:s25] =	ssyncadd.s32 $0xFFFFF800;
	s8 =	sshrl.u32 s8, $0x3  }
0x250: {  	[tilespmem:s28], [sflag:$0x5] =	stream.strided.gather [spmem:s6], $0x4000, s26, s4, $0x38;
	[tilespmem:$0x19200] =	vst v63  }
0x251: {  	s11 =	sor.u32 $0x8000, s8;
	s8 =	sor.u32 $0xC000, s8  }
0x252: {  	s11 =	sadd.s32 s1, s11;
	s8 =	sadd.s32 s1, s8  }
0x253: {  	[tilespmem:s29], [sflag:$0x2] =	stream.strided.gather [hbm4b:s11+s4], $0x4000, s22, s4, $0x38;
	[tilespmem:$0x19200] =	vst v63  }
0x254: {  	[spmem:s19@s24], [sflag:s16] =	dma.strided [hbm:s8@s4], $0x800, s23, $0x10   }
0x255: {  	_ =	swait.ge [sflag:s23], $0x4000  }
0x256: {  	[sflag:s23] =	ssyncset.done $0x0  }
0x257: {  	[sflag:s23] =	ssyncadd.s32 $0xFFFFC000  }
0x258: {  	v19 =	vld [tilespmem:s4+$0x70]  }
0x259: {  	v20 =	vld [tilespmem:s4+$0xFFFFFF90]  }
0x25a: {  	v21 =	vld [tilespmem:s4+$0xFFFFFFA0]  }
0x25b: {  	v22 =	vld [tilespmem:s4+$0xFFFFFFB0]  }
0x25c: {  	v23 =	vld [tilespmem:s4+$0xFFFFFFC0]  }
0x25d: {  	v24 =	vld [tilespmem:s4+$0xFFFFFFD0]  }
0x25e: {  	v25 =	vld [tilespmem:s4+$0xFFFFFFE0]  }
0x25f: {  	v26 =	vld [tilespmem:s4+$0xFFFFFFF0]  }
0x260: {  	v27 =	vld [tilespmem:s4+$0x0]  }
0x261: {  	v28 =	vld [tilespmem:s4+$0x10]  }
0x262: {  	v29 =	vld [tilespmem:s4+$0x20]  }
0x263: {  	v30 =	vld [tilespmem:s4+$0x30]  }
0x264: {  	v31 =	vld [tilespmem:s4+$0x40]  }
0x265: {  	v32 =	vld [tilespmem:s4+$0x50];
	v19 =	vmul.f32 $2.560000000e+02, v19;
	v20 =	vmul.f32 $2.560000000e+02, v20  }
0x266: {  	v33 =	vld [tilespmem:s4+$0x60];
	v21 =	vmul.f32 $2.560000000e+02, v21;
	v22 =	vmul.f32 $2.560000000e+02, v22  }
0x267: {  	v34 =	vld [tilespmem:s4+$0xFFFFFF80];
	v23 =	vmul.f32 $2.560000000e+02, v23;
	v24 =	vmul.f32 $2.560000000e+02, v24  }
0x268: {  	v25 =	vmul.f32 $2.560000000e+02, v25;
	v26 =	vmul.f32 $2.560000000e+02, v26  }
0x269: {  	v27 =	vmul.f32 $2.560000000e+02, v27;
	v28 =	vmul.f32 $2.560000000e+02, v28  }
0x26a: {  	v29 =	vmul.f32 $2.560000000e+02, v29;
	v30 =	vmul.f32 $2.560000000e+02, v30  }
0x26b: {  	v31 =	vmul.f32 $2.560000000e+02, v31;
	v32 =	vmul.f32 $2.560000000e+02, v32  }
0x26c: {  	v33 =	vmul.f32 $2.560000000e+02, v33;
	v34 =	vmul.f32 $2.560000000e+02, v34  }
0x26d: {  	v19 =	vtrunc.f32 v19;
	v20 =	vtrunc.f32 v20  }
0x26e: {  	v21 =	vtrunc.f32 v21;
	v22 =	vtrunc.f32 v22  }
0x26f: {  	v23 =	vtrunc.f32 v23;
	v24 =	vtrunc.f32 v24  }
0x270: {  	v25 =	vtrunc.f32 v25;
	v26 =	vtrunc.f32 v26  }
0x271: {  	v27 =	vtrunc.f32 v27;
	v28 =	vtrunc.f32 v28  }
0x272: {  	v29 =	vtrunc.f32 v29;
	v30 =	vtrunc.f32 v30  }
0x273: {  	v31 =	vtrunc.f32 v31;
	v32 =	vtrunc.f32 v32  }
0x274: {  	v33 =	vtrunc.f32 v33;
	v34 =	vtrunc.f32 v34  }
0x275: {  	v19 =	vcvt.f32.s32 v19;
	v20 =	vcvt.f32.s32 v20  }
0x276: {  	v34 =	vcvt.f32.s32 v34;
	v21 =	vcvt.f32.s32 v21  }
0x277: {  	v22 =	vcvt.f32.s32 v22;
	v23 =	vcvt.f32.s32 v23  }
0x278: {  	v63 =	vcvt.f32.s32 v24;
	v36 =	vcvt.f32.s32 v25  }
0x279: {  	v37 =	vcvt.f32.s32 v26;
	v27 =	vcvt.f32.s32 v27  }
0x27a: {  	v38 =	vcvt.f32.s32 v28;
	v39 =	vcvt.f32.s32 v29;
	v19 =	vshll.u32 v19, $0x4  }
0x27b: {  	v40 =	vcvt.f32.s32 v30;
	v24 =	vcvt.f32.s32 v31;
	v35 =	vor.u32 v0, v19  }
0x27c: {  	v26 =	vcvt.f32.s32 v32;
	v25 =	vcvt.f32.s32 v33  }
0x27d: {  	v21 =	vshll.u32 v21, $0x4;
	v22 =	vshll.u32 v22, $0x4;
	v23 =	vshll.u32 v23, $0x4  }
0x27e: {  	v28 =	vshll.u32 v63, $0x4;
	v33 =	vshll.u32 v36, $0x4;
	v31 =	vshll.u32 v37, $0x4  }
0x27f: {  	v29 =	vshll.u32 v27, $0x4;
	v32 =	vshll.u32 v38, $0x4;
	v30 =	vshll.u32 v39, $0x4  }
0x280: {  	s20 =	simm.s32 $0x0;
	s4 =	simm.s32 $0x180;
	v27 =	vshll.u32 v40, $0x4;
	v19 =	vshll.u32 v20, $0x4;
	v20 =	vshll.u32 v34, $0x4;
	[tilespmem:v35+s30+$0x0] =	vst.idx.add.f32.msk $0xffff, v3  }
.LBB2_19:
0x281: {  	v34 =	vld [tilespmem:s4+$0x70];
	s20 =	sadd.s32 $0x100, s20;
	v24 =	vshll.u32 v24, $0x4;
	v26 =	vshll.u32 v26, $0x4;
	v25 =	vshll.u32 v25, $0x4  }
0x282: {  	v20 =	vor.u32 v0, v20;
	v19 =	vor.u32 v0, v19;
	v21 =	vor.u32 v0, v21;
	v35 =	vld [tilespmem:s4+$0xFFFFFF90];
	p0 =	slt.u32 s20, $0x3F00  }
0x283: {  	v22 =	vor.u32 v0, v22;
	v23 =	vor.u32 v0, v23;
	v28 =	vor.u32 v0, v28;
	v36 =	vld [tilespmem:s4+$0xFFFFFFA0]  }
0x284: {  	v33 =	vor.u32 v0, v33;
	v31 =	vor.u32 v0, v31;
	v29 =	vor.u32 v0, v29;
	v37 =	vld [tilespmem:s4+$0xFFFFFFB0]  }
0x285: {  	v32 =	vor.u32 v0, v32;
	v30 =	vor.u32 v0, v30;
	v27 =	vor.u32 v0, v27;
	v38 =	vld [tilespmem:s4+$0xFFFFFFC0]  }
0x286: {  	v40 =	vor.u32 v0, v24;
	v41 =	vor.u32 v0, v26;
	v39 =	vld [tilespmem:s4+$0xFFFFFFD0];
	v34 =	vmul.f32 $2.560000000e+02, v34  }
0x287: {  	v24 =	vmul.f32 $2.560000000e+02, v35;
	v26 =	vld [tilespmem:s4+$0xFFFFFFE0];
	v35 =	vor.u32 v0, v25  }
0x288: {  	v25 =	vmul.f32 $2.560000000e+02, v36;
	v36 =	vld [tilespmem:s4+$0xFFFFFFF0];
	v34 =	vtrunc.f32 v34  }
0x289: {  	v37 =	vmul.f32 $2.560000000e+02, v37;
	v42 =	vld [tilespmem:s4+$0x0];
	v34 =	vcvt.f32.s32 v34  }
0x28a: {  	v24 =	vtrunc.f32 v24;
	v38 =	vmul.f32 $2.560000000e+02, v38;
	v43 =	vld [tilespmem:s4+$0x10]  }
0x28b: {  	v25 =	vtrunc.f32 v25;
	v39 =	vmul.f32 $2.560000000e+02, v39;
	v44 =	vld [tilespmem:s4+$0x20];
	v34 =	vshll.u32 v34, $0x4  }
0x28c: {  	v37 =	vtrunc.f32 v37;
	v26 =	vmul.f32 $2.560000000e+02, v26;
	v45 =	vld [tilespmem:s4+$0x30];
	v34 =	vor.u32 v0, v34  }
0x28d: {  	v38 =	vtrunc.f32 v38;
	v36 =	vmul.f32 $2.560000000e+02, v36;
	v46 =	vld [tilespmem:s4+$0x40]  }
0x28e: {  	v39 =	vtrunc.f32 v39;
	v42 =	vmul.f32 $2.560000000e+02, v42;
	v47 =	vld [tilespmem:s4+$0x50]  }
0x28f: {  	v26 =	vtrunc.f32 v26;
	v43 =	vmul.f32 $2.560000000e+02, v43;
	v48 =	vld [tilespmem:s4+$0x60]  }
0x290: {  	v36 =	vtrunc.f32 v36;
	v49 =	vld [tilespmem:s4+$0xFFFFFF80];
	v44 =	vmul.f32 $2.560000000e+02, v44  }
0x291: {  	v42 =	vtrunc.f32 v42;
	v45 =	vmul.f32 $2.560000000e+02, v45;
	[tilespmem:v34+s30+$0x0] =	vst.idx.add.f32.msk $0xffff, v3  }
0x292: {  	v34 =	vtrunc.f32 v43;
	v43 =	vmul.f32 $2.560000000e+02, v46;
	[tilespmem:v20+s30+$0x0] =	vst.idx.add.f32.msk $0xffff, v3  }
0x293: {  	v44 =	vtrunc.f32 v44;
	v20 =	vmul.f32 $2.560000000e+02, v47;
	[tilespmem:v19+s30+$0x0] =	vst.idx.add.f32.msk $0xffff, v3  }
0x294: {  	v45 =	vtrunc.f32 v45;
	v19 =	vmul.f32 $2.560000000e+02, v48;
	[tilespmem:v21+s30+$0x0] =	vst.idx.add.f32.msk $0xffff, v3  }
0x295: {  	v43 =	vtrunc.f32 v43;
	v21 =	vmul.f32 $2.560000000e+02, v49;
	[tilespmem:v22+s30+$0x0] =	vst.idx.add.f32.msk $0xffff, v3  }
0x296: {  	v46 =	vtrunc.f32 v20;
	v47 =	vtrunc.f32 v19;
	[tilespmem:v23+s30+$0x0] =	vst.idx.add.f32.msk $0xffff, v3  }
0x297: {  	v20 =	vcvt.f32.s32 v24;
	v19 =	vtrunc.f32 v21;
	[tilespmem:v28+s30+$0x0] =	vst.idx.add.f32.msk $0xffff, v3  }
0x298: {  	v22 =	vcvt.f32.s32 v25;
	v21 =	vcvt.f32.s32 v19;
	[tilespmem:v33+s30+$0x0] =	vst.idx.add.f32.msk $0xffff, v3  }
0x299: {  	v24 =	vcvt.f32.s32 v38;
	v23 =	vcvt.f32.s32 v37;
	v19 =	vshll.u32 v20, $0x4;
	[tilespmem:v31+s30+$0x0] =	vst.idx.add.f32.msk $0xffff, v3  }
0x29a: {  	v25 =	vcvt.f32.s32 v39;
	v31 =	vcvt.f32.s32 v26;
	v20 =	vshll.u32 v21, $0x4;
	[tilespmem:v29+s30+$0x0] =	vst.idx.add.f32.msk $0xffff, v3  }
0x29b: {  	v21 =	vshll.u32 v22, $0x4;
	v29 =	vcvt.f32.s32 v36;
	v36 =	vcvt.f32.s32 v42;
	[tilespmem:v32+s30+$0x0] =	vst.idx.add.f32.msk $0xffff, v3  }
.Ltmp8:
0x29c: {  	v22 =	vshll.u32 v23, $0x4;
	v32 =	vcvt.f32.s32 v34;
	v34 =	vcvt.f32.s32 v44;
	[tilespmem:v30+s30+$0x0] =	vst.idx.add.f32.msk $0xffff, v3;
	(pc) =	sbr.rel @p0 .LBB2_19-.Ltmp8, $4  }
0x29d: {  	v37 =	vcvt.f32.s32 v45;
	v23 =	vshll.u32 v24, $0x4;
	v24 =	vcvt.f32.s32 v43;
	[tilespmem:v27+s30+$0x0] =	vst.idx.add.f32.msk $0xffff, v3  }
0x29e: {  	v28 =	vshll.u32 v25, $0x4;
	v25 =	vcvt.f32.s32 v47;
	v26 =	vcvt.f32.s32 v46;
	[tilespmem:v40+s30+$0x0] =	vst.idx.add.f32.msk $0xffff, v3  }
0x29f: {  	v33 =	vshll.u32 v31, $0x4;
	v31 =	vshll.u32 v29, $0x4;
	v29 =	vshll.u32 v36, $0x4;
	[tilespmem:v41+s30+$0x0] =	vst.idx.add.f32.msk $0xffff, v3  }
0x2a0: {  	s4 =	sadd.s32 $0x100, s4;
	v32 =	vshll.u32 v32, $0x4;
	v30 =	vshll.u32 v34, $0x4;
	v27 =	vshll.u32 v37, $0x4;
	[tilespmem:v35+s30+$0x0] =	vst.idx.add.f32.msk $0xffff, v3  }
0x2a1: {  	v20 =	vor.u32 v0, v20  }
0x2a2: {  	v19 =	vor.u32 v0, v19  }
0x2a3: {  	v21 =	vor.u32 v0, v21  }
0x2a4: {  	v22 =	vor.u32 v0, v22  }
0x2a5: {  	v23 =	vor.u32 v0, v23  }
0x2a6: {  	v28 =	vor.u32 v0, v28;
	[tilespmem:v20+s30+$0x0] =	vst.idx.add.f32.msk $0xffff, v3  }
0x2a7: {  	v27 =	vor.u32 v0, v27;
	[tilespmem:v19+s30+$0x0] =	vst.idx.add.f32.msk $0xffff, v3  }
0x2a8: {  	v20 =	vor.u32 v0, v33;
	[tilespmem:v21+s30+$0x0] =	vst.idx.add.f32.msk $0xffff, v3  }
0x2a9: {  	v24 =	vshll.u32 v24, $0x4;
	v19 =	vor.u32 v0, v31;
	[tilespmem:v22+s30+$0x0] =	vst.idx.add.f32.msk $0xffff, v3  }
0x2aa: {  	v24 =	vor.u32 v0, v24;
	[tilespmem:v23+s30+$0x0] =	vst.idx.add.f32.msk $0xffff, v3  }
0x2ab: {  	v21 =	vor.u32 v0, v29;
	[tilespmem:v28+s30+$0x0] =	vst.idx.add.f32.msk $0xffff, v3  }
0x2ac: {  	v22 =	vor.u32 v0, v32;
	[tilespmem:v27+s30+$0x0] =	vst.idx.add.f32.msk $0xffff, v3  }
0x2ad: {  	v23 =	vor.u32 v0, v30;
	[tilespmem:v20+s30+$0x0] =	vst.idx.add.f32.msk $0xffff, v3;
	v20 =	vshll.u32 v26, $0x4  }
0x2ae: {  	[tilespmem:v19+s30+$0x0] =	vst.idx.add.f32.msk $0xffff, v3;
	v19 =	vshll.u32 v25, $0x4;
	v20 =	vor.u32 v0, v20  }
0x2af: {  	[tilespmem:v24+s30+$0x0] =	vst.idx.add.f32.msk $0xffff, v3;
	v19 =	vor.u32 v0, v19  }
0x2b0: {  	[tilespmem:v21+s30+$0x0] =	vst.idx.add.f32.msk $0xffff, v3  }
0x2b1: {  	[tilespmem:v22+s30+$0x0] =	vst.idx.add.f32.msk $0xffff, v3  }
0x2b2: {  	[tilespmem:v23+s30+$0x0] =	vst.idx.add.f32.msk $0xffff, v3  }
0x2b3: {  	[tilespmem:v20+s30+$0x0] =	vst.idx.add.f32.msk $0xffff, v3  }
0x2b4: {  	[tilespmem:v19+s30+$0x0] =	vst.idx.add.f32.msk $0xffff, v3  }
0x2b5: {  	_ =	swait.ge [sflag:s31], $0x4000  }
0x2b6: {  	[sflag:s31] =	ssyncset.done $0x0  }
0x2b7: {  	s4 =	simm.s32 $0x8080;
	[sflag:s31] =	ssyncadd.s32 $0xFFFFC000  }
0x2b8: {  	v19 =	vld [tilespmem:s4+$0x70]  }
0x2b9: {  	v20 =	vld [tilespmem:s4+$0xFFFFFF90]  }
0x2ba: {  	v21 =	vld [tilespmem:s4+$0xFFFFFFA0]  }
0x2bb: {  	v22 =	vld [tilespmem:s4+$0xFFFFFFB0]  }
0x2bc: {  	v23 =	vld [tilespmem:s4+$0xFFFFFFC0]  }
0x2bd: {  	v24 =	vld [tilespmem:s4+$0xFFFFFFD0]  }
0x2be: {  	v25 =	vld [tilespmem:s4+$0xFFFFFFE0]  }
0x2bf: {  	v26 =	vld [tilespmem:s4+$0xFFFFFFF0]  }
0x2c0: {  	v27 =	vld [tilespmem:s4+$0x0]  }
0x2c1: {  	v28 =	vld [tilespmem:s4+$0x10]  }
0x2c2: {  	v29 =	vld [tilespmem:s4+$0x20]  }
0x2c3: {  	v30 =	vld [tilespmem:s4+$0x30]  }
0x2c4: {  	v31 =	vld [tilespmem:s4+$0x40]  }
0x2c5: {  	v61 =	vld [tilespmem:s4+$0x50];
	v19 =	vmul.f32 $2.560000000e+02, v19;
	v20 =	vmul.f32 $2.560000000e+02, v20  }
0x2c6: {  	v62 =	vld [tilespmem:s4+$0x60];
	v21 =	vmul.f32 $2.560000000e+02, v21;
	v22 =	vmul.f32 $2.560000000e+02, v22  }
0x2c7: {  	v34 =	vld [tilespmem:s4+$0xFFFFFF80];
	v23 =	vmul.f32 $2.560000000e+02, v23;
	v24 =	vmul.f32 $2.560000000e+02, v24  }
0x2c8: {  	v25 =	vmul.f32 $2.560000000e+02, v25;
	v26 =	vmul.f32 $2.560000000e+02, v26  }
0x2c9: {  	v27 =	vmul.f32 $2.560000000e+02, v27;
	v28 =	vmul.f32 $2.560000000e+02, v28  }
0x2ca: {  	v29 =	vmul.f32 $2.560000000e+02, v29;
	v30 =	vmul.f32 $2.560000000e+02, v30  }
0x2cb: {  	v31 =	vmul.f32 $2.560000000e+02, v31;
	v32 =	vmul.f32 $2.560000000e+02, v61  }
0x2cc: {  	v33 =	vmul.f32 $2.560000000e+02, v62;
	v34 =	vmul.f32 $2.560000000e+02, v34  }
0x2cd: {  	v19 =	vtrunc.f32 v19;
	v20 =	vtrunc.f32 v20  }
0x2ce: {  	v21 =	vtrunc.f32 v21;
	v22 =	vtrunc.f32 v22  }
0x2cf: {  	v23 =	vtrunc.f32 v23;
	v24 =	vtrunc.f32 v24  }
0x2d0: {  	v25 =	vtrunc.f32 v25;
	v26 =	vtrunc.f32 v26  }
0x2d1: {  	v27 =	vtrunc.f32 v27;
	v28 =	vtrunc.f32 v28  }
0x2d2: {  	v29 =	vtrunc.f32 v29;
	v30 =	vtrunc.f32 v30  }
0x2d3: {  	v31 =	vtrunc.f32 v31;
	v32 =	vtrunc.f32 v32  }
0x2d4: {  	v33 =	vtrunc.f32 v33;
	v34 =	vtrunc.f32 v34  }
0x2d5: {  	v19 =	vcvt.f32.s32 v19;
	v20 =	vcvt.f32.s32 v20  }
0x2d6: {  	v34 =	vcvt.f32.s32 v34;
	v21 =	vcvt.f32.s32 v21  }
0x2d7: {  	v22 =	vcvt.f32.s32 v22;
	v23 =	vcvt.f32.s32 v23  }
0x2d8: {  	v63 =	vcvt.f32.s32 v24;
	v36 =	vcvt.f32.s32 v25  }
0x2d9: {  	v37 =	vcvt.f32.s32 v26;
	v27 =	vcvt.f32.s32 v27  }
0x2da: {  	v38 =	vcvt.f32.s32 v28;
	v39 =	vcvt.f32.s32 v29;
	v19 =	vshll.u32 v19, $0x4  }
0x2db: {  	v40 =	vcvt.f32.s32 v30;
	v24 =	vcvt.f32.s32 v31;
	v35 =	vor.u32 v0, v19  }
0x2dc: {  	v26 =	vcvt.f32.s32 v32;
	v25 =	vcvt.f32.s32 v33  }
0x2dd: {  	v21 =	vshll.u32 v21, $0x4;
	v22 =	vshll.u32 v22, $0x4;
	v23 =	vshll.u32 v23, $0x4  }
0x2de: {  	v28 =	vshll.u32 v63, $0x4;
	v33 =	vshll.u32 v36, $0x4;
	v31 =	vshll.u32 v37, $0x4  }
0x2df: {  	v29 =	vshll.u32 v27, $0x4;
	v32 =	vshll.u32 v38, $0x4;
	v30 =	vshll.u32 v39, $0x4  }
0x2e0: {  	s20 =	simm.s32 $0x0;
	s4 =	simm.s32 $0x8180;
	v27 =	vshll.u32 v40, $0x4;
	v19 =	vshll.u32 v20, $0x4;
	v20 =	vshll.u32 v34, $0x4;
	[tilespmem:v35+s30+$0x0] =	vst.idx.add.f32.msk $0xffff, v3  }
.LBB2_21:
0x2e1: {  	v34 =	vld [tilespmem:s4+$0x70];
	s20 =	sadd.s32 $0x100, s20;
	v24 =	vshll.u32 v24, $0x4;
	v26 =	vshll.u32 v26, $0x4;
	v25 =	vshll.u32 v25, $0x4  }
0x2e2: {  	v20 =	vor.u32 v0, v20;
	v19 =	vor.u32 v0, v19;
	v21 =	vor.u32 v0, v21;
	v35 =	vld [tilespmem:s4+$0xFFFFFF90];
	p0 =	slt.u32 s20, $0x3F00  }
0x2e3: {  	v22 =	vor.u32 v0, v22;
	v23 =	vor.u32 v0, v23;
	v28 =	vor.u32 v0, v28;
	v36 =	vld [tilespmem:s4+$0xFFFFFFA0]  }
0x2e4: {  	v33 =	vor.u32 v0, v33;
	v31 =	vor.u32 v0, v31;
	v29 =	vor.u32 v0, v29;
	v37 =	vld [tilespmem:s4+$0xFFFFFFB0]  }
0x2e5: {  	v32 =	vor.u32 v0, v32;
	v30 =	vor.u32 v0, v30;
	v27 =	vor.u32 v0, v27;
	v38 =	vld [tilespmem:s4+$0xFFFFFFC0]  }
0x2e6: {  	v40 =	vor.u32 v0, v24;
	v41 =	vor.u32 v0, v26;
	v39 =	vld [tilespmem:s4+$0xFFFFFFD0];
	v34 =	vmul.f32 $2.560000000e+02, v34  }
0x2e7: {  	v24 =	vmul.f32 $2.560000000e+02, v35;
	v26 =	vld [tilespmem:s4+$0xFFFFFFE0];
	v35 =	vor.u32 v0, v25  }
0x2e8: {  	v25 =	vmul.f32 $2.560000000e+02, v36;
	v36 =	vld [tilespmem:s4+$0xFFFFFFF0];
	v34 =	vtrunc.f32 v34  }
0x2e9: {  	v37 =	vmul.f32 $2.560000000e+02, v37;
	v42 =	vld [tilespmem:s4+$0x0];
	v34 =	vcvt.f32.s32 v34  }
0x2ea: {  	v24 =	vtrunc.f32 v24;
	v38 =	vmul.f32 $2.560000000e+02, v38;
	v43 =	vld [tilespmem:s4+$0x10]  }
0x2eb: {  	v25 =	vtrunc.f32 v25;
	v39 =	vmul.f32 $2.560000000e+02, v39;
	v44 =	vld [tilespmem:s4+$0x20];
	v34 =	vshll.u32 v34, $0x4  }
0x2ec: {  	v37 =	vtrunc.f32 v37;
	v26 =	vmul.f32 $2.560000000e+02, v26;
	v45 =	vld [tilespmem:s4+$0x30];
	v34 =	vor.u32 v0, v34  }
0x2ed: {  	v38 =	vtrunc.f32 v38;
	v36 =	vmul.f32 $2.560000000e+02, v36;
	v46 =	vld [tilespmem:s4+$0x40]  }
0x2ee: {  	v39 =	vtrunc.f32 v39;
	v42 =	vmul.f32 $2.560000000e+02, v42;
	v47 =	vld [tilespmem:s4+$0x50]  }
0x2ef: {  	v26 =	vtrunc.f32 v26;
	v43 =	vmul.f32 $2.560000000e+02, v43;
	v48 =	vld [tilespmem:s4+$0x60]  }
0x2f0: {  	v36 =	vtrunc.f32 v36;
	v49 =	vld [tilespmem:s4+$0xFFFFFF80];
	v44 =	vmul.f32 $2.560000000e+02, v44  }
0x2f1: {  	v42 =	vtrunc.f32 v42;
	v45 =	vmul.f32 $2.560000000e+02, v45;
	[tilespmem:v34+s30+$0x0] =	vst.idx.add.f32.msk $0xffff, v3  }
0x2f2: {  	v34 =	vtrunc.f32 v43;
	v43 =	vmul.f32 $2.560000000e+02, v46;
	[tilespmem:v20+s30+$0x0] =	vst.idx.add.f32.msk $0xffff, v3  }
0x2f3: {  	v44 =	vtrunc.f32 v44;
	v20 =	vmul.f32 $2.560000000e+02, v47;
	[tilespmem:v19+s30+$0x0] =	vst.idx.add.f32.msk $0xffff, v3  }
0x2f4: {  	v45 =	vtrunc.f32 v45;
	v19 =	vmul.f32 $2.560000000e+02, v48;
	[tilespmem:v21+s30+$0x0] =	vst.idx.add.f32.msk $0xffff, v3  }
0x2f5: {  	v43 =	vtrunc.f32 v43;
	v21 =	vmul.f32 $2.560000000e+02, v49;
	[tilespmem:v22+s30+$0x0] =	vst.idx.add.f32.msk $0xffff, v3  }
0x2f6: {  	v46 =	vtrunc.f32 v20;
	v47 =	vtrunc.f32 v19;
	[tilespmem:v23+s30+$0x0] =	vst.idx.add.f32.msk $0xffff, v3  }
0x2f7: {  	v20 =	vcvt.f32.s32 v24;
	v19 =	vtrunc.f32 v21;
	[tilespmem:v28+s30+$0x0] =	vst.idx.add.f32.msk $0xffff, v3  }
0x2f8: {  	v22 =	vcvt.f32.s32 v25;
	v21 =	vcvt.f32.s32 v19;
	[tilespmem:v33+s30+$0x0] =	vst.idx.add.f32.msk $0xffff, v3  }
0x2f9: {  	v24 =	vcvt.f32.s32 v38;
	v23 =	vcvt.f32.s32 v37;
	v19 =	vshll.u32 v20, $0x4;
	[tilespmem:v31+s30+$0x0] =	vst.idx.add.f32.msk $0xffff, v3  }
0x2fa: {  	v25 =	vcvt.f32.s32 v39;
	v31 =	vcvt.f32.s32 v26;
	v20 =	vshll.u32 v21, $0x4;
	[tilespmem:v29+s30+$0x0] =	vst.idx.add.f32.msk $0xffff, v3  }
0x2fb: {  	v21 =	vshll.u32 v22, $0x4;
	v29 =	vcvt.f32.s32 v36;
	v36 =	vcvt.f32.s32 v42;
	[tilespmem:v32+s30+$0x0] =	vst.idx.add.f32.msk $0xffff, v3  }
.Ltmp9:
0x2fc: {  	v22 =	vshll.u32 v23, $0x4;
	v32 =	vcvt.f32.s32 v34;
	v34 =	vcvt.f32.s32 v44;
	[tilespmem:v30+s30+$0x0] =	vst.idx.add.f32.msk $0xffff, v3;
	(pc) =	sbr.rel @p0 .LBB2_21-.Ltmp9, $4  }
0x2fd: {  	v37 =	vcvt.f32.s32 v45;
	v23 =	vshll.u32 v24, $0x4;
	v24 =	vcvt.f32.s32 v43;
	[tilespmem:v27+s30+$0x0] =	vst.idx.add.f32.msk $0xffff, v3  }
0x2fe: {  	v28 =	vshll.u32 v25, $0x4;
	v25 =	vcvt.f32.s32 v47;
	v26 =	vcvt.f32.s32 v46;
	[tilespmem:v40+s30+$0x0] =	vst.idx.add.f32.msk $0xffff, v3  }
0x2ff: {  	v33 =	vshll.u32 v31, $0x4;
	v31 =	vshll.u32 v29, $0x4;
	v29 =	vshll.u32 v36, $0x4;
	[tilespmem:v41+s30+$0x0] =	vst.idx.add.f32.msk $0xffff, v3  }
0x300: {  	s4 =	sadd.s32 $0x100, s4;
	v32 =	vshll.u32 v32, $0x4;
	v30 =	vshll.u32 v34, $0x4;
	v27 =	vshll.u32 v37, $0x4;
	[tilespmem:v35+s30+$0x0] =	vst.idx.add.f32.msk $0xffff, v3  }
0x301: {  	v20 =	vor.u32 v0, v20  }
0x302: {  	v19 =	vor.u32 v0, v19  }
0x303: {  	v21 =	vor.u32 v0, v21  }
0x304: {  	v22 =	vor.u32 v0, v22  }
0x305: {  	v23 =	vor.u32 v0, v23  }
0x306: {  	v28 =	vor.u32 v0, v28;
	[tilespmem:v20+s30+$0x0] =	vst.idx.add.f32.msk $0xffff, v3  }
0x307: {  	v27 =	vor.u32 v0, v27;
	[tilespmem:v19+s30+$0x0] =	vst.idx.add.f32.msk $0xffff, v3  }
0x308: {  	v20 =	vor.u32 v0, v33;
	[tilespmem:v21+s30+$0x0] =	vst.idx.add.f32.msk $0xffff, v3  }
0x309: {  	v24 =	vshll.u32 v24, $0x4;
	v19 =	vor.u32 v0, v31;
	[tilespmem:v22+s30+$0x0] =	vst.idx.add.f32.msk $0xffff, v3  }
0x30a: {  	v24 =	vor.u32 v0, v24;
	[tilespmem:v23+s30+$0x0] =	vst.idx.add.f32.msk $0xffff, v3  }
0x30b: {  	v21 =	vor.u32 v0, v29;
	[tilespmem:v28+s30+$0x0] =	vst.idx.add.f32.msk $0xffff, v3  }
0x30c: {  	v22 =	vor.u32 v0, v32;
	[tilespmem:v27+s30+$0x0] =	vst.idx.add.f32.msk $0xffff, v3  }
0x30d: {  	v23 =	vor.u32 v0, v30;
	[tilespmem:v20+s30+$0x0] =	vst.idx.add.f32.msk $0xffff, v3;
	v20 =	vshll.u32 v26, $0x4  }
0x30e: {  	[tilespmem:v19+s30+$0x0] =	vst.idx.add.f32.msk $0xffff, v3;
	v19 =	vshll.u32 v25, $0x4;
	v20 =	vor.u32 v0, v20  }
0x30f: {  	[tilespmem:v24+s30+$0x0] =	vst.idx.add.f32.msk $0xffff, v3;
	v19 =	vor.u32 v0, v19  }
0x310: {  	[tilespmem:v21+s30+$0x0] =	vst.idx.add.f32.msk $0xffff, v3  }
0x311: {  	[tilespmem:v22+s30+$0x0] =	vst.idx.add.f32.msk $0xffff, v3  }
0x312: {  	[tilespmem:v23+s30+$0x0] =	vst.idx.add.f32.msk $0xffff, v3  }
0x313: {  	[tilespmem:v20+s30+$0x0] =	vst.idx.add.f32.msk $0xffff, v3  }
0x314: {  	[tilespmem:v19+s30+$0x0] =	vst.idx.add.f32.msk $0xffff, v3  }
0x315: {  	p0 =	seq.s32 s15, $0xF;
	_ =	swait.ge [sflag:s0], $0x800  }
0x316: {  	s8 =	simm.s32 @!p0 $0x80;
	[sflag:s0] =	ssyncset.done $0x0;
	s4 =	rddreg [dreg:$0xc]  }
0x317: {  	[sflag:s0] =	ssyncadd.s32 $0xFFFFF800;
	s4 =	sadd.s32 @!p0 s3, s4;
	s3 =	sadd.s32 @!p0 s3, s18  }
0x318: {  	[tilespmem:s2], [sflag:$0x6] =	stream.strided.gather [spmem:s10], $0x4000, s26, s21, $0x38;
	[tilespmem:$0x19200] =	vst v63  }
0x319: {  	s11 =	simm.s32 @!p0 $0x400;
	s4 =	sshrl.u32 @!p0 s4, $0x3;
	s3 =	sshrl.u32 @!p0 s3, $0x3  }
0x31a: {  	s20 =	simm.s32 @!p0 $0x0;
	s4 =	sadd.s32 @!p0 s1, s4;
	s3 =	sadd.s32 @!p0 s1, s3  }
0x31b: {  	[tilespmem:s20], [sflag:$0x1] =	stream.strided.gather @!p0 [hbm4b:s4+s8], $0x4000, s11, s8, $0x38;
	[tilespmem:$0x19200] =	vst v63  }
0x31c: {  	s4 =	sshrl.u32 @!p0 s6, $0x3;
	s11 =	simm.s32 @!p0 $0x1;
	s20 =	simm.s32 @!p0 $0x20  }
0x31d: {  	[spmem:s4@s20], [sflag:s9] =	dma.strided @!p0 [hbm:s3@s8], $0x800, s11, $0x10   }
0x31e: {  	_ =	swait.ge [sflag:s5], $0x4000  }
0x31f: {  	[sflag:s5] =	ssyncset.done $0x0  }
0x320: {  	s20 =	simm.s32 $0x4080;
	[sflag:s5] =	ssyncadd.s32 $0xFFFFC000  }
0x321: {  	v19 =	vld [tilespmem:s20+$0x70]  }
0x322: {  	v20 =	vld [tilespmem:s20+$0xFFFFFF90]  }
0x323: {  	v21 =	vld [tilespmem:s20+$0xFFFFFFA0]  }
0x324: {  	v22 =	vld [tilespmem:s20+$0xFFFFFFB0]  }
0x325: {  	v23 =	vld [tilespmem:s20+$0xFFFFFFC0]  }
0x326: {  	v24 =	vld [tilespmem:s20+$0xFFFFFFD0]  }
0x327: {  	v25 =	vld [tilespmem:s20+$0xFFFFFFE0]  }
0x328: {  	v26 =	vld [tilespmem:s20+$0xFFFFFFF0]  }
0x329: {  	v27 =	vld [tilespmem:s20+$0x0]  }
0x32a: {  	v28 =	vld [tilespmem:s20+$0x10]  }
0x32b: {  	v29 =	vld [tilespmem:s20+$0x20]  }
0x32c: {  	v30 =	vld [tilespmem:s20+$0x30]  }
0x32d: {  	v31 =	vld [tilespmem:s20+$0x40]  }
0x32e: {  	v61 =	vld [tilespmem:s20+$0x50];
	v19 =	vmul.f32 $2.560000000e+02, v19;
	v20 =	vmul.f32 $2.560000000e+02, v20  }
0x32f: {  	v62 =	vld [tilespmem:s20+$0x60];
	v21 =	vmul.f32 $2.560000000e+02, v21;
	v22 =	vmul.f32 $2.560000000e+02, v22  }
0x330: {  	v34 =	vld [tilespmem:s20+$0xFFFFFF80];
	v23 =	vmul.f32 $2.560000000e+02, v23;
	v24 =	vmul.f32 $2.560000000e+02, v24  }
0x331: {  	v25 =	vmul.f32 $2.560000000e+02, v25;
	v26 =	vmul.f32 $2.560000000e+02, v26  }
0x332: {  	v27 =	vmul.f32 $2.560000000e+02, v27;
	v28 =	vmul.f32 $2.560000000e+02, v28  }
0x333: {  	v29 =	vmul.f32 $2.560000000e+02, v29;
	v30 =	vmul.f32 $2.560000000e+02, v30  }
0x334: {  	v31 =	vmul.f32 $2.560000000e+02, v31;
	v32 =	vmul.f32 $2.560000000e+02, v61  }
0x335: {  	v33 =	vmul.f32 $2.560000000e+02, v62;
	v34 =	vmul.f32 $2.560000000e+02, v34  }
0x336: {  	v19 =	vtrunc.f32 v19;
	v20 =	vtrunc.f32 v20  }
0x337: {  	v21 =	vtrunc.f32 v21;
	v22 =	vtrunc.f32 v22  }
0x338: {  	v23 =	vtrunc.f32 v23;
	v24 =	vtrunc.f32 v24  }
0x339: {  	v25 =	vtrunc.f32 v25;
	v26 =	vtrunc.f32 v26  }
0x33a: {  	v27 =	vtrunc.f32 v27;
	v28 =	vtrunc.f32 v28  }
0x33b: {  	v29 =	vtrunc.f32 v29;
	v30 =	vtrunc.f32 v30  }
0x33c: {  	v31 =	vtrunc.f32 v31;
	v32 =	vtrunc.f32 v32  }
0x33d: {  	v33 =	vtrunc.f32 v33;
	v34 =	vtrunc.f32 v34  }
0x33e: {  	v19 =	vcvt.f32.s32 v19;
	v20 =	vcvt.f32.s32 v20  }
0x33f: {  	v34 =	vcvt.f32.s32 v34;
	v21 =	vcvt.f32.s32 v21  }
0x340: {  	v22 =	vcvt.f32.s32 v22;
	v23 =	vcvt.f32.s32 v23  }
0x341: {  	v63 =	vcvt.f32.s32 v24;
	v36 =	vcvt.f32.s32 v25  }
0x342: {  	v37 =	vcvt.f32.s32 v26;
	v27 =	vcvt.f32.s32 v27  }
0x343: {  	v38 =	vcvt.f32.s32 v28;
	v39 =	vcvt.f32.s32 v29;
	v19 =	vshll.u32 v19, $0x4  }
0x344: {  	v40 =	vcvt.f32.s32 v30;
	v24 =	vcvt.f32.s32 v31;
	v35 =	vor.u32 v0, v19  }
0x345: {  	v26 =	vcvt.f32.s32 v32;
	v25 =	vcvt.f32.s32 v33  }
0x346: {  	v21 =	vshll.u32 v21, $0x4;
	v22 =	vshll.u32 v22, $0x4;
	v23 =	vshll.u32 v23, $0x4  }
0x347: {  	v28 =	vshll.u32 v63, $0x4;
	v33 =	vshll.u32 v36, $0x4;
	v31 =	vshll.u32 v37, $0x4  }
0x348: {  	v29 =	vshll.u32 v27, $0x4;
	v32 =	vshll.u32 v38, $0x4;
	v30 =	vshll.u32 v39, $0x4  }
0x349: {  	s3 =	simm.s32 $0x0;
	s4 =	simm.s32 $0x4180;
	v27 =	vshll.u32 v40, $0x4;
	v19 =	vshll.u32 v20, $0x4;
	v20 =	vshll.u32 v34, $0x4;
	[tilespmem:v35+s30+$0x0] =	vst.idx.add.f32.msk $0xffff, v3  }
.LBB2_23:
0x34a: {  	v34 =	vld [tilespmem:s4+$0x70];
	s3 =	sadd.s32 $0x100, s3;
	v24 =	vshll.u32 v24, $0x4;
	v26 =	vshll.u32 v26, $0x4;
	v25 =	vshll.u32 v25, $0x4  }
0x34b: {  	v20 =	vor.u32 v0, v20;
	v19 =	vor.u32 v0, v19;
	v21 =	vor.u32 v0, v21;
	v35 =	vld [tilespmem:s4+$0xFFFFFF90];
	p0 =	slt.u32 s3, $0x3F00  }
0x34c: {  	v22 =	vor.u32 v0, v22;
	v23 =	vor.u32 v0, v23;
	v28 =	vor.u32 v0, v28;
	v36 =	vld [tilespmem:s4+$0xFFFFFFA0]  }
0x34d: {  	v33 =	vor.u32 v0, v33;
	v31 =	vor.u32 v0, v31;
	v29 =	vor.u32 v0, v29;
	v37 =	vld [tilespmem:s4+$0xFFFFFFB0]  }
0x34e: {  	v32 =	vor.u32 v0, v32;
	v30 =	vor.u32 v0, v30;
	v27 =	vor.u32 v0, v27;
	v38 =	vld [tilespmem:s4+$0xFFFFFFC0]  }
0x34f: {  	v40 =	vor.u32 v0, v24;
	v41 =	vor.u32 v0, v26;
	v39 =	vld [tilespmem:s4+$0xFFFFFFD0];
	v34 =	vmul.f32 $2.560000000e+02, v34  }
0x350: {  	v24 =	vmul.f32 $2.560000000e+02, v35;
	v26 =	vld [tilespmem:s4+$0xFFFFFFE0];
	v35 =	vor.u32 v0, v25  }
0x351: {  	v25 =	vmul.f32 $2.560000000e+02, v36;
	v36 =	vld [tilespmem:s4+$0xFFFFFFF0];
	v34 =	vtrunc.f32 v34  }
0x352: {  	v37 =	vmul.f32 $2.560000000e+02, v37;
	v42 =	vld [tilespmem:s4+$0x0];
	v34 =	vcvt.f32.s32 v34  }
0x353: {  	v24 =	vtrunc.f32 v24;
	v38 =	vmul.f32 $2.560000000e+02, v38;
	v43 =	vld [tilespmem:s4+$0x10]  }
0x354: {  	v25 =	vtrunc.f32 v25;
	v39 =	vmul.f32 $2.560000000e+02, v39;
	v44 =	vld [tilespmem:s4+$0x20];
	v34 =	vshll.u32 v34, $0x4  }
0x355: {  	v37 =	vtrunc.f32 v37;
	v26 =	vmul.f32 $2.560000000e+02, v26;
	v45 =	vld [tilespmem:s4+$0x30];
	v34 =	vor.u32 v0, v34  }
0x356: {  	v38 =	vtrunc.f32 v38;
	v36 =	vmul.f32 $2.560000000e+02, v36;
	v46 =	vld [tilespmem:s4+$0x40]  }
0x357: {  	v39 =	vtrunc.f32 v39;
	v42 =	vmul.f32 $2.560000000e+02, v42;
	v47 =	vld [tilespmem:s4+$0x50]  }
0x358: {  	v26 =	vtrunc.f32 v26;
	v43 =	vmul.f32 $2.560000000e+02, v43;
	v48 =	vld [tilespmem:s4+$0x60]  }
0x359: {  	v36 =	vtrunc.f32 v36;
	v49 =	vld [tilespmem:s4+$0xFFFFFF80];
	v44 =	vmul.f32 $2.560000000e+02, v44  }
0x35a: {  	v42 =	vtrunc.f32 v42;
	v45 =	vmul.f32 $2.560000000e+02, v45;
	[tilespmem:v34+s30+$0x0] =	vst.idx.add.f32.msk $0xffff, v3  }
0x35b: {  	v34 =	vtrunc.f32 v43;
	v43 =	vmul.f32 $2.560000000e+02, v46;
	[tilespmem:v20+s30+$0x0] =	vst.idx.add.f32.msk $0xffff, v3  }
0x35c: {  	v44 =	vtrunc.f32 v44;
	v20 =	vmul.f32 $2.560000000e+02, v47;
	[tilespmem:v19+s30+$0x0] =	vst.idx.add.f32.msk $0xffff, v3  }
0x35d: {  	v45 =	vtrunc.f32 v45;
	v19 =	vmul.f32 $2.560000000e+02, v48;
	[tilespmem:v21+s30+$0x0] =	vst.idx.add.f32.msk $0xffff, v3  }
0x35e: {  	v43 =	vtrunc.f32 v43;
	v21 =	vmul.f32 $2.560000000e+02, v49;
	[tilespmem:v22+s30+$0x0] =	vst.idx.add.f32.msk $0xffff, v3  }
0x35f: {  	v46 =	vtrunc.f32 v20;
	v47 =	vtrunc.f32 v19;
	[tilespmem:v23+s30+$0x0] =	vst.idx.add.f32.msk $0xffff, v3  }
0x360: {  	v20 =	vcvt.f32.s32 v24;
	v19 =	vtrunc.f32 v21;
	[tilespmem:v28+s30+$0x0] =	vst.idx.add.f32.msk $0xffff, v3  }
0x361: {  	v22 =	vcvt.f32.s32 v25;
	v21 =	vcvt.f32.s32 v19;
	[tilespmem:v33+s30+$0x0] =	vst.idx.add.f32.msk $0xffff, v3  }
0x362: {  	v24 =	vcvt.f32.s32 v38;
	v23 =	vcvt.f32.s32 v37;
	v19 =	vshll.u32 v20, $0x4;
	[tilespmem:v31+s30+$0x0] =	vst.idx.add.f32.msk $0xffff, v3  }
0x363: {  	v25 =	vcvt.f32.s32 v39;
	v31 =	vcvt.f32.s32 v26;
	v20 =	vshll.u32 v21, $0x4;
	[tilespmem:v29+s30+$0x0] =	vst.idx.add.f32.msk $0xffff, v3  }
0x364: {  	v21 =	vshll.u32 v22, $0x4;
	v29 =	vcvt.f32.s32 v36;
	v36 =	vcvt.f32.s32 v42;
	[tilespmem:v32+s30+$0x0] =	vst.idx.add.f32.msk $0xffff, v3  }
.Ltmp10:
0x365: {  	v22 =	vshll.u32 v23, $0x4;
	v32 =	vcvt.f32.s32 v34;
	v34 =	vcvt.f32.s32 v44;
	[tilespmem:v30+s30+$0x0] =	vst.idx.add.f32.msk $0xffff, v3;
	(pc) =	sbr.rel @p0 .LBB2_23-.Ltmp10, $4  }
0x366: {  	v37 =	vcvt.f32.s32 v45;
	v23 =	vshll.u32 v24, $0x4;
	v24 =	vcvt.f32.s32 v43;
	[tilespmem:v27+s30+$0x0] =	vst.idx.add.f32.msk $0xffff, v3  }
0x367: {  	v28 =	vshll.u32 v25, $0x4;
	v25 =	vcvt.f32.s32 v47;
	v26 =	vcvt.f32.s32 v46;
	[tilespmem:v40+s30+$0x0] =	vst.idx.add.f32.msk $0xffff, v3  }
0x368: {  	v33 =	vshll.u32 v31, $0x4;
	v31 =	vshll.u32 v29, $0x4;
	v29 =	vshll.u32 v36, $0x4;
	[tilespmem:v41+s30+$0x0] =	vst.idx.add.f32.msk $0xffff, v3  }
0x369: {  	s4 =	sadd.s32 $0x100, s4;
	v32 =	vshll.u32 v32, $0x4;
	v30 =	vshll.u32 v34, $0x4;
	v27 =	vshll.u32 v37, $0x4;
	[tilespmem:v35+s30+$0x0] =	vst.idx.add.f32.msk $0xffff, v3  }
0x36a: {  	v20 =	vor.u32 v0, v20  }
0x36b: {  	v19 =	vor.u32 v0, v19  }
0x36c: {  	v21 =	vor.u32 v0, v21  }
0x36d: {  	v22 =	vor.u32 v0, v22  }
0x36e: {  	v23 =	vor.u32 v0, v23  }
0x36f: {  	v28 =	vor.u32 v0, v28;
	[tilespmem:v20+s30+$0x0] =	vst.idx.add.f32.msk $0xffff, v3  }
0x370: {  	v27 =	vor.u32 v0, v27;
	[tilespmem:v19+s30+$0x0] =	vst.idx.add.f32.msk $0xffff, v3  }
0x371: {  	v20 =	vor.u32 v0, v33;
	[tilespmem:v21+s30+$0x0] =	vst.idx.add.f32.msk $0xffff, v3  }
0x372: {  	v24 =	vshll.u32 v24, $0x4;
	v19 =	vor.u32 v0, v31;
	[tilespmem:v22+s30+$0x0] =	vst.idx.add.f32.msk $0xffff, v3  }
0x373: {  	v24 =	vor.u32 v0, v24;
	[tilespmem:v23+s30+$0x0] =	vst.idx.add.f32.msk $0xffff, v3  }
0x374: {  	v21 =	vor.u32 v0, v29;
	[tilespmem:v28+s30+$0x0] =	vst.idx.add.f32.msk $0xffff, v3  }
0x375: {  	v22 =	vor.u32 v0, v32;
	[tilespmem:v27+s30+$0x0] =	vst.idx.add.f32.msk $0xffff, v3  }
0x376: {  	v23 =	vor.u32 v0, v30;
	[tilespmem:v20+s30+$0x0] =	vst.idx.add.f32.msk $0xffff, v3;
	v20 =	vshll.u32 v26, $0x4  }
0x377: {  	[tilespmem:v19+s30+$0x0] =	vst.idx.add.f32.msk $0xffff, v3;
	v19 =	vshll.u32 v25, $0x4;
	v20 =	vor.u32 v0, v20  }
0x378: {  	[tilespmem:v24+s30+$0x0] =	vst.idx.add.f32.msk $0xffff, v3;
	v19 =	vor.u32 v0, v19  }
0x379: {  	[tilespmem:v21+s30+$0x0] =	vst.idx.add.f32.msk $0xffff, v3  }
0x37a: {  	[tilespmem:v22+s30+$0x0] =	vst.idx.add.f32.msk $0xffff, v3  }
0x37b: {  	[tilespmem:v23+s30+$0x0] =	vst.idx.add.f32.msk $0xffff, v3  }
0x37c: {  	[tilespmem:v20+s30+$0x0] =	vst.idx.add.f32.msk $0xffff, v3  }
0x37d: {  	[tilespmem:v19+s30+$0x0] =	vst.idx.add.f32.msk $0xffff, v3  }
0x37e: {  	_ =	swait.ge [sflag:s7], $0x4000  }
0x37f: {  	[sflag:s7] =	ssyncset.done $0x0  }
0x380: {  	s3 =	simm.s32 $0xC080;
	[sflag:s7] =	ssyncadd.s32 $0xFFFFC000  }
0x381: {  	v19 =	vld [tilespmem:s3+$0x70]  }
0x382: {  	v20 =	vld [tilespmem:s3+$0xFFFFFF90]  }
0x383: {  	v21 =	vld [tilespmem:s3+$0xFFFFFFA0]  }
0x384: {  	v22 =	vld [tilespmem:s3+$0xFFFFFFB0]  }
0x385: {  	v23 =	vld [tilespmem:s3+$0xFFFFFFC0]  }
0x386: {  	v24 =	vld [tilespmem:s3+$0xFFFFFFD0]  }
0x387: {  	v25 =	vld [tilespmem:s3+$0xFFFFFFE0]  }
0x388: {  	v26 =	vld [tilespmem:s3+$0xFFFFFFF0]  }
0x389: {  	v27 =	vld [tilespmem:s3+$0x0]  }
0x38a: {  	v28 =	vld [tilespmem:s3+$0x10]  }
0x38b: {  	v29 =	vld [tilespmem:s3+$0x20]  }
0x38c: {  	v30 =	vld [tilespmem:s3+$0x30]  }
0x38d: {  	v31 =	vld [tilespmem:s3+$0x40]  }
0x38e: {  	v61 =	vld [tilespmem:s3+$0x50];
	v19 =	vmul.f32 $2.560000000e+02, v19;
	v20 =	vmul.f32 $2.560000000e+02, v20  }
0x38f: {  	v62 =	vld [tilespmem:s3+$0x60];
	v21 =	vmul.f32 $2.560000000e+02, v21;
	v22 =	vmul.f32 $2.560000000e+02, v22  }
0x390: {  	v34 =	vld [tilespmem:s3+$0xFFFFFF80];
	v23 =	vmul.f32 $2.560000000e+02, v23;
	v24 =	vmul.f32 $2.560000000e+02, v24  }
0x391: {  	v25 =	vmul.f32 $2.560000000e+02, v25;
	v26 =	vmul.f32 $2.560000000e+02, v26  }
0x392: {  	v27 =	vmul.f32 $2.560000000e+02, v27;
	v28 =	vmul.f32 $2.560000000e+02, v28  }
0x393: {  	v29 =	vmul.f32 $2.560000000e+02, v29;
	v30 =	vmul.f32 $2.560000000e+02, v30  }
0x394: {  	v31 =	vmul.f32 $2.560000000e+02, v31;
	v32 =	vmul.f32 $2.560000000e+02, v61  }
0x395: {  	v33 =	vmul.f32 $2.560000000e+02, v62;
	v34 =	vmul.f32 $2.560000000e+02, v34  }
0x396: {  	v19 =	vtrunc.f32 v19;
	v20 =	vtrunc.f32 v20  }
0x397: {  	v21 =	vtrunc.f32 v21;
	v22 =	vtrunc.f32 v22  }
0x398: {  	v23 =	vtrunc.f32 v23;
	v24 =	vtrunc.f32 v24  }
0x399: {  	v25 =	vtrunc.f32 v25;
	v26 =	vtrunc.f32 v26  }
0x39a: {  	v27 =	vtrunc.f32 v27;
	v28 =	vtrunc.f32 v28  }
0x39b: {  	v29 =	vtrunc.f32 v29;
	v30 =	vtrunc.f32 v30  }
0x39c: {  	v31 =	vtrunc.f32 v31;
	v32 =	vtrunc.f32 v32  }
0x39d: {  	v33 =	vtrunc.f32 v33;
	v34 =	vtrunc.f32 v34  }
0x39e: {  	v19 =	vcvt.f32.s32 v19;
	v20 =	vcvt.f32.s32 v20  }
0x39f: {  	v34 =	vcvt.f32.s32 v34;
	v21 =	vcvt.f32.s32 v21  }
0x3a0: {  	v22 =	vcvt.f32.s32 v22;
	v23 =	vcvt.f32.s32 v23  }
0x3a1: {  	v63 =	vcvt.f32.s32 v24;
	v36 =	vcvt.f32.s32 v25  }
0x3a2: {  	v37 =	vcvt.f32.s32 v26;
	v27 =	vcvt.f32.s32 v27  }
0x3a3: {  	v38 =	vcvt.f32.s32 v28;
	v39 =	vcvt.f32.s32 v29;
	v19 =	vshll.u32 v19, $0x4  }
0x3a4: {  	v40 =	vcvt.f32.s32 v30;
	v24 =	vcvt.f32.s32 v31;
	v35 =	vor.u32 v0, v19  }
0x3a5: {  	v26 =	vcvt.f32.s32 v32;
	v25 =	vcvt.f32.s32 v33  }
0x3a6: {  	v21 =	vshll.u32 v21, $0x4;
	v22 =	vshll.u32 v22, $0x4;
	v23 =	vshll.u32 v23, $0x4  }
0x3a7: {  	v28 =	vshll.u32 v63, $0x4;
	v33 =	vshll.u32 v36, $0x4;
	v31 =	vshll.u32 v37, $0x4  }
0x3a8: {  	v29 =	vshll.u32 v27, $0x4;
	v32 =	vshll.u32 v38, $0x4;
	v30 =	vshll.u32 v39, $0x4  }
0x3a9: {  	s4 =	simm.s32 $0xC180;
	s3 =	simm.s32 $0x0;
	v27 =	vshll.u32 v40, $0x4;
	v19 =	vshll.u32 v20, $0x4;
	v20 =	vshll.u32 v34, $0x4;
	[tilespmem:v35+s30+$0x0] =	vst.idx.add.f32.msk $0xffff, v3  }
.LBB2_25:
0x3aa: {  	v34 =	vld [tilespmem:s4+$0x70];
	s3 =	sadd.s32 $0x100, s3;
	v24 =	vshll.u32 v24, $0x4;
	v26 =	vshll.u32 v26, $0x4;
	v25 =	vshll.u32 v25, $0x4  }
0x3ab: {  	v20 =	vor.u32 v0, v20;
	v19 =	vor.u32 v0, v19;
	v21 =	vor.u32 v0, v21;
	v35 =	vld [tilespmem:s4+$0xFFFFFF90];
	p0 =	slt.u32 s3, $0x3F00  }
0x3ac: {  	v22 =	vor.u32 v0, v22;
	v23 =	vor.u32 v0, v23;
	v28 =	vor.u32 v0, v28;
	v36 =	vld [tilespmem:s4+$0xFFFFFFA0]  }
0x3ad: {  	v33 =	vor.u32 v0, v33;
	v31 =	vor.u32 v0, v31;
	v29 =	vor.u32 v0, v29;
	v37 =	vld [tilespmem:s4+$0xFFFFFFB0]  }
0x3ae: {  	v32 =	vor.u32 v0, v32;
	v30 =	vor.u32 v0, v30;
	v27 =	vor.u32 v0, v27;
	v38 =	vld [tilespmem:s4+$0xFFFFFFC0]  }
0x3af: {  	v40 =	vor.u32 v0, v24;
	v41 =	vor.u32 v0, v26;
	v39 =	vld [tilespmem:s4+$0xFFFFFFD0];
	v34 =	vmul.f32 $2.560000000e+02, v34  }
0x3b0: {  	v24 =	vmul.f32 $2.560000000e+02, v35;
	v26 =	vld [tilespmem:s4+$0xFFFFFFE0];
	v35 =	vor.u32 v0, v25  }
0x3b1: {  	v25 =	vmul.f32 $2.560000000e+02, v36;
	v36 =	vld [tilespmem:s4+$0xFFFFFFF0];
	v34 =	vtrunc.f32 v34  }
0x3b2: {  	v37 =	vmul.f32 $2.560000000e+02, v37;
	v42 =	vld [tilespmem:s4+$0x0];
	v34 =	vcvt.f32.s32 v34  }
0x3b3: {  	v24 =	vtrunc.f32 v24;
	v38 =	vmul.f32 $2.560000000e+02, v38;
	v43 =	vld [tilespmem:s4+$0x10]  }
0x3b4: {  	v25 =	vtrunc.f32 v25;
	v39 =	vmul.f32 $2.560000000e+02, v39;
	v44 =	vld [tilespmem:s4+$0x20];
	v34 =	vshll.u32 v34, $0x4  }
0x3b5: {  	v37 =	vtrunc.f32 v37;
	v26 =	vmul.f32 $2.560000000e+02, v26;
	v45 =	vld [tilespmem:s4+$0x30];
	v34 =	vor.u32 v0, v34  }
0x3b6: {  	v38 =	vtrunc.f32 v38;
	v36 =	vmul.f32 $2.560000000e+02, v36;
	v46 =	vld [tilespmem:s4+$0x40]  }
0x3b7: {  	v39 =	vtrunc.f32 v39;
	v42 =	vmul.f32 $2.560000000e+02, v42;
	v47 =	vld [tilespmem:s4+$0x50]  }
0x3b8: {  	v26 =	vtrunc.f32 v26;
	v43 =	vmul.f32 $2.560000000e+02, v43;
	v48 =	vld [tilespmem:s4+$0x60]  }
0x3b9: {  	v36 =	vtrunc.f32 v36;
	v49 =	vld [tilespmem:s4+$0xFFFFFF80];
	v44 =	vmul.f32 $2.560000000e+02, v44  }
0x3ba: {  	v42 =	vtrunc.f32 v42;
	v45 =	vmul.f32 $2.560000000e+02, v45;
	[tilespmem:v34+s30+$0x0] =	vst.idx.add.f32.msk $0xffff, v3  }
0x3bb: {  	v34 =	vtrunc.f32 v43;
	v43 =	vmul.f32 $2.560000000e+02, v46;
	[tilespmem:v20+s30+$0x0] =	vst.idx.add.f32.msk $0xffff, v3  }
0x3bc: {  	v44 =	vtrunc.f32 v44;
	v20 =	vmul.f32 $2.560000000e+02, v47;
	[tilespmem:v19+s30+$0x0] =	vst.idx.add.f32.msk $0xffff, v3  }
0x3bd: {  	v45 =	vtrunc.f32 v45;
	v19 =	vmul.f32 $2.560000000e+02, v48;
	[tilespmem:v21+s30+$0x0] =	vst.idx.add.f32.msk $0xffff, v3  }
0x3be: {  	v43 =	vtrunc.f32 v43;
	v21 =	vmul.f32 $2.560000000e+02, v49;
	[tilespmem:v22+s30+$0x0] =	vst.idx.add.f32.msk $0xffff, v3  }
0x3bf: {  	v46 =	vtrunc.f32 v20;
	v47 =	vtrunc.f32 v19;
	[tilespmem:v23+s30+$0x0] =	vst.idx.add.f32.msk $0xffff, v3  }
0x3c0: {  	v20 =	vcvt.f32.s32 v24;
	v19 =	vtrunc.f32 v21;
	[tilespmem:v28+s30+$0x0] =	vst.idx.add.f32.msk $0xffff, v3  }
0x3c1: {  	v22 =	vcvt.f32.s32 v25;
	v21 =	vcvt.f32.s32 v19;
	[tilespmem:v33+s30+$0x0] =	vst.idx.add.f32.msk $0xffff, v3  }
0x3c2: {  	v24 =	vcvt.f32.s32 v38;
	v23 =	vcvt.f32.s32 v37;
	v19 =	vshll.u32 v20, $0x4;
	[tilespmem:v31+s30+$0x0] =	vst.idx.add.f32.msk $0xffff, v3  }
0x3c3: {  	v25 =	vcvt.f32.s32 v39;
	v31 =	vcvt.f32.s32 v26;
	v20 =	vshll.u32 v21, $0x4;
	[tilespmem:v29+s30+$0x0] =	vst.idx.add.f32.msk $0xffff, v3  }
0x3c4: {  	v21 =	vshll.u32 v22, $0x4;
	v29 =	vcvt.f32.s32 v36;
	v36 =	vcvt.f32.s32 v42;
	[tilespmem:v32+s30+$0x0] =	vst.idx.add.f32.msk $0xffff, v3  }
.Ltmp11:
0x3c5: {  	v22 =	vshll.u32 v23, $0x4;
	v32 =	vcvt.f32.s32 v34;
	v34 =	vcvt.f32.s32 v44;
	[tilespmem:v30+s30+$0x0] =	vst.idx.add.f32.msk $0xffff, v3;
	(pc) =	sbr.rel @p0 .LBB2_25-.Ltmp11, $4  }
0x3c6: {  	v37 =	vcvt.f32.s32 v45;
	v23 =	vshll.u32 v24, $0x4;
	v24 =	vcvt.f32.s32 v43;
	[tilespmem:v27+s30+$0x0] =	vst.idx.add.f32.msk $0xffff, v3  }
0x3c7: {  	v28 =	vshll.u32 v25, $0x4;
	v25 =	vcvt.f32.s32 v47;
	v26 =	vcvt.f32.s32 v46;
	[tilespmem:v40+s30+$0x0] =	vst.idx.add.f32.msk $0xffff, v3  }
0x3c8: {  	v33 =	vshll.u32 v31, $0x4;
	v31 =	vshll.u32 v29, $0x4;
	v29 =	vshll.u32 v36, $0x4;
	[tilespmem:v41+s30+$0x0] =	vst.idx.add.f32.msk $0xffff, v3  }
0x3c9: {  	s4 =	sadd.s32 $0x100, s4;
	v32 =	vshll.u32 v32, $0x4;
	v30 =	vshll.u32 v34, $0x4;
	v27 =	vshll.u32 v37, $0x4;
	[tilespmem:v35+s30+$0x0] =	vst.idx.add.f32.msk $0xffff, v3  }
0x3ca: {  	v20 =	vor.u32 v0, v20  }
0x3cb: {  	v19 =	vor.u32 v0, v19  }
0x3cc: {  	v21 =	vor.u32 v0, v21  }
0x3cd: {  	v22 =	vor.u32 v0, v22  }
0x3ce: {  	v23 =	vor.u32 v0, v23  }
0x3cf: {  	v28 =	vor.u32 v0, v28;
	[tilespmem:v20+s30+$0x0] =	vst.idx.add.f32.msk $0xffff, v3  }
0x3d0: {  	v61 =	vor.u32 v0, v29;
	[tilespmem:v19+s30+$0x0] =	vst.idx.add.f32.msk $0xffff, v3  }
0x3d1: {  	v20 =	vor.u32 v0, v33;
	[tilespmem:v21+s30+$0x0] =	vst.idx.add.f32.msk $0xffff, v3  }
0x3d2: {  	v19 =	vor.u32 v0, v31;
	[tilespmem:v22+s30+$0x0] =	vst.idx.add.f32.msk $0xffff, v3  }
0x3d3: {  	v62 =	vor.u32 v0, v32;
	[tilespmem:v23+s30+$0x0] =	vst.idx.add.f32.msk $0xffff, v3  }
0x3d4: {  	v63 =	vor.u32 v0, v30;
	[tilespmem:v28+s30+$0x0] =	vst.idx.add.f32.msk $0xffff, v3  }
0x3d5: {  	v24 =	vshll.u32 v24, $0x4;
	v27 =	vor.u32 v0, v27;
	[tilespmem:v61+s30+$0x0] =	vst.idx.add.f32.msk $0xffff, v3  }
0x3d6: {  	v24 =	vor.u32 v0, v24;
	[tilespmem:v20+s30+$0x0] =	vst.idx.add.f32.msk $0xffff, v3;
	v20 =	vshll.u32 v26, $0x4  }
0x3d7: {  	s15 =	sadd.s32 $0x1, s15;
	[tilespmem:v19+s30+$0x0] =	vst.idx.add.f32.msk $0xffff, v3;
	v19 =	vshll.u32 v25, $0x4;
	v20 =	vor.u32 v0, v20  }
0x3d8: {  	p0 =	sne.s32 s15, $0x10;
	[tilespmem:v62+s30+$0x0] =	vst.idx.add.f32.msk $0xffff, v3;
	v19 =	vor.u32 v0, v19  }
.Ltmp12:
0x3d9: {  	[tilespmem:v63+s30+$0x0] =	vst.idx.add.f32.msk $0xffff, v3;
	(pc) =	sbr.rel @p0 .LBB2_18-.Ltmp12, $4  }
0x3da: {  	[tilespmem:v27+s30+$0x0] =	vst.idx.add.f32.msk $0xffff, v3  }
0x3db: {  	[tilespmem:v24+s30+$0x0] =	vst.idx.add.f32.msk $0xffff, v3  }
0x3dc: {  	[tilespmem:v20+s30+$0x0] =	vst.idx.add.f32.msk $0xffff, v3  }
0x3dd: {  	[tilespmem:v19+s30+$0x0] =	vst.idx.add.f32.msk $0xffff, v3  }
0x3de: {  	s3 =	simm.s32 $0x10080  }
0x3df: {  	v19 =	vld [tilespmem:s3+$0xFFFFFF80];
	_ =	sdelay $0x4  }
0x3e0: {  	[tilespmem:v1+s14+$0x0] =	vst.idx.msk $0xffff, v19  }
0x3e1: {  	v19 =	vld [tilespmem:s3+$0xFFFFFF90];
	_ =	sdelay $0x4  }
0x3e2: {  	[tilespmem:v4+s14+$0x0] =	vst.idx.msk $0xffff, v19  }
0x3e3: {  	v19 =	vld [tilespmem:s3+$0xFFFFFFA0];
	_ =	sdelay $0x4  }
0x3e4: {  	[tilespmem:v5+s14+$0x0] =	vst.idx.msk $0xffff, v19  }
0x3e5: {  	v19 =	vld [tilespmem:s3+$0xFFFFFFB0];
	_ =	sdelay $0x4  }
0x3e6: {  	[tilespmem:v6+s14+$0x0] =	vst.idx.msk $0xffff, v19  }
0x3e7: {  	v19 =	vld [tilespmem:s3+$0xFFFFFFC0];
	_ =	sdelay $0x4  }
0x3e8: {  	[tilespmem:v7+s14+$0x0] =	vst.idx.msk $0xffff, v19  }
0x3e9: {  	v19 =	vld [tilespmem:s3+$0xFFFFFFD0];
	_ =	sdelay $0x4  }
0x3ea: {  	[tilespmem:v8+s14+$0x0] =	vst.idx.msk $0xffff, v19  }
0x3eb: {  	v19 =	vld [tilespmem:s3+$0xFFFFFFE0];
	_ =	sdelay $0x4  }
0x3ec: {  	[tilespmem:v9+s14+$0x0] =	vst.idx.msk $0xffff, v19  }
0x3ed: {  	v19 =	vld [tilespmem:s3+$0xFFFFFFF0];
	_ =	sdelay $0x4  }
0x3ee: {  	[tilespmem:v10+s14+$0x0] =	vst.idx.msk $0xffff, v19  }
0x3ef: {  	v19 =	vld [tilespmem:s3+$0x0];
	_ =	sdelay $0x4  }
0x3f0: {  	[tilespmem:v11+s14+$0x0] =	vst.idx.msk $0xffff, v19  }
0x3f1: {  	v19 =	vld [tilespmem:s3+$0x10];
	_ =	sdelay $0x4  }
0x3f2: {  	[tilespmem:v12+s14+$0x0] =	vst.idx.msk $0xffff, v19  }
0x3f3: {  	v19 =	vld [tilespmem:s3+$0x20];
	_ =	sdelay $0x4  }
0x3f4: {  	[tilespmem:v13+s14+$0x0] =	vst.idx.msk $0xffff, v19  }
0x3f5: {  	v19 =	vld [tilespmem:s3+$0x30];
	_ =	sdelay $0x4  }
0x3f6: {  	[tilespmem:v14+s14+$0x0] =	vst.idx.msk $0xffff, v19  }
0x3f7: {  	v19 =	vld [tilespmem:s3+$0x40];
	_ =	sdelay $0x4  }
0x3f8: {  	[tilespmem:v15+s14+$0x0] =	vst.idx.msk $0xffff, v19  }
0x3f9: {  	v19 =	vld [tilespmem:s3+$0x50];
	_ =	sdelay $0x4  }
0x3fa: {  	[tilespmem:v16+s14+$0x0] =	vst.idx.msk $0xffff, v19  }
0x3fb: {  	v19 =	vld [tilespmem:s3+$0x60];
	_ =	sdelay $0x4  }
0x3fc: {  	[tilespmem:v17+s14+$0x0] =	vst.idx.msk $0xffff, v19  }
0x3fd: {  	v19 =	vld [tilespmem:s3+$0x70];
	_ =	sdelay $0x4  }
0x3fe: {  	[tilespmem:v18+s14+$0x0] =	vst.idx.msk $0xffff, v19  }
0x3ff: {  	v19 =	vld [tilespmem:$0x11100]  }
0x400: {  	v20 =	vld [tilespmem:$0x11110];
	_ =	sdelay $0x1  }
0x401: {  	v21 =	vld [tilespmem:$0x11120];
	_ =	sdelay $0x1  }
0x402: {  	v22 =	vld [tilespmem:$0x11130]  }
0x403: {  	v19 =	vadd.f32 v20, v19  }
0x404: {  	v20 =	vld [tilespmem:$0x11140]  }
0x405: {  	v19 =	vadd.f32 v21, v19  }
0x406: {  	v56 =	vld [tilespmem:$0x11150]  }
0x407: {  	v19 =	vadd.f32 v22, v19  }
0x408: {  	v57 =	vld [tilespmem:$0x11160]  }
0x409: {  	v19 =	vadd.f32 v20, v19  }
0x40a: {  	v20 =	vld [tilespmem:$0x11170]  }
0x40b: {  	v19 =	vadd.f32 v56, v19  }
0x40c: {  	v58 =	vld [tilespmem:$0x11180]  }
0x40d: {  	v19 =	vadd.f32 v57, v19  }
0x40e: {  	v59 =	vld [tilespmem:$0x11190]  }
0x40f: {  	v19 =	vadd.f32 v20, v19  }
0x410: {  	v20 =	vld [tilespmem:$0x111A0]  }
0x411: {  	v19 =	vadd.f32 v58, v19  }
0x412: {  	v60 =	vld [tilespmem:$0x111B0]  }
0x413: {  	v19 =	vadd.f32 v59, v19  }
0x414: {  	v61 =	vld [tilespmem:$0x111C0]  }
0x415: {  	v19 =	vadd.f32 v20, v19  }
0x416: {  	v20 =	vld [tilespmem:$0x111D0]  }
0x417: {  	v19 =	vadd.f32 v60, v19  }
0x418: {  	v62 =	vld [tilespmem:$0x111E0]  }
0x419: {  	v19 =	vadd.f32 v61, v19  }
0x41a: {  	v63 =	vld [tilespmem:$0x111F0]  }
0x41b: {  	v19 =	vadd.f32 v20, v19;
	_ =	sdelay $0x1  }
0x41c: {  	v19 =	vadd.f32 v62, v19;
	_ =	sdelay $0x1  }
0x41d: {  	s15 =	simm.s32 $0x40;
	s4 =	simm.s32 $0x0;
	v19 =	vadd.f32 v63, v19  }
.LBB2_28:
0x41e: {  	p0 =	sne.s32 s15, $0x3C0  }
0x41f: {  	s3 =	sadd.s32 $0x100, s3;
	s16 =	smov.u32 s15;
	s15 =	sadd.s32 $0x40, s15  }
0x420: {  	[tilespmem:s4+$0x11000] =	vst v19  }
0x421: {  	v19 =	vld [tilespmem:s3+$0xFFFFFF80];
	_ =	sdelay $0x4  }
0x422: {  	[tilespmem:v1+s14+$0x0] =	vst.idx.msk $0xffff, v19  }
0x423: {  	v19 =	vld [tilespmem:s3+$0xFFFFFF90];
	_ =	sdelay $0x4  }
0x424: {  	[tilespmem:v4+s14+$0x0] =	vst.idx.msk $0xffff, v19  }
0x425: {  	v19 =	vld [tilespmem:s3+$0xFFFFFFA0];
	_ =	sdelay $0x4  }
0x426: {  	[tilespmem:v5+s14+$0x0] =	vst.idx.msk $0xffff, v19  }
0x427: {  	v19 =	vld [tilespmem:s3+$0xFFFFFFB0];
	_ =	sdelay $0x4  }
0x428: {  	[tilespmem:v6+s14+$0x0] =	vst.idx.msk $0xffff, v19  }
0x429: {  	v19 =	vld [tilespmem:s3+$0xFFFFFFC0];
	_ =	sdelay $0x4  }
0x42a: {  	[tilespmem:v7+s14+$0x0] =	vst.idx.msk $0xffff, v19  }
0x42b: {  	v19 =	vld [tilespmem:s3+$0xFFFFFFD0];
	_ =	sdelay $0x4  }
0x42c: {  	[tilespmem:v8+s14+$0x0] =	vst.idx.msk $0xffff, v19  }
0x42d: {  	v19 =	vld [tilespmem:s3+$0xFFFFFFE0];
	_ =	sdelay $0x4  }
0x42e: {  	[tilespmem:v9+s14+$0x0] =	vst.idx.msk $0xffff, v19  }
0x42f: {  	v19 =	vld [tilespmem:s3+$0xFFFFFFF0];
	_ =	sdelay $0x4  }
0x430: {  	[tilespmem:v10+s14+$0x0] =	vst.idx.msk $0xffff, v19  }
0x431: {  	v19 =	vld [tilespmem:s3+$0x0];
	_ =	sdelay $0x4  }
0x432: {  	[tilespmem:v11+s14+$0x0] =	vst.idx.msk $0xffff, v19  }
0x433: {  	v19 =	vld [tilespmem:s3+$0x10];
	_ =	sdelay $0x4  }
0x434: {  	[tilespmem:v12+s14+$0x0] =	vst.idx.msk $0xffff, v19  }
0x435: {  	v19 =	vld [tilespmem:s3+$0x20];
	_ =	sdelay $0x4  }
0x436: {  	[tilespmem:v13+s14+$0x0] =	vst.idx.msk $0xffff, v19  }
0x437: {  	v19 =	vld [tilespmem:s3+$0x30];
	_ =	sdelay $0x4  }
0x438: {  	[tilespmem:v14+s14+$0x0] =	vst.idx.msk $0xffff, v19  }
0x439: {  	v19 =	vld [tilespmem:s3+$0x40];
	_ =	sdelay $0x4  }
0x43a: {  	[tilespmem:v15+s14+$0x0] =	vst.idx.msk $0xffff, v19  }
0x43b: {  	v19 =	vld [tilespmem:s3+$0x50];
	_ =	sdelay $0x4  }
0x43c: {  	[tilespmem:v16+s14+$0x0] =	vst.idx.msk $0xffff, v19  }
0x43d: {  	v19 =	vld [tilespmem:s3+$0x60];
	_ =	sdelay $0x4  }
0x43e: {  	[tilespmem:v17+s14+$0x0] =	vst.idx.msk $0xffff, v19  }
0x43f: {  	v19 =	vld [tilespmem:s3+$0x70];
	_ =	sdelay $0x4  }
0x440: {  	[tilespmem:v18+s14+$0x0] =	vst.idx.msk $0xffff, v19  }
0x441: {  	v19 =	vld [tilespmem:$0x11100]  }
0x442: {  	v20 =	vld [tilespmem:$0x11110]  }
0x443: {  	v21 =	vld [tilespmem:$0x11120]  }
0x444: {  	v22 =	vld [tilespmem:$0x11130]  }
0x445: {  	v23 =	vld [tilespmem:$0x11140]  }
0x446: {  	v24 =	vld [tilespmem:$0x11150]  }
0x447: {  	v19 =	vadd.f32 v20, v19;
	v20 =	vld [tilespmem:$0x11160]  }
0x448: {  	v25 =	vld [tilespmem:$0x11170]  }
0x449: {  	v19 =	vadd.f32 v21, v19;
	v21 =	vld [tilespmem:$0x11180]  }
0x44a: {  	v26 =	vld [tilespmem:$0x11190]  }
0x44b: {  	v19 =	vadd.f32 v22, v19;
	v22 =	vld [tilespmem:$0x111A0]  }
0x44c: {  	v27 =	vld [tilespmem:$0x111B0]  }
0x44d: {  	v19 =	vadd.f32 v23, v19;
	v23 =	vld [tilespmem:$0x111C0]  }
0x44e: {  	v28 =	vld [tilespmem:$0x111D0]  }
0x44f: {  	v19 =	vadd.f32 v24, v19;
	v24 =	vld [tilespmem:$0x111E0]  }
0x450: {  	v29 =	vld [tilespmem:$0x111F0]  }
0x451: {  	v19 =	vadd.f32 v20, v19;
	_ =	sdelay $0x1  }
0x452: {  	v19 =	vadd.f32 v25, v19;
	_ =	sdelay $0x1  }
0x453: {  	v19 =	vadd.f32 v21, v19;
	_ =	sdelay $0x1  }
0x454: {  	v19 =	vadd.f32 v26, v19;
	_ =	sdelay $0x1  }
0x455: {  	v19 =	vadd.f32 v22, v19;
	_ =	sdelay $0x1  }
0x456: {  	v19 =	vadd.f32 v27, v19;
	_ =	sdelay $0x1  }
0x457: {  	v19 =	vadd.f32 v23, v19;
	_ =	sdelay $0x1  }
.Ltmp13:
0x458: {  	v19 =	vadd.f32 v28, v19;
	(pc) =	sbr.rel @p0 .LBB2_28-.Ltmp13, $3  }
0x459: {  	_ = 	snop  }
0x45a: {  	v19 =	vadd.f32 v24, v19;
	_ =	sdelay $0x1  }
0x45b: {  	s4 =	sshra.s32 s16, $0x2;
	v19 =	vadd.f32 v29, v19  }
0x45c: {  	_ = 	snop  }
0x45d: {  	s3 =	rddreg [dreg:$0xd];
	s16 =	simm.s32 $0x11000;
	s19 =	simm.s32 $0x7;
	[tilespmem:s4+$0x11000] =	vst v19  }
0x45e: {  	[hbm4b:s3+s21] =	stream.strided.scatter [tilespmem:s16], [sflag:$0x7], $0x100, s22, s21, $0x38;
	[tilespmem:$0x19200] =	vst v63  }
0x45f: {  	_ =	swait.ge [sflag:s19], $0x100  }
0x460: {  	s11 =	rddreg [dreg:$0x4]  }
0x461: {  	s20 =	rddreg [dreg:$0xe];
	s11 =	sadd.s32 $0x1, s11  }
0x462: {  	p0 =	sne.s32 s11, s20  }
.Ltmp14:
0x463: {  	_ = 	snop;
	(pc) =	sbr.rel @p0 .LBB2_1-.Ltmp14, $3  }
0x464: {  	_ =	sdelay $0x1  }
0x465: {  	[sflag:s19] =	ssyncset.done $0x0  }
0x466: {  	[sflag:s19] =	ssyncadd.s32 $0xFFFFFF00  }
0x467: {  	_ =	sfence.sel $0x180000  }
0x468: {  	[bflag:$0x0] =	sbarrier.arrive $0xFFFF  }
0x469: {  	_ =	strace $0x90000047  }
0x46a: {  	s0 =	stileid.u32;
	[bflag:$0x2] =	sbarrier.arrive $0xFFFF  }
0x46b: {  	p0 =	sne.s32 s0, $0x0;
	s0 =	rddreg [dreg:$0x3]  }
0x46c: {  	s0 =	sadd.s32 @!p0 $0x100000, s0  }
0x46d: {  	[sflag:s0] =	ssyncadd.tile.s32 @!p0 $0x1;
	_ =	shalt  }
.Lfunc_end2:
_tile_overlayer_lowered:
.L_overlay_start_2:
0x46e: {  	(tag) =	ssettag $0x2  }
0x46f: {  	s0 =	rddreg [dreg:$0x0];
	s2 =	stileid.u32  }
0x470: {  	s1 =	rddreg [dreg:$0x1];
	p0 =	sne.s32 s2, $0x0  }
0x471: {  	s3 =	rddreg [dreg:$0x2];
	[bflag:$0x3] =	sbarrier.arrive $0xFFFF;
	s2 =	simm.s32 @!p0 $0x1C07  }
0x472: {  	[timem:s3], [sflag:s2] =	dma.local @!p0 [hbm:s0], s1  }
0x473: {  	s0 =	simm.s32 @!p0 $0x7  }
0x474: {  	_ =	swait.ge @!p0 [sflag:s0], s1  }
0x475: {  	s1 =	ssub.s32 @!p0 $0x0, s1;
	[sflag:s0] =	ssyncset.done @!p0 $0x0  }
0x476: {  	[sflag:s0] =	ssyncadd.s32 @!p0 s1  }
0x477: {  	[bflag:$0x3] =	sbarrier.arrive $0xFFFF  }
0x478: {  	_ =	shalt  }

</sc_bundles>
